<compile_context>
chip_gen: v7x
topology: tpu7x:2x2x1
jax: 0.10.2.dev20260603
libtpu: 0.0.44.dev20260713+nightly
codegen_flags: <defaults>
</compile_context>

<pallas_src>
import functools

import jax
import jax.numpy as jnp
from jax import lax
from jax.experimental import pallas as pl
from jax.experimental.pallas import tpu as pltpu
from jax.experimental.pallas import tpu_sc as plsc

MARGIN = 0.1


@functools.lru_cache(maxsize=None)
def _sc_gather(T, B, N):
    info = plsc.get_sparse_core_info()
    NC, NS, L = info.num_cores, info.num_subcores, info.num_lanes
    NW = NC * NS
    SR = N // 128
    assert NW >= B and N % 128 == 0 and 128 % L == 0
    assert B % 8 == 0 and B <= L
    NC = 1 if NS >= B else NC
    NW = NC * NS
    mesh = plsc.VectorSubcoreMesh(
        core_axis_name="c", subcore_axis_name="s", num_cores=NC
    )

    @functools.partial(
        pl.kernel,
        mesh=mesh,
        compiler_params=pltpu.CompilerParams(needs_layout_passes=False),
        out_type=jax.ShapeDtypeStruct((B, SR, 128), jnp.float32),
        scratch_types=[
            pltpu.VMEM((T,), jnp.float32),
            pltpu.VMEM((L,), jnp.int32),
            pltpu.VMEM((L,), jnp.int32),
            pltpu.VMEM((N // 128, 128), jnp.int32),
            pltpu.VMEM((SR, 128), jnp.float32),
        ],
    )
    def sc_gather(scores_hbm, nbest_hbm, rank_hbm, out_hbm,
                  scores_v, nb_v, tmp_v, idx_v, g_v):
        wid = lax.axis_index("s") * NC + lax.axis_index("c")

        @pl.when(wid < B)
        def _():
            b = wid
            pltpu.sync_copy(scores_hbm, scores_v)
            pltpu.sync_copy(nbest_hbm, nb_v.at[pl.ds(0, B)])
            pltpu.sync_copy(rank_hbm.at[b // 8, :, b % 8, :], idx_v)
            lane = lax.iota(jnp.int32, L)
            nb = jnp.where((lane < b) & (lane < B), nb_v[...], 0)
            for sh in (8, 4, 2, 1):
                tmp_v[...] = nb
                nb = nb + plsc.load_gather(tmp_v, [lane ^ sh])
            off_b = nb
            for k in range(N // L):
                v = idx_v[(k * L) // 128, pl.ds((k * L) % 128, L)] + off_b
                g_v[(k * L) // 128, pl.ds((k * L) % 128, L)] = (
                    plsc.load_gather(scores_v, [v])
                )
            pltpu.sync_copy(g_v, out_hbm.at[b])

    return sc_gather


@functools.lru_cache(maxsize=None)
def _tc_loss(B, N, interpret=False):
    SR = N // 128
    assert N % 128 == 0

    UB = 4 if B % 4 == 0 else (2 if B % 2 == 0 else 1)

    def body(g_ref, out_ref):
        b = pl.program_id(0)
        total = 0.0
        for u in range(UB):
            gmat = g_ref[u]
            gt = jnp.transpose(gmat)
            acc = jnp.zeros((128, 128), jnp.float32)
            for jt in range(SR):
                rowm = gmat[jt:jt + 1, :] + MARGIN
                for it in range(jt + 1):
                    col = gt[:, it:it + 1]
                    d = jnp.maximum(rowm - col, 0.0)
                    if it == jt:
                        li = lax.broadcasted_iota(jnp.int32, (128, 128), 0)
                        lj = lax.broadcasted_iota(jnp.int32, (128, 128), 1)
                        d = jnp.where(lj > li, d, 0.0)
                    acc = acc + d
            total = total + jnp.sum(acc)

        @pl.when(b == 0)
        def _init():
            out_ref[...] = jnp.zeros((1, 1), jnp.float32)

        out_ref[...] += jnp.reshape(total, (1, 1))

    return pl.pallas_call(
        body,
        grid=(B // UB,),
        in_specs=[pl.BlockSpec((UB, SR, 128), lambda b: (b, 0, 0))],
        out_specs=pl.BlockSpec((1, 1), lambda b: (0, 0)),
        out_shape=jax.ShapeDtypeStruct((1, 1), jnp.float32),
        interpret=interpret,
    )


def kernel(scores, nBestIndex, werRank):
    B, N = werRank.shape
    T = scores.shape[0]
    xt = jnp.transpose(
        werRank.astype(jnp.int32).reshape(B // 8, 8, N // 128, 128),
        (0, 2, 1, 3),
    )
    g = _sc_gather(T, B, N)(scores, nBestIndex.astype(jnp.int32), xt)
    loss = _tc_loss(B, N)(g)
    return loss[0, 0]

# --- scband reference (transcript-rebuilt; emitter-appended) ---
"""Pipeline reference for scband-self-margin-loss-25881472926361 (READ-ONLY COPY).

The authoritative reference and input builder live on the scoring server;
editing this copy changes nothing except your own understanding.
"""

import jax, jax.numpy as jnp
import numpy as np

B = 16
N = 1024
T = 16384
MARGIN = 0.1

def setup_inputs(seed: int = 0):
    key = jax.random.key(seed)
    k1, k2 = jax.random.split(key)
    scores = jax.random.normal(k1, (T,), dtype=jnp.float32)
    nBestIndex = jnp.arange(B, dtype=jnp.int32)
    werRank = jax.random.randint(k2, (B, N), 0, N, dtype=jnp.int32)
    return {"scores": scores, "nBestIndex": nBestIndex, "werRank": werRank}

def _margin_loss(scores, nBestIndex, werRank):
    # exclusive cumsum: start_index for each utterance
    off = jnp.cumsum(nBestIndex) - nBestIndex  # [B]
    # gather per-utterance scores in rank order: scores[start_index + rank]
    gathered = scores[off[:, None] + werRank]  # [B, N]
    # d[b, i, j] = scores[start+rank_j] - scores[start+rank_i] + margin
    d = gathered[:, None, :] - gathered[:, :, None] + MARGIN  # [B, N, N]
    i_idx = jnp.arange(N)[:, None]
    j_idx = jnp.arange(N)[None, :]
    # original loop only compares against later-ranked hypotheses: j > i
    mask = (j_idx > i_idx)[None, :, :]
    # compare[compare > 0].sum(): keep only strictly positive violations
    contrib = jnp.where(mask & (d > 0), d, 0.0)
    return contrib.sum()

def reference(scores, nBestIndex, werRank):
    return _margin_loss(scores, nBestIndex, werRank)

if __name__ == "__main__":
    import jax
    _d = setup_inputs()
    print(jax.jit(kernel)(*tuple(_d.values())))

</pallas_src>

<mosaic_0001>
#map = affine_map<(d0, d1) -> (0)>
#map1 = affine_map<(d0, d1) -> (0, 0, 0, 0)>
#map2 = affine_map<(d0, d1) -> (0, 0, 0)>
module attributes {stable_mosaic.version = 14 : i64} {
  func.func @sc_gather(%arg0: i32, %arg1: i32, %arg2: memref<16384xf32, #tpu.memory_space<hbm>>, %arg3: memref<16xi32, #tpu.memory_space<hbm>>, %arg4: memref<2x8x8x128xi32, #tpu.memory_space<hbm>>, %arg5: memref<16x8x128xf32, #tpu.memory_space<hbm>>, %arg6: memref<16384xf32, #tpu.memory_space<vmem>>, %arg7: memref<16xi32, #tpu.memory_space<vmem>>, %arg8: memref<16xi32, #tpu.memory_space<vmem>>, %arg9: memref<8x128xi32, #tpu.memory_space<vmem>>, %arg10: memref<8x128xf32, #tpu.memory_space<vmem>>) attributes {dimension_semantics = [#tpu.dimension_semantics<core_parallel>, #tpu.dimension_semantics<subcore_parallel>], iteration_bounds = array<i64: 1, 16>, scalar_prefetch = 0 : i64, scratch_operands = 5 : i64, tpu.core_type = #tpu.core_type<sc_vector_subcore>, window_params = [{transform_indices = #map}, {transform_indices = #map}, {transform_indices = #map1}, {transform_indices = #map2}]} {
    %mul3A = arith.constant 1 : i32
    %mul3A_0 = arith.muli %arg1, %mul3A : i32
    %add3A = arith.addi %mul3A_0, %arg0 : i32
    %lt3A = arith.constant 16 : i32
    %lt3A_1 = arith.cmpi slt, %add3A, %lt3A : i32
    %convert_element_type3A = arith.extui %lt3A_1 : i1 to i32
    %cond3A = arith.constant 0 : i32
    %cond3A_2 = arith.cmpi ne, %convert_element_type3A, %cond3A : i32
    scf.if %cond3A_2 {
      "tpu.region"() ({
        %run_scoped3A = tpu.sem_alloc : memref<!tpu.dma_semaphore, #tpu.memory_space<semaphore_mem>>
        tpu.enqueue_dma source(%arg2 : memref<16384xf32, #tpu.memory_space<hbm>>) target(%arg6 : memref<16384xf32, #tpu.memory_space<vmem>>) target_semaphore(%run_scoped3A : memref<!tpu.dma_semaphore, #tpu.memory_space<semaphore_mem>>)
        tpu.wait_dma2 semaphore(%run_scoped3A : memref<!tpu.dma_semaphore, #tpu.memory_space<semaphore_mem>>) src(%arg2 : memref<16384xf32, #tpu.memory_space<hbm>>) dst(%arg6 : memref<16384xf32, #tpu.memory_space<vmem>>)
        tpu.yield
      }) : () -> ()
      "tpu.region"() ({
        %run_scoped3A = tpu.sem_alloc : memref<!tpu.dma_semaphore, #tpu.memory_space<semaphore_mem>>
        %dma_start3A = arith.constant 0 : i32
        %dma_start3A_708 = tpu.memref_slice %arg7[%dma_start3A] : memref<16xi32, #tpu.memory_space<vmem>> -> memref<16xi32, #tpu.memory_space<vmem>>
        %dma_start3A_709 = arith.constant 0 : i32
        %dma_start3A_710 = tpu.memref_slice %arg7[%dma_start3A_709] : memref<16xi32, #tpu.memory_space<vmem>> -> memref<16xi32, #tpu.memory_space<vmem>>
        tpu.enqueue_dma source(%arg3 : memref<16xi32, #tpu.memory_space<hbm>>) target(%dma_start3A_710 : memref<16xi32, #tpu.memory_space<vmem>>) target_semaphore(%run_scoped3A : memref<!tpu.dma_semaphore, #tpu.memory_space<semaphore_mem>>)
        %dma_wait3A = arith.constant 0 : i32
        %dma_wait3A_711 = tpu.memref_slice %arg7[%dma_wait3A] : memref<16xi32, #tpu.memory_space<vmem>> -> memref<16xi32, #tpu.memory_space<vmem>>
        %dma_wait3A_712 = arith.constant 0 : i32
        %dma_wait3A_713 = tpu.memref_slice %arg7[%dma_wait3A_712] : memref<16xi32, #tpu.memory_space<vmem>> -> memref<16xi32, #tpu.memory_space<vmem>>
        tpu.wait_dma2 semaphore(%run_scoped3A : memref<!tpu.dma_semaphore, #tpu.memory_space<semaphore_mem>>) src(%arg3 : memref<16xi32, #tpu.memory_space<hbm>>) dst(%dma_wait3A_713 : memref<16xi32, #tpu.memory_space<vmem>>)
        tpu.yield
      }) : () -> ()
      %jit3A = arith.constant 8 : i32
      %div3A = arith.divsi %add3A, %jit3A : i32
      %sign3A = arith.constant 0 : i32
      %sign3A_3 = arith.cmpi sgt, %add3A, %sign3A : i32
      %sign3A_4 = arith.extui %sign3A_3 : i1 to i32
      %sign3A_5 = arith.constant 0 : i32
      %sign3A_6 = arith.cmpi slt, %add3A, %sign3A_5 : i32
      %sign3A_7 = arith.extui %sign3A_6 : i1 to i32
      %sign3A_8 = arith.subi %sign3A_4, %sign3A_7 : i32
      %sign3A_9 = arith.constant 0 : i32
      %sign3A_10 = arith.cmpi sgt, %jit3A, %sign3A_9 : i32
      %sign3A_11 = arith.extui %sign3A_10 : i1 to i32
      %sign3A_12 = arith.constant 0 : i32
      %sign3A_13 = arith.cmpi slt, %jit3A, %sign3A_12 : i32
      %sign3A_14 = arith.extui %sign3A_13 : i1 to i32
      %sign3A_15 = arith.subi %sign3A_11, %sign3A_14 : i32
      %ne3A = arith.cmpi ne, %sign3A_8, %sign3A_15 : i32
      %rem3A = arith.remsi %add3A, %jit3A : i32
      %ne3A_16 = arith.constant 0 : i32
      %ne3A_17 = arith.cmpi ne, %rem3A, %ne3A_16 : i32
      %and3A = arith.andi %ne3A, %ne3A_17 : i1
      %sub3A = arith.constant 1 : i32
      %sub3A_18 = arith.subi %div3A, %sub3A : i32
      %select_n3A = arith.select %and3A, %sub3A_18, %div3A : i32
      %jit3A_19 = arith.constant 8 : i32
      %eq3A = arith.constant 0 : i32
      %eq3A_20 = arith.cmpi eq, %jit3A_19, %eq3A : i32
      %jit3A_21 = arith.constant 1 : i32
      %select_n3A_22 = arith.select %eq3A_20, %jit3A_21, %jit3A_19 : i32
      %rem3A_23 = arith.remsi %add3A, %select_n3A_22 : i32
      %ne3A_24 = arith.constant 0 : i32
      %ne3A_25 = arith.cmpi ne, %rem3A_23, %ne3A_24 : i32
      %lt3A_26 = arith.constant 0 : i32
      %lt3A_27 = arith.cmpi slt, %rem3A_23, %lt3A_26 : i32
      %lt3A_28 = arith.constant 0 : i32
      %lt3A_29 = arith.cmpi slt, %select_n3A_22, %lt3A_28 : i32
      %ne3A_30 = arith.xori %lt3A_27, %lt3A_29 : i1
      %and3A_31 = arith.andi %ne3A_30, %ne3A_25 : i1
      %add3A_32 = arith.addi %rem3A_23, %select_n3A_22 : i32
      %select_n3A_33 = arith.select %and3A_31, %add3A_32, %rem3A_23 : i32
      "tpu.region"() ({
        %run_scoped3A = tpu.sem_alloc : memref<!tpu.dma_semaphore, #tpu.memory_space<semaphore_mem>>
        %dma_start3A = arith.constant 0 : i32
        %dma_start3A_708 = arith.constant 0 : i32
        %dma_start3A_709 = tpu.memref_slice %arg4[%select_n3A, %dma_start3A, %select_n3A_33, %dma_start3A_708] : memref<2x8x8x128xi32, #tpu.memory_space<hbm>> -> memref<1x8x1x128xi32, #tpu.memory_space<hbm>>
        %dma_start3A_710 = tpu.memref_squeeze %dma_start3A_709 : memref<1x8x1x128xi32, #tpu.memory_space<hbm>> -> memref<8x128xi32, #tpu.memory_space<hbm>>
        %dma_start3A_711 = arith.constant 0 : i32
        %dma_start3A_712 = arith.constant 0 : i32
        %dma_start3A_713 = tpu.memref_slice %arg4[%select_n3A, %dma_start3A_711, %select_n3A_33, %dma_start3A_712] : memref<2x8x8x128xi32, #tpu.memory_space<hbm>> -> memref<1x8x1x128xi32, #tpu.memory_space<hbm>>
        %dma_start3A_714 = tpu.memref_squeeze %dma_start3A_713 : memref<1x8x1x128xi32, #tpu.memory_space<hbm>> -> memref<8x128xi32, #tpu.memory_space<hbm>>
        tpu.enqueue_dma source(%dma_start3A_714 : memref<8x128xi32, #tpu.memory_space<hbm>>) target(%arg9 : memref<8x128xi32, #tpu.memory_space<vmem>>) target_semaphore(%run_scoped3A : memref<!tpu.dma_semaphore, #tpu.memory_space<semaphore_mem>>)
        %dma_wait3A = arith.constant 0 : i32
        %dma_wait3A_715 = arith.constant 0 : i32
        %dma_wait3A_716 = tpu.memref_slice %arg4[%select_n3A, %dma_wait3A, %select_n3A_33, %dma_wait3A_715] : memref<2x8x8x128xi32, #tpu.memory_space<hbm>> -> memref<1x8x1x128xi32, #tpu.memory_space<hbm>>
        %dma_wait3A_717 = tpu.memref_squeeze %dma_wait3A_716 : memref<1x8x1x128xi32, #tpu.memory_space<hbm>> -> memref<8x128xi32, #tpu.memory_space<hbm>>
        %dma_wait3A_718 = arith.constant 0 : i32
        %dma_wait3A_719 = arith.constant 0 : i32
        %dma_wait3A_720 = tpu.memref_slice %arg4[%select_n3A, %dma_wait3A_718, %select_n3A_33, %dma_wait3A_719] : memref<2x8x8x128xi32, #tpu.memory_space<hbm>> -> memref<1x8x1x128xi32, #tpu.memory_space<hbm>>
        %dma_wait3A_721 = tpu.memref_squeeze %dma_wait3A_720 : memref<1x8x1x128xi32, #tpu.memory_space<hbm>> -> memref<8x128xi32, #tpu.memory_space<hbm>>
        tpu.wait_dma2 semaphore(%run_scoped3A : memref<!tpu.dma_semaphore, #tpu.memory_space<semaphore_mem>>) src(%dma_wait3A_721 : memref<8x128xi32, #tpu.memory_space<hbm>>) dst(%arg9 : memref<8x128xi32, #tpu.memory_space<vmem>>)
        tpu.yield
      }) : () -> ()
      %iota3A = tpu.iota {dimensions = array<i32: 0>} : vector<16xi32>
      %lt3A_34 = vector.broadcast %add3A : i32 to vector<16xi32>
      %lt3A_35 = arith.cmpi slt, %iota3A, %lt3A_34 : vector<16xi32>
      %lt3A_36 = arith.constant 16 : i32
      %lt3A_37 = vector.broadcast %lt3A_36 : i32 to vector<16xi32>
      %lt3A_38 = arith.cmpi slt, %iota3A, %lt3A_37 : vector<16xi32>
      %and3A_39 = arith.andi %lt3A_35, %lt3A_38 : vector<16xi1>
      %get3A = arith.constant 0 : index
      %get3A_40 = tpu.vector_load %arg7[%get3A] {strides = array<i32>} : memref<16xi32, #tpu.memory_space<vmem>>, vector<16xi32>,
      %jit3A_41 = arith.constant 0 : i32
      %broadcast_in_dim3A = vector.broadcast %jit3A_41 : i32 to vector<16xi32>
      %select_n3A_42 = arith.select %and3A_39, %get3A_40, %broadcast_in_dim3A : vector<16xi1>, vector<16xi32>
      %swap3A = arith.constant 0 : index
      %swap3A_43 = tpu.vector_load %arg8[%swap3A] {strides = array<i32>} : memref<16xi32, #tpu.memory_space<vmem>>, vector<16xi32>,
      tpu.vector_store %arg8[%swap3A], %select_n3A_42 {strides = array<i32>} : memref<16xi32, #tpu.memory_space<vmem>>, vector<16xi32>,
      %xor3A = arith.constant 8 : i32
      %xor3A_44 = vector.broadcast %xor3A : i32 to vector<16xi32>
      %xor3A_45 = arith.xori %iota3A, %xor3A_44 : vector<16xi32>
      %gather3A = tpu.vector_load_idx %arg8[%xor3A_45] : memref<16xi32, #tpu.memory_space<vmem>>[vector<16xi32>], vector<16xi32>,
      %add3A_46 = arith.addi %select_n3A_42, %gather3A : vector<16xi32>
      %swap3A_47 = arith.constant 0 : index
      %swap3A_48 = tpu.vector_load %arg8[%swap3A_47] {strides = array<i32>} : memref<16xi32, #tpu.memory_space<vmem>>, vector<16xi32>,
      tpu.vector_store %arg8[%swap3A_47], %add3A_46 {strides = array<i32>} : memref<16xi32, #tpu.memory_space<vmem>>, vector<16xi32>,
      %xor3A_49 = arith.constant 4 : i32
      %xor3A_50 = vector.broadcast %xor3A_49 : i32 to vector<16xi32>
      %xor3A_51 = arith.xori %iota3A, %xor3A_50 : vector<16xi32>
      %gather3A_52 = tpu.vector_load_idx %arg8[%xor3A_51] : memref<16xi32, #tpu.memory_space<vmem>>[vector<16xi32>], vector<16xi32>,
      %add3A_53 = arith.addi %add3A_46, %gather3A_52 : vector<16xi32>
      %swap3A_54 = arith.constant 0 : index
      %swap3A_55 = tpu.vector_load %arg8[%swap3A_54] {strides = array<i32>} : memref<16xi32, #tpu.memory_space<vmem>>, vector<16xi32>,
      tpu.vector_store %arg8[%swap3A_54], %add3A_53 {strides = array<i32>} : memref<16xi32, #tpu.memory_space<vmem>>, vector<16xi32>,
      %xor3A_56 = arith.constant 2 : i32
      %xor3A_57 = vector.broadcast %xor3A_56 : i32 to vector<16xi32>
      %xor3A_58 = arith.xori %iota3A, %xor3A_57 : vector<16xi32>
      %gather3A_59 = tpu.vector_load_idx %arg8[%xor3A_58] : memref<16xi32, #tpu.memory_space<vmem>>[vector<16xi32>], vector<16xi32>,
      %add3A_60 = arith.addi %add3A_53, %gather3A_59 : vector<16xi32>
      %swap3A_61 = arith.constant 0 : index
      %swap3A_62 = tpu.vector_load %arg8[%swap3A_61] {strides = array<i32>} : memref<16xi32, #tpu.memory_space<vmem>>, vector<16xi32>,
      tpu.vector_store %arg8[%swap3A_61], %add3A_60 {strides = array<i32>} : memref<16xi32, #tpu.memory_space<vmem>>, vector<16xi32>,
      %xor3A_63 = arith.constant 1 : i32
      %xor3A_64 = vector.broadcast %xor3A_63 : i32 to vector<16xi32>
      %xor3A_65 = arith.xori %iota3A, %xor3A_64 : vector<16xi32>
      %gather3A_66 = tpu.vector_load_idx %arg8[%xor3A_65] : memref<16xi32, #tpu.memory_space<vmem>>[vector<16xi32>], vector<16xi32>,
      %add3A_67 = arith.addi %add3A_60, %gather3A_66 : vector<16xi32>
      %get3A_68 = arith.constant 0 : i32
      %get3A_69 = arith.index_cast %get3A_68 : i32 to index
      %get3A_70 = arith.constant 0 : index
      %get3A_71 = tpu.vector_load %arg9[%get3A_69, %get3A_70] {strides = array<i32>} : memref<8x128xi32, #tpu.memory_space<vmem>>, vector<16xi32>,
      %add3A_72 = arith.addi %get3A_71, %add3A_67 : vector<16xi32>
      %gather3A_73 = tpu.vector_load_idx %arg6[%add3A_72] : memref<16384xf32, #tpu.memory_space<vmem>>[vector<16xi32>], vector<16xf32>,
      %swap3A_74 = arith.constant 0 : i32
      %swap3A_75 = arith.index_cast %swap3A_74 : i32 to index
      %swap3A_76 = arith.constant 0 : index
      %swap3A_77 = tpu.vector_load %arg10[%swap3A_75, %swap3A_76] {strides = array<i32>} : memref<8x128xf32, #tpu.memory_space<vmem>>, vector<16xf32>,
      tpu.vector_store %arg10[%swap3A_75, %swap3A_76], %gather3A_73 {strides = array<i32>} : memref<8x128xf32, #tpu.memory_space<vmem>>, vector<16xf32>,
      %get3A_78 = arith.constant 0 : i32
      %get3A_79 = arith.index_cast %get3A_78 : i32 to index
      %get3A_80 = arith.constant 16 : index
      %get3A_81 = tpu.vector_load %arg9[%get3A_79, %get3A_80] {strides = array<i32>} : memref<8x128xi32, #tpu.memory_space<vmem>>, vector<16xi32>,
      %add3A_82 = arith.addi %get3A_81, %add3A_67 : vector<16xi32>
      %gather3A_83 = tpu.vector_load_idx %arg6[%add3A_82] : memref<16384xf32, #tpu.memory_space<vmem>>[vector<16xi32>], vector<16xf32>,
      %swap3A_84 = arith.constant 0 : i32
      %swap3A_85 = arith.index_cast %swap3A_84 : i32 to index
      %swap3A_86 = arith.constant 16 : index
      %swap3A_87 = tpu.vector_load %arg10[%swap3A_85, %swap3A_86] {strides = array<i32>} : memref<8x128xf32, #tpu.memory_space<vmem>>, vector<16xf32>,
      tpu.vector_store %arg10[%swap3A_85, %swap3A_86], %gather3A_83 {strides = array<i32>} : memref<8x128xf32, #tpu.memory_space<vmem>>, vector<16xf32>,
      %get3A_88 = arith.constant 0 : i32
      %get3A_89 = arith.index_cast %get3A_88 : i32 to index
      %get3A_90 = arith.constant 32 : index
      %get3A_91 = tpu.vector_load %arg9[%get3A_89, %get3A_90] {strides = array<i32>} : memref<8x128xi32, #tpu.memory_space<vmem>>, vector<16xi32>,
      %add3A_92 = arith.addi %get3A_91, %add3A_67 : vector<16xi32>
      %gather3A_93 = tpu.vector_load_idx %arg6[%add3A_92] : memref<16384xf32, #tpu.memory_space<vmem>>[vector<16xi32>], vector<16xf32>,
      %swap3A_94 = arith.constant 0 : i32
      %swap3A_95 = arith.index_cast %swap3A_94 : i32 to index
      %swap3A_96 = arith.constant 32 : index
      %swap3A_97 = tpu.vector_load %arg10[%swap3A_95, %swap3A_96] {strides = array<i32>} : memref<8x128xf32, #tpu.memory_space<vmem>>, vector<16xf32>,
      tpu.vector_store %arg10[%swap3A_95, %swap3A_96], %gather3A_93 {strides = array<i32>} : memref<8x128xf32, #tpu.memory_space<vmem>>, vector<16xf32>,
      %get3A_98 = arith.constant 0 : i32
      %get3A_99 = arith.index_cast %get3A_98 : i32 to index
      %get3A_100 = arith.constant 48 : index
      %get3A_101 = tpu.vector_load %arg9[%get3A_99, %get3A_100] {strides = array<i32>} : memref<8x128xi32, #tpu.memory_space<vmem>>, vector<16xi32>,
      %add3A_102 = arith.addi %get3A_101, %add3A_67 : vector<16xi32>
      %gather3A_103 = tpu.vector_load_idx %arg6[%add3A_102] : memref<16384xf32, #tpu.memory_space<vmem>>[vector<16xi32>], vector<16xf32>,
      %swap3A_104 = arith.constant 0 : i32
      %swap3A_105 = arith.index_cast %swap3A_104 : i32 to index
      %swap3A_106 = arith.constant 48 : index
      %swap3A_107 = tpu.vector_load %arg10[%swap3A_105, %swap3A_106] {strides = array<i32>} : memref<8x128xf32, #tpu.memory_space<vmem>>, vector<16xf32>,
      tpu.vector_store %arg10[%swap3A_105, %swap3A_106], %gather3A_103 {strides = array<i32>} : memref<8x128xf32, #tpu.memory_space<vmem>>, vector<16xf32>,
      %get3A_108 = arith.constant 0 : i32
      %get3A_109 = arith.index_cast %get3A_108 : i32 to index
      %get3A_110 = arith.constant 64 : index
      %get3A_111 = tpu.vector_load %arg9[%get3A_109, %get3A_110] {strides = array<i32>} : memref<8x128xi32, #tpu.memory_space<vmem>>, vector<16xi32>,
      %add3A_112 = arith.addi %get3A_111, %add3A_67 : vector<16xi32>
      %gather3A_113 = tpu.vector_load_idx %arg6[%add3A_112] : memref<16384xf32, #tpu.memory_space<vmem>>[vector<16xi32>], vector<16xf32>,
      %swap3A_114 = arith.constant 0 : i32
      %swap3A_115 = arith.index_cast %swap3A_114 : i32 to index
      %swap3A_116 = arith.constant 64 : index
      %swap3A_117 = tpu.vector_load %arg10[%swap3A_115, %swap3A_116] {strides = array<i32>} : memref<8x128xf32, #tpu.memory_space<vmem>>, vector<16xf32>,
      tpu.vector_store %arg10[%swap3A_115, %swap3A_116], %gather3A_113 {strides = array<i32>} : memref<8x128xf32, #tpu.memory_space<vmem>>, vector<16xf32>,
      %get3A_118 = arith.constant 0 : i32
      %get3A_119 = arith.index_cast %get3A_118 : i32 to index
      %get3A_120 = arith.constant 80 : index
      %get3A_121 = tpu.vector_load %arg9[%get3A_119, %get3A_120] {strides = array<i32>} : memref<8x128xi32, #tpu.memory_space<vmem>>, vector<16xi32>,
      %add3A_122 = arith.addi %get3A_121, %add3A_67 : vector<16xi32>
      %gather3A_123 = tpu.vector_load_idx %arg6[%add3A_122] : memref<16384xf32, #tpu.memory_space<vmem>>[vector<16xi32>], vector<16xf32>,
      %swap3A_124 = arith.constant 0 : i32
      %swap3A_125 = arith.index_cast %swap3A_124 : i32 to index
      %swap3A_126 = arith.constant 80 : index
      %swap3A_127 = tpu.vector_load %arg10[%swap3A_125, %swap3A_126] {strides = array<i32>} : memref<8x128xf32, #tpu.memory_space<vmem>>, vector<16xf32>,
      tpu.vector_store %arg10[%swap3A_125, %swap3A_126], %gather3A_123 {strides = array<i32>} : memref<8x128xf32, #tpu.memory_space<vmem>>, vector<16xf32>,
      %get3A_128 = arith.constant 0 : i32
      %get3A_129 = arith.index_cast %get3A_128 : i32 to index
      %get3A_130 = arith.constant 96 : index
      %get3A_131 = tpu.vector_load %arg9[%get3A_129, %get3A_130] {strides = array<i32>} : memref<8x128xi32, #tpu.memory_space<vmem>>, vector<16xi32>,
      %add3A_132 = arith.addi %get3A_131, %add3A_67 : vector<16xi32>
      %gather3A_133 = tpu.vector_load_idx %arg6[%add3A_132] : memref<16384xf32, #tpu.memory_space<vmem>>[vector<16xi32>], vector<16xf32>,
      %swap3A_134 = arith.constant 0 : i32
      %swap3A_135 = arith.index_cast %swap3A_134 : i32 to index
      %swap3A_136 = arith.constant 96 : index
      %swap3A_137 = tpu.vector_load %arg10[%swap3A_135, %swap3A_136] {strides = array<i32>} : memref<8x128xf32, #tpu.memory_space<vmem>>, vector<16xf32>,
      tpu.vector_store %arg10[%swap3A_135, %swap3A_136], %gather3A_133 {strides = array<i32>} : memref<8x128xf32, #tpu.memory_space<vmem>>, vector<16xf32>,
      %get3A_138 = arith.constant 0 : i32
      %get3A_139 = arith.index_cast %get3A_138 : i32 to index
      %get3A_140 = arith.constant 112 : index
      %get3A_141 = tpu.vector_load %arg9[%get3A_139, %get3A_140] {strides = array<i32>} : memref<8x128xi32, #tpu.memory_space<vmem>>, vector<16xi32>,
      %add3A_142 = arith.addi %get3A_141, %add3A_67 : vector<16xi32>
      %gather3A_143 = tpu.vector_load_idx %arg6[%add3A_142] : memref<16384xf32, #tpu.memory_space<vmem>>[vector<16xi32>], vector<16xf32>,
      %swap3A_144 = arith.constant 0 : i32
      %swap3A_145 = arith.index_cast %swap3A_144 : i32 to index
      %swap3A_146 = arith.constant 112 : index
      %swap3A_147 = tpu.vector_load %arg10[%swap3A_145, %swap3A_146] {strides = array<i32>} : memref<8x128xf32, #tpu.memory_space<vmem>>, vector<16xf32>,
      tpu.vector_store %arg10[%swap3A_145, %swap3A_146], %gather3A_143 {strides = array<i32>} : memref<8x128xf32, #tpu.memory_space<vmem>>, vector<16xf32>,
      %get3A_148 = arith.constant 1 : i32
      %get3A_149 = arith.index_cast %get3A_148 : i32 to index
      %get3A_150 = arith.constant 0 : index
      %get3A_151 = tpu.vector_load %arg9[%get3A_149, %get3A_150] {strides = array<i32>} : memref<8x128xi32, #tpu.memory_space<vmem>>, vector<16xi32>,
      %add3A_152 = arith.addi %get3A_151, %add3A_67 : vector<16xi32>
      %gather3A_153 = tpu.vector_load_idx %arg6[%add3A_152] : memref<16384xf32, #tpu.memory_space<vmem>>[vector<16xi32>], vector<16xf32>,
      %swap3A_154 = arith.constant 1 : i32
      %swap3A_155 = arith.index_cast %swap3A_154 : i32 to index
      %swap3A_156 = arith.constant 0 : index
      %swap3A_157 = tpu.vector_load %arg10[%swap3A_155, %swap3A_156] {strides = array<i32>} : memref<8x128xf32, #tpu.memory_space<vmem>>, vector<16xf32>,
      tpu.vector_store %arg10[%swap3A_155, %swap3A_156], %gather3A_153 {strides = array<i32>} : memref<8x128xf32, #tpu.memory_space<vmem>>, vector<16xf32>,
      %get3A_158 = arith.constant 1 : i32
      %get3A_159 = arith.index_cast %get3A_158 : i32 to index
      %get3A_160 = arith.constant 16 : index
      %get3A_161 = tpu.vector_load %arg9[%get3A_159, %get3A_160] {strides = array<i32>} : memref<8x128xi32, #tpu.memory_space<vmem>>, vector<16xi32>,
      %add3A_162 = arith.addi %get3A_161, %add3A_67 : vector<16xi32>
      %gather3A_163 = tpu.vector_load_idx %arg6[%add3A_162] : memref<16384xf32, #tpu.memory_space<vmem>>[vector<16xi32>], vector<16xf32>,
      %swap3A_164 = arith.constant 1 : i32
      %swap3A_165 = arith.index_cast %swap3A_164 : i32 to index
      %swap3A_166 = arith.constant 16 : index
      %swap3A_167 = tpu.vector_load %arg10[%swap3A_165, %swap3A_166] {strides = array<i32>} : memref<8x128xf32, #tpu.memory_space<vmem>>, vector<16xf32>,
      tpu.vector_store %arg10[%swap3A_165, %swap3A_166], %gather3A_163 {strides = array<i32>} : memref<8x128xf32, #tpu.memory_space<vmem>>, vector<16xf32>,
      %get3A_168 = arith.constant 1 : i32
      %get3A_169 = arith.index_cast %get3A_168 : i32 to index
      %get3A_170 = arith.constant 32 : index
      %get3A_171 = tpu.vector_load %arg9[%get3A_169, %get3A_170] {strides = array<i32>} : memref<8x128xi32, #tpu.memory_space<vmem>>, vector<16xi32>,
      %add3A_172 = arith.addi %get3A_171, %add3A_67 : vector<16xi32>
      %gather3A_173 = tpu.vector_load_idx %arg6[%add3A_172] : memref<16384xf32, #tpu.memory_space<vmem>>[vector<16xi32>], vector<16xf32>,
      %swap3A_174 = arith.constant 1 : i32
      %swap3A_175 = arith.index_cast %swap3A_174 : i32 to index
      %swap3A_176 = arith.constant 32 : index
      %swap3A_177 = tpu.vector_load %arg10[%swap3A_175, %swap3A_176] {strides = array<i32>} : memref<8x128xf32, #tpu.memory_space<vmem>>, vector<16xf32>,
      tpu.vector_store %arg10[%swap3A_175, %swap3A_176], %gather3A_173 {strides = array<i32>} : memref<8x128xf32, #tpu.memory_space<vmem>>, vector<16xf32>,
      %get3A_178 = arith.constant 1 : i32
      %get3A_179 = arith.index_cast %get3A_178 : i32 to index
      %get3A_180 = arith.constant 48 : index
      %get3A_181 = tpu.vector_load %arg9[%get3A_179, %get3A_180] {strides = array<i32>} : memref<8x128xi32, #tpu.memory_space<vmem>>, vector<16xi32>,
      %add3A_182 = arith.addi %get3A_181, %add3A_67 : vector<16xi32>
      %gather3A_183 = tpu.vector_load_idx %arg6[%add3A_182] : memref<16384xf32, #tpu.memory_space<vmem>>[vector<16xi32>], vector<16xf32>,
      %swap3A_184 = arith.constant 1 : i32
      %swap3A_185 = arith.index_cast %swap3A_184 : i32 to index
      %swap3A_186 = arith.constant 48 : index
      %swap3A_187 = tpu.vector_load %arg10[%swap3A_185, %swap3A_186] {strides = array<i32>} : memref<8x128xf32, #tpu.memory_space<vmem>>, vector<16xf32>,
      tpu.vector_store %arg10[%swap3A_185, %swap3A_186], %gather3A_183 {strides = array<i32>} : memref<8x128xf32, #tpu.memory_space<vmem>>, vector<16xf32>,
      %get3A_188 = arith.constant 1 : i32
      %get3A_189 = arith.index_cast %get3A_188 : i32 to index
      %get3A_190 = arith.constant 64 : index
      %get3A_191 = tpu.vector_load %arg9[%get3A_189, %get3A_190] {strides = array<i32>} : memref<8x128xi32, #tpu.memory_space<vmem>>, vector<16xi32>,
      %add3A_192 = arith.addi %get3A_191, %add3A_67 : vector<16xi32>
      %gather3A_193 = tpu.vector_load_idx %arg6[%add3A_192] : memref<16384xf32, #tpu.memory_space<vmem>>[vector<16xi32>], vector<16xf32>,
      %swap3A_194 = arith.constant 1 : i32
      %swap3A_195 = arith.index_cast %swap3A_194 : i32 to index
      %swap3A_196 = arith.constant 64 : index
      %swap3A_197 = tpu.vector_load %arg10[%swap3A_195, %swap3A_196] {strides = array<i32>} : memref<8x128xf32, #tpu.memory_space<vmem>>, vector<16xf32>,
      tpu.vector_store %arg10[%swap3A_195, %swap3A_196], %gather3A_193 {strides = array<i32>} : memref<8x128xf32, #tpu.memory_space<vmem>>, vector<16xf32>,
      %get3A_198 = arith.constant 1 : i32
      %get3A_199 = arith.index_cast %get3A_198 : i32 to index
      %get3A_200 = arith.constant 80 : index
      %get3A_201 = tpu.vector_load %arg9[%get3A_199, %get3A_200] {strides = array<i32>} : memref<8x128xi32, #tpu.memory_space<vmem>>, vector<16xi32>,
      %add3A_202 = arith.addi %get3A_201, %add3A_67 : vector<16xi32>
      %gather3A_203 = tpu.vector_load_idx %arg6[%add3A_202] : memref<16384xf32, #tpu.memory_space<vmem>>[vector<16xi32>], vector<16xf32>,
      %swap3A_204 = arith.constant 1 : i32
      %swap3A_205 = arith.index_cast %swap3A_204 : i32 to index
      %swap3A_206 = arith.constant 80 : index
      %swap3A_207 = tpu.vector_load %arg10[%swap3A_205, %swap3A_206] {strides = array<i32>} : memref<8x128xf32, #tpu.memory_space<vmem>>, vector<16xf32>,
      tpu.vector_store %arg10[%swap3A_205, %swap3A_206], %gather3A_203 {strides = array<i32>} : memref<8x128xf32, #tpu.memory_space<vmem>>, vector<16xf32>,
      %get3A_208 = arith.constant 1 : i32
      %get3A_209 = arith.index_cast %get3A_208 : i32 to index
      %get3A_210 = arith.constant 96 : index
      %get3A_211 = tpu.vector_load %arg9[%get3A_209, %get3A_210] {strides = array<i32>} : memref<8x128xi32, #tpu.memory_space<vmem>>, vector<16xi32>,
      %add3A_212 = arith.addi %get3A_211, %add3A_67 : vector<16xi32>
      %gather3A_213 = tpu.vector_load_idx %arg6[%add3A_212] : memref<16384xf32, #tpu.memory_space<vmem>>[vector<16xi32>], vector<16xf32>,
      %swap3A_214 = arith.constant 1 : i32
      %swap3A_215 = arith.index_cast %swap3A_214 : i32 to index
      %swap3A_216 = arith.constant 96 : index
      %swap3A_217 = tpu.vector_load %arg10[%swap3A_215, %swap3A_216] {strides = array<i32>} : memref<8x128xf32, #tpu.memory_space<vmem>>, vector<16xf32>,
      tpu.vector_store %arg10[%swap3A_215, %swap3A_216], %gather3A_213 {strides = array<i32>} : memref<8x128xf32, #tpu.memory_space<vmem>>, vector<16xf32>,
      %get3A_218 = arith.constant 1 : i32
      %get3A_219 = arith.index_cast %get3A_218 : i32 to index
      %get3A_220 = arith.constant 112 : index
      %get3A_221 = tpu.vector_load %arg9[%get3A_219, %get3A_220] {strides = array<i32>} : memref<8x128xi32, #tpu.memory_space<vmem>>, vector<16xi32>,
      %add3A_222 = arith.addi %get3A_221, %add3A_67 : vector<16xi32>
      %gather3A_223 = tpu.vector_load_idx %arg6[%add3A_222] : memref<16384xf32, #tpu.memory_space<vmem>>[vector<16xi32>], vector<16xf32>,
      %swap3A_224 = arith.constant 1 : i32
      %swap3A_225 = arith.index_cast %swap3A_224 : i32 to index
      %swap3A_226 = arith.constant 112 : index
      %swap3A_227 = tpu.vector_load %arg10[%swap3A_225, %swap3A_226] {strides = array<i32>} : memref<8x128xf32, #tpu.memory_space<vmem>>, vector<16xf32>,
      tpu.vector_store %arg10[%swap3A_225, %swap3A_226], %gather3A_223 {strides = array<i32>} : memref<8x128xf32, #tpu.memory_space<vmem>>, vector<16xf32>,
      %get3A_228 = arith.constant 2 : i32
      %get3A_229 = arith.index_cast %get3A_228 : i32 to index
      %get3A_230 = arith.constant 0 : index
      %get3A_231 = tpu.vector_load %arg9[%get3A_229, %get3A_230] {strides = array<i32>} : memref<8x128xi32, #tpu.memory_space<vmem>>, vector<16xi32>,
      %add3A_232 = arith.addi %get3A_231, %add3A_67 : vector<16xi32>
      %gather3A_233 = tpu.vector_load_idx %arg6[%add3A_232] : memref<16384xf32, #tpu.memory_space<vmem>>[vector<16xi32>], vector<16xf32>,
      %swap3A_234 = arith.constant 2 : i32
      %swap3A_235 = arith.index_cast %swap3A_234 : i32 to index
      %swap3A_236 = arith.constant 0 : index
      %swap3A_237 = tpu.vector_load %arg10[%swap3A_235, %swap3A_236] {strides = array<i32>} : memref<8x128xf32, #tpu.memory_space<vmem>>, vector<16xf32>,
      tpu.vector_store %arg10[%swap3A_235, %swap3A_236], %gather3A_233 {strides = array<i32>} : memref<8x128xf32, #tpu.memory_space<vmem>>, vector<16xf32>,
      %get3A_238 = arith.constant 2 : i32
      %get3A_239 = arith.index_cast %get3A_238 : i32 to index
      %get3A_240 = arith.constant 16 : index
      %get3A_241 = tpu.vector_load %arg9[%get3A_239, %get3A_240] {strides = array<i32>} : memref<8x128xi32, #tpu.memory_space<vmem>>, vector<16xi32>,
      %add3A_242 = arith.addi %get3A_241, %add3A_67 : vector<16xi32>
      %gather3A_243 = tpu.vector_load_idx %arg6[%add3A_242] : memref<16384xf32, #tpu.memory_space<vmem>>[vector<16xi32>], vector<16xf32>,
      %swap3A_244 = arith.constant 2 : i32
      %swap3A_245 = arith.index_cast %swap3A_244 : i32 to index
      %swap3A_246 = arith.constant 16 : index
      %swap3A_247 = tpu.vector_load %arg10[%swap3A_245, %swap3A_246] {strides = array<i32>} : memref<8x128xf32, #tpu.memory_space<vmem>>, vector<16xf32>,
      tpu.vector_store %arg10[%swap3A_245, %swap3A_246], %gather3A_243 {strides = array<i32>} : memref<8x128xf32, #tpu.memory_space<vmem>>, vector<16xf32>,
      %get3A_248 = arith.constant 2 : i32
      %get3A_249 = arith.index_cast %get3A_248 : i32 to index
      %get3A_250 = arith.constant 32 : index
      %get3A_251 = tpu.vector_load %arg9[%get3A_249, %get3A_250] {strides = array<i32>} : memref<8x128xi32, #tpu.memory_space<vmem>>, vector<16xi32>,
      %add3A_252 = arith.addi %get3A_251, %add3A_67 : vector<16xi32>
      %gather3A_253 = tpu.vector_load_idx %arg6[%add3A_252] : memref<16384xf32, #tpu.memory_space<vmem>>[vector<16xi32>], vector<16xf32>,
      %swap3A_254 = arith.constant 2 : i32
      %swap3A_255 = arith.index_cast %swap3A_254 : i32 to index
      %swap3A_256 = arith.constant 32 : index
      %swap3A_257 = tpu.vector_load %arg10[%swap3A_255, %swap3A_256] {strides = array<i32>} : memref<8x128xf32, #tpu.memory_space<vmem>>, vector<16xf32>,
      tpu.vector_store %arg10[%swap3A_255, %swap3A_256], %gather3A_253 {strides = array<i32>} : memref<8x128xf32, #tpu.memory_space<vmem>>, vector<16xf32>,
      %get3A_258 = arith.constant 2 : i32
      %get3A_259 = arith.index_cast %get3A_258 : i32 to index
      %get3A_260 = arith.constant 48 : index
      %get3A_261 = tpu.vector_load %arg9[%get3A_259, %get3A_260] {strides = array<i32>} : memref<8x128xi32, #tpu.memory_space<vmem>>, vector<16xi32>,
      %add3A_262 = arith.addi %get3A_261, %add3A_67 : vector<16xi32>
      %gather3A_263 = tpu.vector_load_idx %arg6[%add3A_262] : memref<16384xf32, #tpu.memory_space<vmem>>[vector<16xi32>], vector<16xf32>,
      %swap3A_264 = arith.constant 2 : i32
      %swap3A_265 = arith.index_cast %swap3A_264 : i32 to index
      %swap3A_266 = arith.constant 48 : index
      %swap3A_267 = tpu.vector_load %arg10[%swap3A_265, %swap3A_266] {strides = array<i32>} : memref<8x128xf32, #tpu.memory_space<vmem>>, vector<16xf32>,
      tpu.vector_store %arg10[%swap3A_265, %swap3A_266], %gather3A_263 {strides = array<i32>} : memref<8x128xf32, #tpu.memory_space<vmem>>, vector<16xf32>,
      %get3A_268 = arith.constant 2 : i32
      %get3A_269 = arith.index_cast %get3A_268 : i32 to index
      %get3A_270 = arith.constant 64 : index
      %get3A_271 = tpu.vector_load %arg9[%get3A_269, %get3A_270] {strides = array<i32>} : memref<8x128xi32, #tpu.memory_space<vmem>>, vector<16xi32>,
      %add3A_272 = arith.addi %get3A_271, %add3A_67 : vector<16xi32>
      %gather3A_273 = tpu.vector_load_idx %arg6[%add3A_272] : memref<16384xf32, #tpu.memory_space<vmem>>[vector<16xi32>], vector<16xf32>,
      %swap3A_274 = arith.constant 2 : i32
      %swap3A_275 = arith.index_cast %swap3A_274 : i32 to index
      %swap3A_276 = arith.constant 64 : index
      %swap3A_277 = tpu.vector_load %arg10[%swap3A_275, %swap3A_276] {strides = array<i32>} : memref<8x128xf32, #tpu.memory_space<vmem>>, vector<16xf32>,
      tpu.vector_store %arg10[%swap3A_275, %swap3A_276], %gather3A_273 {strides = array<i32>} : memref<8x128xf32, #tpu.memory_space<vmem>>, vector<16xf32>,
      %get3A_278 = arith.constant 2 : i32
      %get3A_279 = arith.index_cast %get3A_278 : i32 to index
      %get3A_280 = arith.constant 80 : index
      %get3A_281 = tpu.vector_load %arg9[%get3A_279, %get3A_280] {strides = array<i32>} : memref<8x128xi32, #tpu.memory_space<vmem>>, vector<16xi32>,
      %add3A_282 = arith.addi %get3A_281, %add3A_67 : vector<16xi32>
      %gather3A_283 = tpu.vector_load_idx %arg6[%add3A_282] : memref<16384xf32, #tpu.memory_space<vmem>>[vector<16xi32>], vector<16xf32>,
      %swap3A_284 = arith.constant 2 : i32
      %swap3A_285 = arith.index_cast %swap3A_284 : i32 to index
      %swap3A_286 = arith.constant 80 : index
      %swap3A_287 = tpu.vector_load %arg10[%swap3A_285, %swap3A_286] {strides = array<i32>} : memref<8x128xf32, #tpu.memory_space<vmem>>, vector<16xf32>,
      tpu.vector_store %arg10[%swap3A_285, %swap3A_286], %gather3A_283 {strides = array<i32>} : memref<8x128xf32, #tpu.memory_space<vmem>>, vector<16xf32>,
      %get3A_288 = arith.constant 2 : i32
      %get3A_289 = arith.index_cast %get3A_288 : i32 to index
      %get3A_290 = arith.constant 96 : index
      %get3A_291 = tpu.vector_load %arg9[%get3A_289, %get3A_290] {strides = array<i32>} : memref<8x128xi32, #tpu.memory_space<vmem>>, vector<16xi32>,
      %add3A_292 = arith.addi %get3A_291, %add3A_67 : vector<16xi32>
      %gather3A_293 = tpu.vector_load_idx %arg6[%add3A_292] : memref<16384xf32, #tpu.memory_space<vmem>>[vector<16xi32>], vector<16xf32>,
      %swap3A_294 = arith.constant 2 : i32
      %swap3A_295 = arith.index_cast %swap3A_294 : i32 to index
      %swap3A_296 = arith.constant 96 : index
      %swap3A_297 = tpu.vector_load %arg10[%swap3A_295, %swap3A_296] {strides = array<i32>} : memref<8x128xf32, #tpu.memory_space<vmem>>, vector<16xf32>,
      tpu.vector_store %arg10[%swap3A_295, %swap3A_296], %gather3A_293 {strides = array<i32>} : memref<8x128xf32, #tpu.memory_space<vmem>>, vector<16xf32>,
      %get3A_298 = arith.constant 2 : i32
      %get3A_299 = arith.index_cast %get3A_298 : i32 to index
      %get3A_300 = arith.constant 112 : index
      %get3A_301 = tpu.vector_load %arg9[%get3A_299, %get3A_300] {strides = array<i32>} : memref<8x128xi32, #tpu.memory_space<vmem>>, vector<16xi32>,
      %add3A_302 = arith.addi %get3A_301, %add3A_67 : vector<16xi32>
      %gather3A_303 = tpu.vector_load_idx %arg6[%add3A_302] : memref<16384xf32, #tpu.memory_space<vmem>>[vector<16xi32>], vector<16xf32>,
      %swap3A_304 = arith.constant 2 : i32
      %swap3A_305 = arith.index_cast %swap3A_304 : i32 to index
      %swap3A_306 = arith.constant 112 : index
      %swap3A_307 = tpu.vector_load %arg10[%swap3A_305, %swap3A_306] {strides = array<i32>} : memref<8x128xf32, #tpu.memory_space<vmem>>, vector<16xf32>,
      tpu.vector_store %arg10[%swap3A_305, %swap3A_306], %gather3A_303 {strides = array<i32>} : memref<8x128xf32, #tpu.memory_space<vmem>>, vector<16xf32>,
      %get3A_308 = arith.constant 3 : i32
      %get3A_309 = arith.index_cast %get3A_308 : i32 to index
      %get3A_310 = arith.constant 0 : index
      %get3A_311 = tpu.vector_load %arg9[%get3A_309, %get3A_310] {strides = array<i32>} : memref<8x128xi32, #tpu.memory_space<vmem>>, vector<16xi32>,
      %add3A_312 = arith.addi %get3A_311, %add3A_67 : vector<16xi32>
      %gather3A_313 = tpu.vector_load_idx %arg6[%add3A_312] : memref<16384xf32, #tpu.memory_space<vmem>>[vector<16xi32>], vector<16xf32>,
      %swap3A_314 = arith.constant 3 : i32
      %swap3A_315 = arith.index_cast %swap3A_314 : i32 to index
      %swap3A_316 = arith.constant 0 : index
      %swap3A_317 = tpu.vector_load %arg10[%swap3A_315, %swap3A_316] {strides = array<i32>} : memref<8x128xf32, #tpu.memory_space<vmem>>, vector<16xf32>,
      tpu.vector_store %arg10[%swap3A_315, %swap3A_316], %gather3A_313 {strides = array<i32>} : memref<8x128xf32, #tpu.memory_space<vmem>>, vector<16xf32>,
      %get3A_318 = arith.constant 3 : i32
      %get3A_319 = arith.index_cast %get3A_318 : i32 to index
      %get3A_320 = arith.constant 16 : index
      %get3A_321 = tpu.vector_load %arg9[%get3A_319, %get3A_320] {strides = array<i32>} : memref<8x128xi32, #tpu.memory_space<vmem>>, vector<16xi32>,
      %add3A_322 = arith.addi %get3A_321, %add3A_67 : vector<16xi32>
      %gather3A_323 = tpu.vector_load_idx %arg6[%add3A_322] : memref<16384xf32, #tpu.memory_space<vmem>>[vector<16xi32>], vector<16xf32>,
      %swap3A_324 = arith.constant 3 : i32
      %swap3A_325 = arith.index_cast %swap3A_324 : i32 to index
      %swap3A_326 = arith.constant 16 : index
      %swap3A_327 = tpu.vector_load %arg10[%swap3A_325, %swap3A_326] {strides = array<i32>} : memref<8x128xf32, #tpu.memory_space<vmem>>, vector<16xf32>,
      tpu.vector_store %arg10[%swap3A_325, %swap3A_326], %gather3A_323 {strides = array<i32>} : memref<8x128xf32, #tpu.memory_space<vmem>>, vector<16xf32>,
      %get3A_328 = arith.constant 3 : i32
      %get3A_329 = arith.index_cast %get3A_328 : i32 to index
      %get3A_330 = arith.constant 32 : index
      %get3A_331 = tpu.vector_load %arg9[%get3A_329, %get3A_330] {strides = array<i32>} : memref<8x128xi32, #tpu.memory_space<vmem>>, vector<16xi32>,
      %add3A_332 = arith.addi %get3A_331, %add3A_67 : vector<16xi32>
      %gather3A_333 = tpu.vector_load_idx %arg6[%add3A_332] : memref<16384xf32, #tpu.memory_space<vmem>>[vector<16xi32>], vector<16xf32>,
      %swap3A_334 = arith.constant 3 : i32
      %swap3A_335 = arith.index_cast %swap3A_334 : i32 to index
      %swap3A_336 = arith.constant 32 : index
      %swap3A_337 = tpu.vector_load %arg10[%swap3A_335, %swap3A_336] {strides = array<i32>} : memref<8x128xf32, #tpu.memory_space<vmem>>, vector<16xf32>,
      tpu.vector_store %arg10[%swap3A_335, %swap3A_336], %gather3A_333 {strides = array<i32>} : memref<8x128xf32, #tpu.memory_space<vmem>>, vector<16xf32>,
      %get3A_338 = arith.constant 3 : i32
      %get3A_339 = arith.index_cast %get3A_338 : i32 to index
      %get3A_340 = arith.constant 48 : index
      %get3A_341 = tpu.vector_load %arg9[%get3A_339, %get3A_340] {strides = array<i32>} : memref<8x128xi32, #tpu.memory_space<vmem>>, vector<16xi32>,
      %add3A_342 = arith.addi %get3A_341, %add3A_67 : vector<16xi32>
      %gather3A_343 = tpu.vector_load_idx %arg6[%add3A_342] : memref<16384xf32, #tpu.memory_space<vmem>>[vector<16xi32>], vector<16xf32>,
      %swap3A_344 = arith.constant 3 : i32
      %swap3A_345 = arith.index_cast %swap3A_344 : i32 to index
      %swap3A_346 = arith.constant 48 : index
      %swap3A_347 = tpu.vector_load %arg10[%swap3A_345, %swap3A_346] {strides = array<i32>} : memref<8x128xf32, #tpu.memory_space<vmem>>, vector<16xf32>,
      tpu.vector_store %arg10[%swap3A_345, %swap3A_346], %gather3A_343 {strides = array<i32>} : memref<8x128xf32, #tpu.memory_space<vmem>>, vector<16xf32>,
      %get3A_348 = arith.constant 3 : i32
      %get3A_349 = arith.index_cast %get3A_348 : i32 to index
      %get3A_350 = arith.constant 64 : index
      %get3A_351 = tpu.vector_load %arg9[%get3A_349, %get3A_350] {strides = array<i32>} : memref<8x128xi32, #tpu.memory_space<vmem>>, vector<16xi32>,
      %add3A_352 = arith.addi %get3A_351, %add3A_67 : vector<16xi32>
      %gather3A_353 = tpu.vector_load_idx %arg6[%add3A_352] : memref<16384xf32, #tpu.memory_space<vmem>>[vector<16xi32>], vector<16xf32>,
      %swap3A_354 = arith.constant 3 : i32
      %swap3A_355 = arith.index_cast %swap3A_354 : i32 to index
      %swap3A_356 = arith.constant 64 : index
      %swap3A_357 = tpu.vector_load %arg10[%swap3A_355, %swap3A_356] {strides = array<i32>} : memref<8x128xf32, #tpu.memory_space<vmem>>, vector<16xf32>,
      tpu.vector_store %arg10[%swap3A_355, %swap3A_356], %gather3A_353 {strides = array<i32>} : memref<8x128xf32, #tpu.memory_space<vmem>>, vector<16xf32>,
      %get3A_358 = arith.constant 3 : i32
      %get3A_359 = arith.index_cast %get3A_358 : i32 to index
      %get3A_360 = arith.constant 80 : index
      %get3A_361 = tpu.vector_load %arg9[%get3A_359, %get3A_360] {strides = array<i32>} : memref<8x128xi32, #tpu.memory_space<vmem>>, vector<16xi32>,
      %add3A_362 = arith.addi %get3A_361, %add3A_67 : vector<16xi32>
      %gather3A_363 = tpu.vector_load_idx %arg6[%add3A_362] : memref<16384xf32, #tpu.memory_space<vmem>>[vector<16xi32>], vector<16xf32>,
      %swap3A_364 = arith.constant 3 : i32
      %swap3A_365 = arith.index_cast %swap3A_364 : i32 to index
      %swap3A_366 = arith.constant 80 : index
      %swap3A_367 = tpu.vector_load %arg10[%swap3A_365, %swap3A_366] {strides = array<i32>} : memref<8x128xf32, #tpu.memory_space<vmem>>, vector<16xf32>,
      tpu.vector_store %arg10[%swap3A_365, %swap3A_366], %gather3A_363 {strides = array<i32>} : memref<8x128xf32, #tpu.memory_space<vmem>>, vector<16xf32>,
      %get3A_368 = arith.constant 3 : i32
      %get3A_369 = arith.index_cast %get3A_368 : i32 to index
      %get3A_370 = arith.constant 96 : index
      %get3A_371 = tpu.vector_load %arg9[%get3A_369, %get3A_370] {strides = array<i32>} : memref<8x128xi32, #tpu.memory_space<vmem>>, vector<16xi32>,
      %add3A_372 = arith.addi %get3A_371, %add3A_67 : vector<16xi32>
      %gather3A_373 = tpu.vector_load_idx %arg6[%add3A_372] : memref<16384xf32, #tpu.memory_space<vmem>>[vector<16xi32>], vector<16xf32>,
      %swap3A_374 = arith.constant 3 : i32
      %swap3A_375 = arith.index_cast %swap3A_374 : i32 to index
      %swap3A_376 = arith.constant 96 : index
      %swap3A_377 = tpu.vector_load %arg10[%swap3A_375, %swap3A_376] {strides = array<i32>} : memref<8x128xf32, #tpu.memory_space<vmem>>, vector<16xf32>,
      tpu.vector_store %arg10[%swap3A_375, %swap3A_376], %gather3A_373 {strides = array<i32>} : memref<8x128xf32, #tpu.memory_space<vmem>>, vector<16xf32>,
      %get3A_378 = arith.constant 3 : i32
      %get3A_379 = arith.index_cast %get3A_378 : i32 to index
      %get3A_380 = arith.constant 112 : index
      %get3A_381 = tpu.vector_load %arg9[%get3A_379, %get3A_380] {strides = array<i32>} : memref<8x128xi32, #tpu.memory_space<vmem>>, vector<16xi32>,
      %add3A_382 = arith.addi %get3A_381, %add3A_67 : vector<16xi32>
      %gather3A_383 = tpu.vector_load_idx %arg6[%add3A_382] : memref<16384xf32, #tpu.memory_space<vmem>>[vector<16xi32>], vector<16xf32>,
      %swap3A_384 = arith.constant 3 : i32
      %swap3A_385 = arith.index_cast %swap3A_384 : i32 to index
      %swap3A_386 = arith.constant 112 : index
      %swap3A_387 = tpu.vector_load %arg10[%swap3A_385, %swap3A_386] {strides = array<i32>} : memref<8x128xf32, #tpu.memory_space<vmem>>, vector<16xf32>,
      tpu.vector_store %arg10[%swap3A_385, %swap3A_386], %gather3A_383 {strides = array<i32>} : memref<8x128xf32, #tpu.memory_space<vmem>>, vector<16xf32>,
      %get3A_388 = arith.constant 4 : i32
      %get3A_389 = arith.index_cast %get3A_388 : i32 to index
      %get3A_390 = arith.constant 0 : index
      %get3A_391 = tpu.vector_load %arg9[%get3A_389, %get3A_390] {strides = array<i32>} : memref<8x128xi32, #tpu.memory_space<vmem>>, vector<16xi32>,
      %add3A_392 = arith.addi %get3A_391, %add3A_67 : vector<16xi32>
      %gather3A_393 = tpu.vector_load_idx %arg6[%add3A_392] : memref<16384xf32, #tpu.memory_space<vmem>>[vector<16xi32>], vector<16xf32>,
      %swap3A_394 = arith.constant 4 : i32
      %swap3A_395 = arith.index_cast %swap3A_394 : i32 to index
      %swap3A_396 = arith.constant 0 : index
      %swap3A_397 = tpu.vector_load %arg10[%swap3A_395, %swap3A_396] {strides = array<i32>} : memref<8x128xf32, #tpu.memory_space<vmem>>, vector<16xf32>,
      tpu.vector_store %arg10[%swap3A_395, %swap3A_396], %gather3A_393 {strides = array<i32>} : memref<8x128xf32, #tpu.memory_space<vmem>>, vector<16xf32>,
      %get3A_398 = arith.constant 4 : i32
      %get3A_399 = arith.index_cast %get3A_398 : i32 to index
      %get3A_400 = arith.constant 16 : index
      %get3A_401 = tpu.vector_load %arg9[%get3A_399, %get3A_400] {strides = array<i32>} : memref<8x128xi32, #tpu.memory_space<vmem>>, vector<16xi32>,
      %add3A_402 = arith.addi %get3A_401, %add3A_67 : vector<16xi32>
      %gather3A_403 = tpu.vector_load_idx %arg6[%add3A_402] : memref<16384xf32, #tpu.memory_space<vmem>>[vector<16xi32>], vector<16xf32>,
      %swap3A_404 = arith.constant 4 : i32
      %swap3A_405 = arith.index_cast %swap3A_404 : i32 to index
      %swap3A_406 = arith.constant 16 : index
      %swap3A_407 = tpu.vector_load %arg10[%swap3A_405, %swap3A_406] {strides = array<i32>} : memref<8x128xf32, #tpu.memory_space<vmem>>, vector<16xf32>,
      tpu.vector_store %arg10[%swap3A_405, %swap3A_406], %gather3A_403 {strides = array<i32>} : memref<8x128xf32, #tpu.memory_space<vmem>>, vector<16xf32>,
      %get3A_408 = arith.constant 4 : i32
      %get3A_409 = arith.index_cast %get3A_408 : i32 to index
      %get3A_410 = arith.constant 32 : index
      %get3A_411 = tpu.vector_load %arg9[%get3A_409, %get3A_410] {strides = array<i32>} : memref<8x128xi32, #tpu.memory_space<vmem>>, vector<16xi32>,
      %add3A_412 = arith.addi %get3A_411, %add3A_67 : vector<16xi32>
      %gather3A_413 = tpu.vector_load_idx %arg6[%add3A_412] : memref<16384xf32, #tpu.memory_space<vmem>>[vector<16xi32>], vector<16xf32>,
      %swap3A_414 = arith.constant 4 : i32
      %swap3A_415 = arith.index_cast %swap3A_414 : i32 to index
      %swap3A_416 = arith.constant 32 : index
      %swap3A_417 = tpu.vector_load %arg10[%swap3A_415, %swap3A_416] {strides = array<i32>} : memref<8x128xf32, #tpu.memory_space<vmem>>, vector<16xf32>,
      tpu.vector_store %arg10[%swap3A_415, %swap3A_416], %gather3A_413 {strides = array<i32>} : memref<8x128xf32, #tpu.memory_space<vmem>>, vector<16xf32>,
      %get3A_418 = arith.constant 4 : i32
      %get3A_419 = arith.index_cast %get3A_418 : i32 to index
      %get3A_420 = arith.constant 48 : index
      %get3A_421 = tpu.vector_load %arg9[%get3A_419, %get3A_420] {strides = array<i32>} : memref<8x128xi32, #tpu.memory_space<vmem>>, vector<16xi32>,
      %add3A_422 = arith.addi %get3A_421, %add3A_67 : vector<16xi32>
      %gather3A_423 = tpu.vector_load_idx %arg6[%add3A_422] : memref<16384xf32, #tpu.memory_space<vmem>>[vector<16xi32>], vector<16xf32>,
      %swap3A_424 = arith.constant 4 : i32
      %swap3A_425 = arith.index_cast %swap3A_424 : i32 to index
      %swap3A_426 = arith.constant 48 : index
      %swap3A_427 = tpu.vector_load %arg10[%swap3A_425, %swap3A_426] {strides = array<i32>} : memref<8x128xf32, #tpu.memory_space<vmem>>, vector<16xf32>,
      tpu.vector_store %arg10[%swap3A_425, %swap3A_426], %gather3A_423 {strides = array<i32>} : memref<8x128xf32, #tpu.memory_space<vmem>>, vector<16xf32>,
      %get3A_428 = arith.constant 4 : i32
      %get3A_429 = arith.index_cast %get3A_428 : i32 to index
      %get3A_430 = arith.constant 64 : index
      %get3A_431 = tpu.vector_load %arg9[%get3A_429, %get3A_430] {strides = array<i32>} : memref<8x128xi32, #tpu.memory_space<vmem>>, vector<16xi32>,
      %add3A_432 = arith.addi %get3A_431, %add3A_67 : vector<16xi32>
      %gather3A_433 = tpu.vector_load_idx %arg6[%add3A_432] : memref<16384xf32, #tpu.memory_space<vmem>>[vector<16xi32>], vector<16xf32>,
      %swap3A_434 = arith.constant 4 : i32
      %swap3A_435 = arith.index_cast %swap3A_434 : i32 to index
      %swap3A_436 = arith.constant 64 : index
      %swap3A_437 = tpu.vector_load %arg10[%swap3A_435, %swap3A_436] {strides = array<i32>} : memref<8x128xf32, #tpu.memory_space<vmem>>, vector<16xf32>,
      tpu.vector_store %arg10[%swap3A_435, %swap3A_436], %gather3A_433 {strides = array<i32>} : memref<8x128xf32, #tpu.memory_space<vmem>>, vector<16xf32>,
      %get3A_438 = arith.constant 4 : i32
      %get3A_439 = arith.index_cast %get3A_438 : i32 to index
      %get3A_440 = arith.constant 80 : index
      %get3A_441 = tpu.vector_load %arg9[%get3A_439, %get3A_440] {strides = array<i32>} : memref<8x128xi32, #tpu.memory_space<vmem>>, vector<16xi32>,
      %add3A_442 = arith.addi %get3A_441, %add3A_67 : vector<16xi32>
      %gather3A_443 = tpu.vector_load_idx %arg6[%add3A_442] : memref<16384xf32, #tpu.memory_space<vmem>>[vector<16xi32>], vector<16xf32>,
      %swap3A_444 = arith.constant 4 : i32
      %swap3A_445 = arith.index_cast %swap3A_444 : i32 to index
      %swap3A_446 = arith.constant 80 : index
      %swap3A_447 = tpu.vector_load %arg10[%swap3A_445, %swap3A_446] {strides = array<i32>} : memref<8x128xf32, #tpu.memory_space<vmem>>, vector<16xf32>,
      tpu.vector_store %arg10[%swap3A_445, %swap3A_446], %gather3A_443 {strides = array<i32>} : memref<8x128xf32, #tpu.memory_space<vmem>>, vector<16xf32>,
      %get3A_448 = arith.constant 4 : i32
      %get3A_449 = arith.index_cast %get3A_448 : i32 to index
      %get3A_450 = arith.constant 96 : index
      %get3A_451 = tpu.vector_load %arg9[%get3A_449, %get3A_450] {strides = array<i32>} : memref<8x128xi32, #tpu.memory_space<vmem>>, vector<16xi32>,
      %add3A_452 = arith.addi %get3A_451, %add3A_67 : vector<16xi32>
      %gather3A_453 = tpu.vector_load_idx %arg6[%add3A_452] : memref<16384xf32, #tpu.memory_space<vmem>>[vector<16xi32>], vector<16xf32>,
      %swap3A_454 = arith.constant 4 : i32
      %swap3A_455 = arith.index_cast %swap3A_454 : i32 to index
      %swap3A_456 = arith.constant 96 : index
      %swap3A_457 = tpu.vector_load %arg10[%swap3A_455, %swap3A_456] {strides = array<i32>} : memref<8x128xf32, #tpu.memory_space<vmem>>, vector<16xf32>,
      tpu.vector_store %arg10[%swap3A_455, %swap3A_456], %gather3A_453 {strides = array<i32>} : memref<8x128xf32, #tpu.memory_space<vmem>>, vector<16xf32>,
      %get3A_458 = arith.constant 4 : i32
      %get3A_459 = arith.index_cast %get3A_458 : i32 to index
      %get3A_460 = arith.constant 112 : index
      %get3A_461 = tpu.vector_load %arg9[%get3A_459, %get3A_460] {strides = array<i32>} : memref<8x128xi32, #tpu.memory_space<vmem>>, vector<16xi32>,
      %add3A_462 = arith.addi %get3A_461, %add3A_67 : vector<16xi32>
      %gather3A_463 = tpu.vector_load_idx %arg6[%add3A_462] : memref<16384xf32, #tpu.memory_space<vmem>>[vector<16xi32>], vector<16xf32>,
      %swap3A_464 = arith.constant 4 : i32
      %swap3A_465 = arith.index_cast %swap3A_464 : i32 to index
      %swap3A_466 = arith.constant 112 : index
      %swap3A_467 = tpu.vector_load %arg10[%swap3A_465, %swap3A_466] {strides = array<i32>} : memref<8x128xf32, #tpu.memory_space<vmem>>, vector<16xf32>,
      tpu.vector_store %arg10[%swap3A_465, %swap3A_466], %gather3A_463 {strides = array<i32>} : memref<8x128xf32, #tpu.memory_space<vmem>>, vector<16xf32>,
      %get3A_468 = arith.constant 5 : i32
      %get3A_469 = arith.index_cast %get3A_468 : i32 to index
      %get3A_470 = arith.constant 0 : index
      %get3A_471 = tpu.vector_load %arg9[%get3A_469, %get3A_470] {strides = array<i32>} : memref<8x128xi32, #tpu.memory_space<vmem>>, vector<16xi32>,
      %add3A_472 = arith.addi %get3A_471, %add3A_67 : vector<16xi32>
      %gather3A_473 = tpu.vector_load_idx %arg6[%add3A_472] : memref<16384xf32, #tpu.memory_space<vmem>>[vector<16xi32>], vector<16xf32>,
      %swap3A_474 = arith.constant 5 : i32
      %swap3A_475 = arith.index_cast %swap3A_474 : i32 to index
      %swap3A_476 = arith.constant 0 : index
      %swap3A_477 = tpu.vector_load %arg10[%swap3A_475, %swap3A_476] {strides = array<i32>} : memref<8x128xf32, #tpu.memory_space<vmem>>, vector<16xf32>,
      tpu.vector_store %arg10[%swap3A_475, %swap3A_476], %gather3A_473 {strides = array<i32>} : memref<8x128xf32, #tpu.memory_space<vmem>>, vector<16xf32>,
      %get3A_478 = arith.constant 5 : i32
      %get3A_479 = arith.index_cast %get3A_478 : i32 to index
      %get3A_480 = arith.constant 16 : index
      %get3A_481 = tpu.vector_load %arg9[%get3A_479, %get3A_480] {strides = array<i32>} : memref<8x128xi32, #tpu.memory_space<vmem>>, vector<16xi32>,
      %add3A_482 = arith.addi %get3A_481, %add3A_67 : vector<16xi32>
      %gather3A_483 = tpu.vector_load_idx %arg6[%add3A_482] : memref<16384xf32, #tpu.memory_space<vmem>>[vector<16xi32>], vector<16xf32>,
      %swap3A_484 = arith.constant 5 : i32
      %swap3A_485 = arith.index_cast %swap3A_484 : i32 to index
      %swap3A_486 = arith.constant 16 : index
      %swap3A_487 = tpu.vector_load %arg10[%swap3A_485, %swap3A_486] {strides = array<i32>} : memref<8x128xf32, #tpu.memory_space<vmem>>, vector<16xf32>,
      tpu.vector_store %arg10[%swap3A_485, %swap3A_486], %gather3A_483 {strides = array<i32>} : memref<8x128xf32, #tpu.memory_space<vmem>>, vector<16xf32>,
      %get3A_488 = arith.constant 5 : i32
      %get3A_489 = arith.index_cast %get3A_488 : i32 to index
      %get3A_490 = arith.constant 32 : index
      %get3A_491 = tpu.vector_load %arg9[%get3A_489, %get3A_490] {strides = array<i32>} : memref<8x128xi32, #tpu.memory_space<vmem>>, vector<16xi32>,
      %add3A_492 = arith.addi %get3A_491, %add3A_67 : vector<16xi32>
      %gather3A_493 = tpu.vector_load_idx %arg6[%add3A_492] : memref<16384xf32, #tpu.memory_space<vmem>>[vector<16xi32>], vector<16xf32>,
      %swap3A_494 = arith.constant 5 : i32
      %swap3A_495 = arith.index_cast %swap3A_494 : i32 to index
      %swap3A_496 = arith.constant 32 : index
      %swap3A_497 = tpu.vector_load %arg10[%swap3A_495, %swap3A_496] {strides = array<i32>} : memref<8x128xf32, #tpu.memory_space<vmem>>, vector<16xf32>,
      tpu.vector_store %arg10[%swap3A_495, %swap3A_496], %gather3A_493 {strides = array<i32>} : memref<8x128xf32, #tpu.memory_space<vmem>>, vector<16xf32>,
      %get3A_498 = arith.constant 5 : i32
      %get3A_499 = arith.index_cast %get3A_498 : i32 to index
      %get3A_500 = arith.constant 48 : index
      %get3A_501 = tpu.vector_load %arg9[%get3A_499, %get3A_500] {strides = array<i32>} : memref<8x128xi32, #tpu.memory_space<vmem>>, vector<16xi32>,
      %add3A_502 = arith.addi %get3A_501, %add3A_67 : vector<16xi32>
      %gather3A_503 = tpu.vector_load_idx %arg6[%add3A_502] : memref<16384xf32, #tpu.memory_space<vmem>>[vector<16xi32>], vector<16xf32>,
      %swap3A_504 = arith.constant 5 : i32
      %swap3A_505 = arith.index_cast %swap3A_504 : i32 to index
      %swap3A_506 = arith.constant 48 : index
      %swap3A_507 = tpu.vector_load %arg10[%swap3A_505, %swap3A_506] {strides = array<i32>} : memref<8x128xf32, #tpu.memory_space<vmem>>, vector<16xf32>,
      tpu.vector_store %arg10[%swap3A_505, %swap3A_506], %gather3A_503 {strides = array<i32>} : memref<8x128xf32, #tpu.memory_space<vmem>>, vector<16xf32>,
      %get3A_508 = arith.constant 5 : i32
      %get3A_509 = arith.index_cast %get3A_508 : i32 to index
      %get3A_510 = arith.constant 64 : index
      %get3A_511 = tpu.vector_load %arg9[%get3A_509, %get3A_510] {strides = array<i32>} : memref<8x128xi32, #tpu.memory_space<vmem>>, vector<16xi32>,
      %add3A_512 = arith.addi %get3A_511, %add3A_67 : vector<16xi32>
      %gather3A_513 = tpu.vector_load_idx %arg6[%add3A_512] : memref<16384xf32, #tpu.memory_space<vmem>>[vector<16xi32>], vector<16xf32>,
      %swap3A_514 = arith.constant 5 : i32
      %swap3A_515 = arith.index_cast %swap3A_514 : i32 to index
      %swap3A_516 = arith.constant 64 : index
      %swap3A_517 = tpu.vector_load %arg10[%swap3A_515, %swap3A_516] {strides = array<i32>} : memref<8x128xf32, #tpu.memory_space<vmem>>, vector<16xf32>,
      tpu.vector_store %arg10[%swap3A_515, %swap3A_516], %gather3A_513 {strides = array<i32>} : memref<8x128xf32, #tpu.memory_space<vmem>>, vector<16xf32>,
      %get3A_518 = arith.constant 5 : i32
      %get3A_519 = arith.index_cast %get3A_518 : i32 to index
      %get3A_520 = arith.constant 80 : index
      %get3A_521 = tpu.vector_load %arg9[%get3A_519, %get3A_520] {strides = array<i32>} : memref<8x128xi32, #tpu.memory_space<vmem>>, vector<16xi32>,
      %add3A_522 = arith.addi %get3A_521, %add3A_67 : vector<16xi32>
      %gather3A_523 = tpu.vector_load_idx %arg6[%add3A_522] : memref<16384xf32, #tpu.memory_space<vmem>>[vector<16xi32>], vector<16xf32>,
      %swap3A_524 = arith.constant 5 : i32
      %swap3A_525 = arith.index_cast %swap3A_524 : i32 to index
      %swap3A_526 = arith.constant 80 : index
      %swap3A_527 = tpu.vector_load %arg10[%swap3A_525, %swap3A_526] {strides = array<i32>} : memref<8x128xf32, #tpu.memory_space<vmem>>, vector<16xf32>,
      tpu.vector_store %arg10[%swap3A_525, %swap3A_526], %gather3A_523 {strides = array<i32>} : memref<8x128xf32, #tpu.memory_space<vmem>>, vector<16xf32>,
      %get3A_528 = arith.constant 5 : i32
      %get3A_529 = arith.index_cast %get3A_528 : i32 to index
      %get3A_530 = arith.constant 96 : index
      %get3A_531 = tpu.vector_load %arg9[%get3A_529, %get3A_530] {strides = array<i32>} : memref<8x128xi32, #tpu.memory_space<vmem>>, vector<16xi32>,
      %add3A_532 = arith.addi %get3A_531, %add3A_67 : vector<16xi32>
      %gather3A_533 = tpu.vector_load_idx %arg6[%add3A_532] : memref<16384xf32, #tpu.memory_space<vmem>>[vector<16xi32>], vector<16xf32>,
      %swap3A_534 = arith.constant 5 : i32
      %swap3A_535 = arith.index_cast %swap3A_534 : i32 to index
      %swap3A_536 = arith.constant 96 : index
      %swap3A_537 = tpu.vector_load %arg10[%swap3A_535, %swap3A_536] {strides = array<i32>} : memref<8x128xf32, #tpu.memory_space<vmem>>, vector<16xf32>,
      tpu.vector_store %arg10[%swap3A_535, %swap3A_536], %gather3A_533 {strides = array<i32>} : memref<8x128xf32, #tpu.memory_space<vmem>>, vector<16xf32>,
      %get3A_538 = arith.constant 5 : i32
      %get3A_539 = arith.index_cast %get3A_538 : i32 to index
      %get3A_540 = arith.constant 112 : index
      %get3A_541 = tpu.vector_load %arg9[%get3A_539, %get3A_540] {strides = array<i32>} : memref<8x128xi32, #tpu.memory_space<vmem>>, vector<16xi32>,
      %add3A_542 = arith.addi %get3A_541, %add3A_67 : vector<16xi32>
      %gather3A_543 = tpu.vector_load_idx %arg6[%add3A_542] : memref<16384xf32, #tpu.memory_space<vmem>>[vector<16xi32>], vector<16xf32>,
      %swap3A_544 = arith.constant 5 : i32
      %swap3A_545 = arith.index_cast %swap3A_544 : i32 to index
      %swap3A_546 = arith.constant 112 : index
      %swap3A_547 = tpu.vector_load %arg10[%swap3A_545, %swap3A_546] {strides = array<i32>} : memref<8x128xf32, #tpu.memory_space<vmem>>, vector<16xf32>,
      tpu.vector_store %arg10[%swap3A_545, %swap3A_546], %gather3A_543 {strides = array<i32>} : memref<8x128xf32, #tpu.memory_space<vmem>>, vector<16xf32>,
      %get3A_548 = arith.constant 6 : i32
      %get3A_549 = arith.index_cast %get3A_548 : i32 to index
      %get3A_550 = arith.constant 0 : index
      %get3A_551 = tpu.vector_load %arg9[%get3A_549, %get3A_550] {strides = array<i32>} : memref<8x128xi32, #tpu.memory_space<vmem>>, vector<16xi32>,
      %add3A_552 = arith.addi %get3A_551, %add3A_67 : vector<16xi32>
      %gather3A_553 = tpu.vector_load_idx %arg6[%add3A_552] : memref<16384xf32, #tpu.memory_space<vmem>>[vector<16xi32>], vector<16xf32>,
      %swap3A_554 = arith.constant 6 : i32
      %swap3A_555 = arith.index_cast %swap3A_554 : i32 to index
      %swap3A_556 = arith.constant 0 : index
      %swap3A_557 = tpu.vector_load %arg10[%swap3A_555, %swap3A_556] {strides = array<i32>} : memref<8x128xf32, #tpu.memory_space<vmem>>, vector<16xf32>,
      tpu.vector_store %arg10[%swap3A_555, %swap3A_556], %gather3A_553 {strides = array<i32>} : memref<8x128xf32, #tpu.memory_space<vmem>>, vector<16xf32>,
      %get3A_558 = arith.constant 6 : i32
      %get3A_559 = arith.index_cast %get3A_558 : i32 to index
      %get3A_560 = arith.constant 16 : index
      %get3A_561 = tpu.vector_load %arg9[%get3A_559, %get3A_560] {strides = array<i32>} : memref<8x128xi32, #tpu.memory_space<vmem>>, vector<16xi32>,
      %add3A_562 = arith.addi %get3A_561, %add3A_67 : vector<16xi32>
      %gather3A_563 = tpu.vector_load_idx %arg6[%add3A_562] : memref<16384xf32, #tpu.memory_space<vmem>>[vector<16xi32>], vector<16xf32>,
      %swap3A_564 = arith.constant 6 : i32
      %swap3A_565 = arith.index_cast %swap3A_564 : i32 to index
      %swap3A_566 = arith.constant 16 : index
      %swap3A_567 = tpu.vector_load %arg10[%swap3A_565, %swap3A_566] {strides = array<i32>} : memref<8x128xf32, #tpu.memory_space<vmem>>, vector<16xf32>,
      tpu.vector_store %arg10[%swap3A_565, %swap3A_566], %gather3A_563 {strides = array<i32>} : memref<8x128xf32, #tpu.memory_space<vmem>>, vector<16xf32>,
      %get3A_568 = arith.constant 6 : i32
      %get3A_569 = arith.index_cast %get3A_568 : i32 to index
      %get3A_570 = arith.constant 32 : index
      %get3A_571 = tpu.vector_load %arg9[%get3A_569, %get3A_570] {strides = array<i32>} : memref<8x128xi32, #tpu.memory_space<vmem>>, vector<16xi32>,
      %add3A_572 = arith.addi %get3A_571, %add3A_67 : vector<16xi32>
      %gather3A_573 = tpu.vector_load_idx %arg6[%add3A_572] : memref<16384xf32, #tpu.memory_space<vmem>>[vector<16xi32>], vector<16xf32>,
      %swap3A_574 = arith.constant 6 : i32
      %swap3A_575 = arith.index_cast %swap3A_574 : i32 to index
      %swap3A_576 = arith.constant 32 : index
      %swap3A_577 = tpu.vector_load %arg10[%swap3A_575, %swap3A_576] {strides = array<i32>} : memref<8x128xf32, #tpu.memory_space<vmem>>, vector<16xf32>,
      tpu.vector_store %arg10[%swap3A_575, %swap3A_576], %gather3A_573 {strides = array<i32>} : memref<8x128xf32, #tpu.memory_space<vmem>>, vector<16xf32>,
      %get3A_578 = arith.constant 6 : i32
      %get3A_579 = arith.index_cast %get3A_578 : i32 to index
      %get3A_580 = arith.constant 48 : index
      %get3A_581 = tpu.vector_load %arg9[%get3A_579, %get3A_580] {strides = array<i32>} : memref<8x128xi32, #tpu.memory_space<vmem>>, vector<16xi32>,
      %add3A_582 = arith.addi %get3A_581, %add3A_67 : vector<16xi32>
      %gather3A_583 = tpu.vector_load_idx %arg6[%add3A_582] : memref<16384xf32, #tpu.memory_space<vmem>>[vector<16xi32>], vector<16xf32>,
      %swap3A_584 = arith.constant 6 : i32
      %swap3A_585 = arith.index_cast %swap3A_584 : i32 to index
      %swap3A_586 = arith.constant 48 : index
      %swap3A_587 = tpu.vector_load %arg10[%swap3A_585, %swap3A_586] {strides = array<i32>} : memref<8x128xf32, #tpu.memory_space<vmem>>, vector<16xf32>,
      tpu.vector_store %arg10[%swap3A_585, %swap3A_586], %gather3A_583 {strides = array<i32>} : memref<8x128xf32, #tpu.memory_space<vmem>>, vector<16xf32>,
      %get3A_588 = arith.constant 6 : i32
      %get3A_589 = arith.index_cast %get3A_588 : i32 to index
      %get3A_590 = arith.constant 64 : index
      %get3A_591 = tpu.vector_load %arg9[%get3A_589, %get3A_590] {strides = array<i32>} : memref<8x128xi32, #tpu.memory_space<vmem>>, vector<16xi32>,
      %add3A_592 = arith.addi %get3A_591, %add3A_67 : vector<16xi32>
      %gather3A_593 = tpu.vector_load_idx %arg6[%add3A_592] : memref<16384xf32, #tpu.memory_space<vmem>>[vector<16xi32>], vector<16xf32>,
      %swap3A_594 = arith.constant 6 : i32
      %swap3A_595 = arith.index_cast %swap3A_594 : i32 to index
      %swap3A_596 = arith.constant 64 : index
      %swap3A_597 = tpu.vector_load %arg10[%swap3A_595, %swap3A_596] {strides = array<i32>} : memref<8x128xf32, #tpu.memory_space<vmem>>, vector<16xf32>,
      tpu.vector_store %arg10[%swap3A_595, %swap3A_596], %gather3A_593 {strides = array<i32>} : memref<8x128xf32, #tpu.memory_space<vmem>>, vector<16xf32>,
      %get3A_598 = arith.constant 6 : i32
      %get3A_599 = arith.index_cast %get3A_598 : i32 to index
      %get3A_600 = arith.constant 80 : index
      %get3A_601 = tpu.vector_load %arg9[%get3A_599, %get3A_600] {strides = array<i32>} : memref<8x128xi32, #tpu.memory_space<vmem>>, vector<16xi32>,
      %add3A_602 = arith.addi %get3A_601, %add3A_67 : vector<16xi32>
      %gather3A_603 = tpu.vector_load_idx %arg6[%add3A_602] : memref<16384xf32, #tpu.memory_space<vmem>>[vector<16xi32>], vector<16xf32>,
      %swap3A_604 = arith.constant 6 : i32
      %swap3A_605 = arith.index_cast %swap3A_604 : i32 to index
      %swap3A_606 = arith.constant 80 : index
      %swap3A_607 = tpu.vector_load %arg10[%swap3A_605, %swap3A_606] {strides = array<i32>} : memref<8x128xf32, #tpu.memory_space<vmem>>, vector<16xf32>,
      tpu.vector_store %arg10[%swap3A_605, %swap3A_606], %gather3A_603 {strides = array<i32>} : memref<8x128xf32, #tpu.memory_space<vmem>>, vector<16xf32>,
      %get3A_608 = arith.constant 6 : i32
      %get3A_609 = arith.index_cast %get3A_608 : i32 to index
      %get3A_610 = arith.constant 96 : index
      %get3A_611 = tpu.vector_load %arg9[%get3A_609, %get3A_610] {strides = array<i32>} : memref<8x128xi32, #tpu.memory_space<vmem>>, vector<16xi32>,
      %add3A_612 = arith.addi %get3A_611, %add3A_67 : vector<16xi32>
      %gather3A_613 = tpu.vector_load_idx %arg6[%add3A_612] : memref<16384xf32, #tpu.memory_space<vmem>>[vector<16xi32>], vector<16xf32>,
      %swap3A_614 = arith.constant 6 : i32
      %swap3A_615 = arith.index_cast %swap3A_614 : i32 to index
      %swap3A_616 = arith.constant 96 : index
      %swap3A_617 = tpu.vector_load %arg10[%swap3A_615, %swap3A_616] {strides = array<i32>} : memref<8x128xf32, #tpu.memory_space<vmem>>, vector<16xf32>,
      tpu.vector_store %arg10[%swap3A_615, %swap3A_616], %gather3A_613 {strides = array<i32>} : memref<8x128xf32, #tpu.memory_space<vmem>>, vector<16xf32>,
      %get3A_618 = arith.constant 6 : i32
      %get3A_619 = arith.index_cast %get3A_618 : i32 to index
      %get3A_620 = arith.constant 112 : index
      %get3A_621 = tpu.vector_load %arg9[%get3A_619, %get3A_620] {strides = array<i32>} : memref<8x128xi32, #tpu.memory_space<vmem>>, vector<16xi32>,
      %add3A_622 = arith.addi %get3A_621, %add3A_67 : vector<16xi32>
      %gather3A_623 = tpu.vector_load_idx %arg6[%add3A_622] : memref<16384xf32, #tpu.memory_space<vmem>>[vector<16xi32>], vector<16xf32>,
      %swap3A_624 = arith.constant 6 : i32
      %swap3A_625 = arith.index_cast %swap3A_624 : i32 to index
      %swap3A_626 = arith.constant 112 : index
      %swap3A_627 = tpu.vector_load %arg10[%swap3A_625, %swap3A_626] {strides = array<i32>} : memref<8x128xf32, #tpu.memory_space<vmem>>, vector<16xf32>,
      tpu.vector_store %arg10[%swap3A_625, %swap3A_626], %gather3A_623 {strides = array<i32>} : memref<8x128xf32, #tpu.memory_space<vmem>>, vector<16xf32>,
      %get3A_628 = arith.constant 7 : i32
      %get3A_629 = arith.index_cast %get3A_628 : i32 to index
      %get3A_630 = arith.constant 0 : index
      %get3A_631 = tpu.vector_load %arg9[%get3A_629, %get3A_630] {strides = array<i32>} : memref<8x128xi32, #tpu.memory_space<vmem>>, vector<16xi32>,
      %add3A_632 = arith.addi %get3A_631, %add3A_67 : vector<16xi32>
      %gather3A_633 = tpu.vector_load_idx %arg6[%add3A_632] : memref<16384xf32, #tpu.memory_space<vmem>>[vector<16xi32>], vector<16xf32>,
      %swap3A_634 = arith.constant 7 : i32
      %swap3A_635 = arith.index_cast %swap3A_634 : i32 to index
      %swap3A_636 = arith.constant 0 : index
      %swap3A_637 = tpu.vector_load %arg10[%swap3A_635, %swap3A_636] {strides = array<i32>} : memref<8x128xf32, #tpu.memory_space<vmem>>, vector<16xf32>,
      tpu.vector_store %arg10[%swap3A_635, %swap3A_636], %gather3A_633 {strides = array<i32>} : memref<8x128xf32, #tpu.memory_space<vmem>>, vector<16xf32>,
      %get3A_638 = arith.constant 7 : i32
      %get3A_639 = arith.index_cast %get3A_638 : i32 to index
      %get3A_640 = arith.constant 16 : index
      %get3A_641 = tpu.vector_load %arg9[%get3A_639, %get3A_640] {strides = array<i32>} : memref<8x128xi32, #tpu.memory_space<vmem>>, vector<16xi32>,
      %add3A_642 = arith.addi %get3A_641, %add3A_67 : vector<16xi32>
      %gather3A_643 = tpu.vector_load_idx %arg6[%add3A_642] : memref<16384xf32, #tpu.memory_space<vmem>>[vector<16xi32>], vector<16xf32>,
      %swap3A_644 = arith.constant 7 : i32
      %swap3A_645 = arith.index_cast %swap3A_644 : i32 to index
      %swap3A_646 = arith.constant 16 : index
      %swap3A_647 = tpu.vector_load %arg10[%swap3A_645, %swap3A_646] {strides = array<i32>} : memref<8x128xf32, #tpu.memory_space<vmem>>, vector<16xf32>,
      tpu.vector_store %arg10[%swap3A_645, %swap3A_646], %gather3A_643 {strides = array<i32>} : memref<8x128xf32, #tpu.memory_space<vmem>>, vector<16xf32>,
      %get3A_648 = arith.constant 7 : i32
      %get3A_649 = arith.index_cast %get3A_648 : i32 to index
      %get3A_650 = arith.constant 32 : index
      %get3A_651 = tpu.vector_load %arg9[%get3A_649, %get3A_650] {strides = array<i32>} : memref<8x128xi32, #tpu.memory_space<vmem>>, vector<16xi32>,
      %add3A_652 = arith.addi %get3A_651, %add3A_67 : vector<16xi32>
      %gather3A_653 = tpu.vector_load_idx %arg6[%add3A_652] : memref<16384xf32, #tpu.memory_space<vmem>>[vector<16xi32>], vector<16xf32>,
      %swap3A_654 = arith.constant 7 : i32
      %swap3A_655 = arith.index_cast %swap3A_654 : i32 to index
      %swap3A_656 = arith.constant 32 : index
      %swap3A_657 = tpu.vector_load %arg10[%swap3A_655, %swap3A_656] {strides = array<i32>} : memref<8x128xf32, #tpu.memory_space<vmem>>, vector<16xf32>,
      tpu.vector_store %arg10[%swap3A_655, %swap3A_656], %gather3A_653 {strides = array<i32>} : memref<8x128xf32, #tpu.memory_space<vmem>>, vector<16xf32>,
      %get3A_658 = arith.constant 7 : i32
      %get3A_659 = arith.index_cast %get3A_658 : i32 to index
      %get3A_660 = arith.constant 48 : index
      %get3A_661 = tpu.vector_load %arg9[%get3A_659, %get3A_660] {strides = array<i32>} : memref<8x128xi32, #tpu.memory_space<vmem>>, vector<16xi32>,
      %add3A_662 = arith.addi %get3A_661, %add3A_67 : vector<16xi32>
      %gather3A_663 = tpu.vector_load_idx %arg6[%add3A_662] : memref<16384xf32, #tpu.memory_space<vmem>>[vector<16xi32>], vector<16xf32>,
      %swap3A_664 = arith.constant 7 : i32
      %swap3A_665 = arith.index_cast %swap3A_664 : i32 to index
      %swap3A_666 = arith.constant 48 : index
      %swap3A_667 = tpu.vector_load %arg10[%swap3A_665, %swap3A_666] {strides = array<i32>} : memref<8x128xf32, #tpu.memory_space<vmem>>, vector<16xf32>,
      tpu.vector_store %arg10[%swap3A_665, %swap3A_666], %gather3A_663 {strides = array<i32>} : memref<8x128xf32, #tpu.memory_space<vmem>>, vector<16xf32>,
      %get3A_668 = arith.constant 7 : i32
      %get3A_669 = arith.index_cast %get3A_668 : i32 to index
      %get3A_670 = arith.constant 64 : index
      %get3A_671 = tpu.vector_load %arg9[%get3A_669, %get3A_670] {strides = array<i32>} : memref<8x128xi32, #tpu.memory_space<vmem>>, vector<16xi32>,
      %add3A_672 = arith.addi %get3A_671, %add3A_67 : vector<16xi32>
      %gather3A_673 = tpu.vector_load_idx %arg6[%add3A_672] : memref<16384xf32, #tpu.memory_space<vmem>>[vector<16xi32>], vector<16xf32>,
      %swap3A_674 = arith.constant 7 : i32
      %swap3A_675 = arith.index_cast %swap3A_674 : i32 to index
      %swap3A_676 = arith.constant 64 : index
      %swap3A_677 = tpu.vector_load %arg10[%swap3A_675, %swap3A_676] {strides = array<i32>} : memref<8x128xf32, #tpu.memory_space<vmem>>, vector<16xf32>,
      tpu.vector_store %arg10[%swap3A_675, %swap3A_676], %gather3A_673 {strides = array<i32>} : memref<8x128xf32, #tpu.memory_space<vmem>>, vector<16xf32>,
      %get3A_678 = arith.constant 7 : i32
      %get3A_679 = arith.index_cast %get3A_678 : i32 to index
      %get3A_680 = arith.constant 80 : index
      %get3A_681 = tpu.vector_load %arg9[%get3A_679, %get3A_680] {strides = array<i32>} : memref<8x128xi32, #tpu.memory_space<vmem>>, vector<16xi32>,
      %add3A_682 = arith.addi %get3A_681, %add3A_67 : vector<16xi32>
      %gather3A_683 = tpu.vector_load_idx %arg6[%add3A_682] : memref<16384xf32, #tpu.memory_space<vmem>>[vector<16xi32>], vector<16xf32>,
      %swap3A_684 = arith.constant 7 : i32
      %swap3A_685 = arith.index_cast %swap3A_684 : i32 to index
      %swap3A_686 = arith.constant 80 : index
      %swap3A_687 = tpu.vector_load %arg10[%swap3A_685, %swap3A_686] {strides = array<i32>} : memref<8x128xf32, #tpu.memory_space<vmem>>, vector<16xf32>,
      tpu.vector_store %arg10[%swap3A_685, %swap3A_686], %gather3A_683 {strides = array<i32>} : memref<8x128xf32, #tpu.memory_space<vmem>>, vector<16xf32>,
      %get3A_688 = arith.constant 7 : i32
      %get3A_689 = arith.index_cast %get3A_688 : i32 to index
      %get3A_690 = arith.constant 96 : index
      %get3A_691 = tpu.vector_load %arg9[%get3A_689, %get3A_690] {strides = array<i32>} : memref<8x128xi32, #tpu.memory_space<vmem>>, vector<16xi32>,
      %add3A_692 = arith.addi %get3A_691, %add3A_67 : vector<16xi32>
      %gather3A_693 = tpu.vector_load_idx %arg6[%add3A_692] : memref<16384xf32, #tpu.memory_space<vmem>>[vector<16xi32>], vector<16xf32>,
      %swap3A_694 = arith.constant 7 : i32
      %swap3A_695 = arith.index_cast %swap3A_694 : i32 to index
      %swap3A_696 = arith.constant 96 : index
      %swap3A_697 = tpu.vector_load %arg10[%swap3A_695, %swap3A_696] {strides = array<i32>} : memref<8x128xf32, #tpu.memory_space<vmem>>, vector<16xf32>,
      tpu.vector_store %arg10[%swap3A_695, %swap3A_696], %gather3A_693 {strides = array<i32>} : memref<8x128xf32, #tpu.memory_space<vmem>>, vector<16xf32>,
      %get3A_698 = arith.constant 7 : i32
      %get3A_699 = arith.index_cast %get3A_698 : i32 to index
      %get3A_700 = arith.constant 112 : index
      %get3A_701 = tpu.vector_load %arg9[%get3A_699, %get3A_700] {strides = array<i32>} : memref<8x128xi32, #tpu.memory_space<vmem>>, vector<16xi32>,
      %add3A_702 = arith.addi %get3A_701, %add3A_67 : vector<16xi32>
      %gather3A_703 = tpu.vector_load_idx %arg6[%add3A_702] : memref<16384xf32, #tpu.memory_space<vmem>>[vector<16xi32>], vector<16xf32>,
      %swap3A_704 = arith.constant 7 : i32
      %swap3A_705 = arith.index_cast %swap3A_704 : i32 to index
      %swap3A_706 = arith.constant 112 : index
      %swap3A_707 = tpu.vector_load %arg10[%swap3A_705, %swap3A_706] {strides = array<i32>} : memref<8x128xf32, #tpu.memory_space<vmem>>, vector<16xf32>,
      tpu.vector_store %arg10[%swap3A_705, %swap3A_706], %gather3A_703 {strides = array<i32>} : memref<8x128xf32, #tpu.memory_space<vmem>>, vector<16xf32>,
      "tpu.region"() ({
        %run_scoped3A = tpu.sem_alloc : memref<!tpu.dma_semaphore, #tpu.memory_space<semaphore_mem>>
        %dma_start3A = arith.constant 0 : i32
        %dma_start3A_708 = arith.constant 0 : i32
        %dma_start3A_709 = tpu.memref_slice %arg5[%add3A, %dma_start3A, %dma_start3A_708] : memref<16x8x128xf32, #tpu.memory_space<hbm>> -> memref<1x8x128xf32, #tpu.memory_space<hbm>>
        %dma_start3A_710 = tpu.memref_squeeze %dma_start3A_709 : memref<1x8x128xf32, #tpu.memory_space<hbm>> -> memref<8x128xf32, #tpu.memory_space<hbm>>
        %dma_start3A_711 = arith.constant 0 : i32
        %dma_start3A_712 = arith.constant 0 : i32
        %dma_start3A_713 = tpu.memref_slice %arg5[%add3A, %dma_start3A_711, %dma_start3A_712] : memref<16x8x128xf32, #tpu.memory_space<hbm>> -> memref<1x8x128xf32, #tpu.memory_space<hbm>>
        %dma_start3A_714 = tpu.memref_squeeze %dma_start3A_713 : memref<1x8x128xf32, #tpu.memory_space<hbm>> -> memref<8x128xf32, #tpu.memory_space<hbm>>
        tpu.enqueue_dma source(%arg10 : memref<8x128xf32, #tpu.memory_space<vmem>>) target(%dma_start3A_714 : memref<8x128xf32, #tpu.memory_space<hbm>>) target_semaphore(%run_scoped3A : memref<!tpu.dma_semaphore, #tpu.memory_space<semaphore_mem>>)
        %dma_wait3A = arith.constant 0 : i32
        %dma_wait3A_715 = arith.constant 0 : i32
        %dma_wait3A_716 = tpu.memref_slice %arg5[%add3A, %dma_wait3A, %dma_wait3A_715] : memref<16x8x128xf32, #tpu.memory_space<hbm>> -> memref<1x8x128xf32, #tpu.memory_space<hbm>>
        %dma_wait3A_717 = tpu.memref_squeeze %dma_wait3A_716 : memref<1x8x128xf32, #tpu.memory_space<hbm>> -> memref<8x128xf32, #tpu.memory_space<hbm>>
        %dma_wait3A_718 = arith.constant 0 : i32
        %dma_wait3A_719 = arith.constant 0 : i32
        %dma_wait3A_720 = tpu.memref_slice %arg5[%add3A, %dma_wait3A_718, %dma_wait3A_719] : memref<16x8x128xf32, #tpu.memory_space<hbm>> -> memref<1x8x128xf32, #tpu.memory_space<hbm>>
        %dma_wait3A_721 = tpu.memref_squeeze %dma_wait3A_720 : memref<1x8x128xf32, #tpu.memory_space<hbm>> -> memref<8x128xf32, #tpu.memory_space<hbm>>
        tpu.wait_dma2 semaphore(%run_scoped3A : memref<!tpu.dma_semaphore, #tpu.memory_space<semaphore_mem>>) src(%arg10 : memref<8x128xf32, #tpu.memory_space<vmem>>) dst(%dma_wait3A_721 : memref<8x128xf32, #tpu.memory_space<hbm>>)
        tpu.yield
      }) : () -> ()
    } else {
    }
    return
  }
}

module attributes {stable_mosaic.version = 14 : i64} {
  func.func @body(%arg0: i32, %arg1: memref<4x8x128xf32, #tpu.memory_space<vmem>>, %arg2: memref<1x1xf32, #tpu.memory_space<vmem>>) attributes {dimension_semantics = [#tpu.dimension_semantics<arbitrary>], iteration_bounds = array<i64: 4>, scalar_prefetch = 0 : i64, scratch_operands = 0 : i64, tpu.core_type = #tpu.core_type<tc>, window_params = [{transform_indices = @transform_0, window_bounds = array<i64: 4, 8, 128>}, {pipeline_mode = #tpu.pipeline_mode<synchronous>, transform_indices = @transform_1, window_bounds = array<i64: 1, 1>}]} {
    %get3A = arith.constant 0 : index
    %get3A_0 = arith.constant 0 : index
    %get3A_1 = arith.constant 0 : index
    %get3A_2 = vector.load %arg1[%get3A, %get3A_0, %get3A_1] : memref<4x8x128xf32, #tpu.memory_space<vmem>>, vector<1x8x128xf32>
    %get3A_3 = vector.shape_cast %get3A_2 : vector<1x8x128xf32> to vector<8x128xf32>
    %transpose3A = tpu.transpose %get3A_3, [1, 0] : vector<8x128xf32> -> vector<128x8xf32>
    %broadcast_in_dim3A = arith.constant 0.000000e+00 : f32
    %broadcast_in_dim3A_4 = vector.broadcast %broadcast_in_dim3A : f32 to vector<128x128xf32>
    %slice3A = vector.extract_strided_slice %get3A_3 {offsets = [0, 0], sizes = [1, 128], strides = [1, 1]} : vector<8x128xf32> to vector<1x128xf32>
    %add3A = arith.constant 1.000000e-01 : f32
    %add3A_5 = vector.broadcast %add3A : f32 to vector<1x128xf32>
    %add3A_6 = arith.addf %slice3A, %add3A_5 : vector<1x128xf32>
    %slice3A_7 = vector.extract_strided_slice %transpose3A {offsets = [0, 0], sizes = [128, 1], strides = [1, 1]} : vector<128x8xf32> to vector<128x1xf32>
    %sub3A = vector.broadcast %add3A_6 : vector<1x128xf32> to vector<128x128xf32>
    %sub3A_8 = vector.broadcast %slice3A_7 : vector<128x1xf32> to vector<128x128xf32>
    %sub3A_9 = arith.subf %sub3A, %sub3A_8 : vector<128x128xf32>
    %max3A = arith.constant 0.000000e+00 : f32
    %max3A_10 = vector.broadcast %max3A : f32 to vector<128x128xf32>
    %max3A_11 = arith.maximumf %sub3A_9, %max3A_10 : vector<128x128xf32>
    %iota3A = tpu.iota {dimensions = array<i32: 0>} : vector<128x128xi32>
    %iota3A_12 = tpu.iota {dimensions = array<i32: 1>} : vector<128x128xi32>
    %gt3A = arith.cmpi sgt, %iota3A_12, %iota3A : vector<128x128xi32>
    %jit3A = arith.constant 0.000000e+00 : f32
    %broadcast_in_dim3A_13 = vector.broadcast %jit3A : f32 to vector<128x128xf32>
    %select_n3A = arith.select %gt3A, %max3A_11, %broadcast_in_dim3A_13 : vector<128x128xi1>, vector<128x128xf32>
    %add3A_14 = arith.addf %broadcast_in_dim3A_4, %select_n3A : vector<128x128xf32>
    %slice3A_15 = vector.extract_strided_slice %get3A_3 {offsets = [1, 0], sizes = [1, 128], strides = [1, 1]} : vector<8x128xf32> to vector<1x128xf32>
    %add3A_16 = arith.constant 1.000000e-01 : f32
    %add3A_17 = vector.broadcast %add3A_16 : f32 to vector<1x128xf32>
    %add3A_18 = arith.addf %slice3A_15, %add3A_17 : vector<1x128xf32>
    %slice3A_19 = vector.extract_strided_slice %transpose3A {offsets = [0, 0], sizes = [128, 1], strides = [1, 1]} : vector<128x8xf32> to vector<128x1xf32>
    %sub3A_20 = vector.broadcast %add3A_18 : vector<1x128xf32> to vector<128x128xf32>
    %sub3A_21 = vector.broadcast %slice3A_19 : vector<128x1xf32> to vector<128x128xf32>
    %sub3A_22 = arith.subf %sub3A_20, %sub3A_21 : vector<128x128xf32>
    %max3A_23 = arith.constant 0.000000e+00 : f32
    %max3A_24 = vector.broadcast %max3A_23 : f32 to vector<128x128xf32>
    %max3A_25 = arith.maximumf %sub3A_22, %max3A_24 : vector<128x128xf32>
    %add3A_26 = arith.addf %add3A_14, %max3A_25 : vector<128x128xf32>
    %slice3A_27 = vector.extract_strided_slice %transpose3A {offsets = [0, 1], sizes = [128, 1], strides = [1, 1]} : vector<128x8xf32> to vector<128x1xf32>
    %sub3A_28 = vector.broadcast %add3A_18 : vector<1x128xf32> to vector<128x128xf32>
    %sub3A_29 = vector.broadcast %slice3A_27 : vector<128x1xf32> to vector<128x128xf32>
    %sub3A_30 = arith.subf %sub3A_28, %sub3A_29 : vector<128x128xf32>
    %max3A_31 = arith.constant 0.000000e+00 : f32
    %max3A_32 = vector.broadcast %max3A_31 : f32 to vector<128x128xf32>
    %max3A_33 = arith.maximumf %sub3A_30, %max3A_32 : vector<128x128xf32>
    %iota3A_34 = tpu.iota {dimensions = array<i32: 0>} : vector<128x128xi32>
    %iota3A_35 = tpu.iota {dimensions = array<i32: 1>} : vector<128x128xi32>
    %gt3A_36 = arith.cmpi sgt, %iota3A_35, %iota3A_34 : vector<128x128xi32>
    %jit3A_37 = arith.constant 0.000000e+00 : f32
    %broadcast_in_dim3A_38 = vector.broadcast %jit3A_37 : f32 to vector<128x128xf32>
    %select_n3A_39 = arith.select %gt3A_36, %max3A_33, %broadcast_in_dim3A_38 : vector<128x128xi1>, vector<128x128xf32>
    %add3A_40 = arith.addf %add3A_26, %select_n3A_39 : vector<128x128xf32>
    %slice3A_41 = vector.extract_strided_slice %get3A_3 {offsets = [2, 0], sizes = [1, 128], strides = [1, 1]} : vector<8x128xf32> to vector<1x128xf32>
    %add3A_42 = arith.constant 1.000000e-01 : f32
    %add3A_43 = vector.broadcast %add3A_42 : f32 to vector<1x128xf32>
    %add3A_44 = arith.addf %slice3A_41, %add3A_43 : vector<1x128xf32>
    %slice3A_45 = vector.extract_strided_slice %transpose3A {offsets = [0, 0], sizes = [128, 1], strides = [1, 1]} : vector<128x8xf32> to vector<128x1xf32>
    %sub3A_46 = vector.broadcast %add3A_44 : vector<1x128xf32> to vector<128x128xf32>
    %sub3A_47 = vector.broadcast %slice3A_45 : vector<128x1xf32> to vector<128x128xf32>
    %sub3A_48 = arith.subf %sub3A_46, %sub3A_47 : vector<128x128xf32>
    %max3A_49 = arith.constant 0.000000e+00 : f32
    %max3A_50 = vector.broadcast %max3A_49 : f32 to vector<128x128xf32>
    %max3A_51 = arith.maximumf %sub3A_48, %max3A_50 : vector<128x128xf32>
    %add3A_52 = arith.addf %add3A_40, %max3A_51 : vector<128x128xf32>
    %slice3A_53 = vector.extract_strided_slice %transpose3A {offsets = [0, 1], sizes = [128, 1], strides = [1, 1]} : vector<128x8xf32> to vector<128x1xf32>
    %sub3A_54 = vector.broadcast %add3A_44 : vector<1x128xf32> to vector<128x128xf32>
    %sub3A_55 = vector.broadcast %slice3A_53 : vector<128x1xf32> to vector<128x128xf32>
    %sub3A_56 = arith.subf %sub3A_54, %sub3A_55 : vector<128x128xf32>
    %max3A_57 = arith.constant 0.000000e+00 : f32
    %max3A_58 = vector.broadcast %max3A_57 : f32 to vector<128x128xf32>
    %max3A_59 = arith.maximumf %sub3A_56, %max3A_58 : vector<128x128xf32>
    %add3A_60 = arith.addf %add3A_52, %max3A_59 : vector<128x128xf32>
    %slice3A_61 = vector.extract_strided_slice %transpose3A {offsets = [0, 2], sizes = [128, 1], strides = [1, 1]} : vector<128x8xf32> to vector<128x1xf32>
    %sub3A_62 = vector.broadcast %add3A_44 : vector<1x128xf32> to vector<128x128xf32>
    %sub3A_63 = vector.broadcast %slice3A_61 : vector<128x1xf32> to vector<128x128xf32>
    %sub3A_64 = arith.subf %sub3A_62, %sub3A_63 : vector<128x128xf32>
    %max3A_65 = arith.constant 0.000000e+00 : f32
    %max3A_66 = vector.broadcast %max3A_65 : f32 to vector<128x128xf32>
    %max3A_67 = arith.maximumf %sub3A_64, %max3A_66 : vector<128x128xf32>
    %iota3A_68 = tpu.iota {dimensions = array<i32: 0>} : vector<128x128xi32>
    %iota3A_69 = tpu.iota {dimensions = array<i32: 1>} : vector<128x128xi32>
    %gt3A_70 = arith.cmpi sgt, %iota3A_69, %iota3A_68 : vector<128x128xi32>
    %jit3A_71 = arith.constant 0.000000e+00 : f32
    %broadcast_in_dim3A_72 = vector.broadcast %jit3A_71 : f32 to vector<128x128xf32>
    %select_n3A_73 = arith.select %gt3A_70, %max3A_67, %broadcast_in_dim3A_72 : vector<128x128xi1>, vector<128x128xf32>
    %add3A_74 = arith.addf %add3A_60, %select_n3A_73 : vector<128x128xf32>
    %slice3A_75 = vector.extract_strided_slice %get3A_3 {offsets = [3, 0], sizes = [1, 128], strides = [1, 1]} : vector<8x128xf32> to vector<1x128xf32>
    %add3A_76 = arith.constant 1.000000e-01 : f32
    %add3A_77 = vector.broadcast %add3A_76 : f32 to vector<1x128xf32>
    %add3A_78 = arith.addf %slice3A_75, %add3A_77 : vector<1x128xf32>
    %slice3A_79 = vector.extract_strided_slice %transpose3A {offsets = [0, 0], sizes = [128, 1], strides = [1, 1]} : vector<128x8xf32> to vector<128x1xf32>
    %sub3A_80 = vector.broadcast %add3A_78 : vector<1x128xf32> to vector<128x128xf32>
    %sub3A_81 = vector.broadcast %slice3A_79 : vector<128x1xf32> to vector<128x128xf32>
    %sub3A_82 = arith.subf %sub3A_80, %sub3A_81 : vector<128x128xf32>
    %max3A_83 = arith.constant 0.000000e+00 : f32
    %max3A_84 = vector.broadcast %max3A_83 : f32 to vector<128x128xf32>
    %max3A_85 = arith.maximumf %sub3A_82, %max3A_84 : vector<128x128xf32>
    %add3A_86 = arith.addf %add3A_74, %max3A_85 : vector<128x128xf32>
    %slice3A_87 = vector.extract_strided_slice %transpose3A {offsets = [0, 1], sizes = [128, 1], strides = [1, 1]} : vector<128x8xf32> to vector<128x1xf32>
    %sub3A_88 = vector.broadcast %add3A_78 : vector<1x128xf32> to vector<128x128xf32>
    %sub3A_89 = vector.broadcast %slice3A_87 : vector<128x1xf32> to vector<128x128xf32>
    %sub3A_90 = arith.subf %sub3A_88, %sub3A_89 : vector<128x128xf32>
    %max3A_91 = arith.constant 0.000000e+00 : f32
    %max3A_92 = vector.broadcast %max3A_91 : f32 to vector<128x128xf32>
    %max3A_93 = arith.maximumf %sub3A_90, %max3A_92 : vector<128x128xf32>
    %add3A_94 = arith.addf %add3A_86, %max3A_93 : vector<128x128xf32>
    %slice3A_95 = vector.extract_strided_slice %transpose3A {offsets = [0, 2], sizes = [128, 1], strides = [1, 1]} : vector<128x8xf32> to vector<128x1xf32>
    %sub3A_96 = vector.broadcast %add3A_78 : vector<1x128xf32> to vector<128x128xf32>
    %sub3A_97 = vector.broadcast %slice3A_95 : vector<128x1xf32> to vector<128x128xf32>
    %sub3A_98 = arith.subf %sub3A_96, %sub3A_97 : vector<128x128xf32>
    %max3A_99 = arith.constant 0.000000e+00 : f32
    %max3A_100 = vector.broadcast %max3A_99 : f32 to vector<128x128xf32>
    %max3A_101 = arith.maximumf %sub3A_98, %max3A_100 : vector<128x128xf32>
    %add3A_102 = arith.addf %add3A_94, %max3A_101 : vector<128x128xf32>
    %slice3A_103 = vector.extract_strided_slice %transpose3A {offsets = [0, 3], sizes = [128, 1], strides = [1, 1]} : vector<128x8xf32> to vector<128x1xf32>
    %sub3A_104 = vector.broadcast %add3A_78 : vector<1x128xf32> to vector<128x128xf32>
    %sub3A_105 = vector.broadcast %slice3A_103 : vector<128x1xf32> to vector<128x128xf32>
    %sub3A_106 = arith.subf %sub3A_104, %sub3A_105 : vector<128x128xf32>
    %max3A_107 = arith.constant 0.000000e+00 : f32
    %max3A_108 = vector.broadcast %max3A_107 : f32 to vector<128x128xf32>
    %max3A_109 = arith.maximumf %sub3A_106, %max3A_108 : vector<128x128xf32>
    %iota3A_110 = tpu.iota {dimensions = array<i32: 0>} : vector<128x128xi32>
    %iota3A_111 = tpu.iota {dimensions = array<i32: 1>} : vector<128x128xi32>
    %gt3A_112 = arith.cmpi sgt, %iota3A_111, %iota3A_110 : vector<128x128xi32>
    %jit3A_113 = arith.constant 0.000000e+00 : f32
    %broadcast_in_dim3A_114 = vector.broadcast %jit3A_113 : f32 to vector<128x128xf32>
    %select_n3A_115 = arith.select %gt3A_112, %max3A_109, %broadcast_in_dim3A_114 : vector<128x128xi1>, vector<128x128xf32>
    %add3A_116 = arith.addf %add3A_102, %select_n3A_115 : vector<128x128xf32>
    %slice3A_117 = vector.extract_strided_slice %get3A_3 {offsets = [4, 0], sizes = [1, 128], strides = [1, 1]} : vector<8x128xf32> to vector<1x128xf32>
    %add3A_118 = arith.constant 1.000000e-01 : f32
    %add3A_119 = vector.broadcast %add3A_118 : f32 to vector<1x128xf32>
    %add3A_120 = arith.addf %slice3A_117, %add3A_119 : vector<1x128xf32>
    %slice3A_121 = vector.extract_strided_slice %transpose3A {offsets = [0, 0], sizes = [128, 1], strides = [1, 1]} : vector<128x8xf32> to vector<128x1xf32>
    %sub3A_122 = vector.broadcast %add3A_120 : vector<1x128xf32> to vector<128x128xf32>
    %sub3A_123 = vector.broadcast %slice3A_121 : vector<128x1xf32> to vector<128x128xf32>
    %sub3A_124 = arith.subf %sub3A_122, %sub3A_123 : vector<128x128xf32>
    %max3A_125 = arith.constant 0.000000e+00 : f32
    %max3A_126 = vector.broadcast %max3A_125 : f32 to vector<128x128xf32>
    %max3A_127 = arith.maximumf %sub3A_124, %max3A_126 : vector<128x128xf32>
    %add3A_128 = arith.addf %add3A_116, %max3A_127 : vector<128x128xf32>
    %slice3A_129 = vector.extract_strided_slice %transpose3A {offsets = [0, 1], sizes = [128, 1], strides = [1, 1]} : vector<128x8xf32> to vector<128x1xf32>
    %sub3A_130 = vector.broadcast %add3A_120 : vector<1x128xf32> to vector<128x128xf32>
    %sub3A_131 = vector.broadcast %slice3A_129 : vector<128x1xf32> to vector<128x128xf32>
    %sub3A_132 = arith.subf %sub3A_130, %sub3A_131 : vector<128x128xf32>
    %max3A_133 = arith.constant 0.000000e+00 : f32
    %max3A_134 = vector.broadcast %max3A_133 : f32 to vector<128x128xf32>
    %max3A_135 = arith.maximumf %sub3A_132, %max3A_134 : vector<128x128xf32>
    %add3A_136 = arith.addf %add3A_128, %max3A_135 : vector<128x128xf32>
    %slice3A_137 = vector.extract_strided_slice %transpose3A {offsets = [0, 2], sizes = [128, 1], strides = [1, 1]} : vector<128x8xf32> to vector<128x1xf32>
    %sub3A_138 = vector.broadcast %add3A_120 : vector<1x128xf32> to vector<128x128xf32>
    %sub3A_139 = vector.broadcast %slice3A_137 : vector<128x1xf32> to vector<128x128xf32>
    %sub3A_140 = arith.subf %sub3A_138, %sub3A_139 : vector<128x128xf32>
    %max3A_141 = arith.constant 0.000000e+00 : f32
    %max3A_142 = vector.broadcast %max3A_141 : f32 to vector<128x128xf32>
    %max3A_143 = arith.maximumf %sub3A_140, %max3A_142 : vector<128x128xf32>
    %add3A_144 = arith.addf %add3A_136, %max3A_143 : vector<128x128xf32>
    %slice3A_145 = vector.extract_strided_slice %transpose3A {offsets = [0, 3], sizes = [128, 1], strides = [1, 1]} : vector<128x8xf32> to vector<128x1xf32>
    %sub3A_146 = vector.broadcast %add3A_120 : vector<1x128xf32> to vector<128x128xf32>
    %sub3A_147 = vector.broadcast %slice3A_145 : vector<128x1xf32> to vector<128x128xf32>
    %sub3A_148 = arith.subf %sub3A_146, %sub3A_147 : vector<128x128xf32>
    %max3A_149 = arith.constant 0.000000e+00 : f32
    %max3A_150 = vector.broadcast %max3A_149 : f32 to vector<128x128xf32>
    %max3A_151 = arith.maximumf %sub3A_148, %max3A_150 : vector<128x128xf32>
    %add3A_152 = arith.addf %add3A_144, %max3A_151 : vector<128x128xf32>
    %slice3A_153 = vector.extract_strided_slice %transpose3A {offsets = [0, 4], sizes = [128, 1], strides = [1, 1]} : vector<128x8xf32> to vector<128x1xf32>
    %sub3A_154 = vector.broadcast %add3A_120 : vector<1x128xf32> to vector<128x128xf32>
    %sub3A_155 = vector.broadcast %slice3A_153 : vector<128x1xf32> to vector<128x128xf32>
    %sub3A_156 = arith.subf %sub3A_154, %sub3A_155 : vector<128x128xf32>
    %max3A_157 = arith.constant 0.000000e+00 : f32
    %max3A_158 = vector.broadcast %max3A_157 : f32 to vector<128x128xf32>
    %max3A_159 = arith.maximumf %sub3A_156, %max3A_158 : vector<128x128xf32>
    %iota3A_160 = tpu.iota {dimensions = array<i32: 0>} : vector<128x128xi32>
    %iota3A_161 = tpu.iota {dimensions = array<i32: 1>} : vector<128x128xi32>
    %gt3A_162 = arith.cmpi sgt, %iota3A_161, %iota3A_160 : vector<128x128xi32>
    %jit3A_163 = arith.constant 0.000000e+00 : f32
    %broadcast_in_dim3A_164 = vector.broadcast %jit3A_163 : f32 to vector<128x128xf32>
    %select_n3A_165 = arith.select %gt3A_162, %max3A_159, %broadcast_in_dim3A_164 : vector<128x128xi1>, vector<128x128xf32>
    %add3A_166 = arith.addf %add3A_152, %select_n3A_165 : vector<128x128xf32>
    %slice3A_167 = vector.extract_strided_slice %get3A_3 {offsets = [5, 0], sizes = [1, 128], strides = [1, 1]} : vector<8x128xf32> to vector<1x128xf32>
    %add3A_168 = arith.constant 1.000000e-01 : f32
    %add3A_169 = vector.broadcast %add3A_168 : f32 to vector<1x128xf32>
    %add3A_170 = arith.addf %slice3A_167, %add3A_169 : vector<1x128xf32>
    %slice3A_171 = vector.extract_strided_slice %transpose3A {offsets = [0, 0], sizes = [128, 1], strides = [1, 1]} : vector<128x8xf32> to vector<128x1xf32>
    %sub3A_172 = vector.broadcast %add3A_170 : vector<1x128xf32> to vector<128x128xf32>
    %sub3A_173 = vector.broadcast %slice3A_171 : vector<128x1xf32> to vector<128x128xf32>
    %sub3A_174 = arith.subf %sub3A_172, %sub3A_173 : vector<128x128xf32>
    %max3A_175 = arith.constant 0.000000e+00 : f32
    %max3A_176 = vector.broadcast %max3A_175 : f32 to vector<128x128xf32>
    %max3A_177 = arith.maximumf %sub3A_174, %max3A_176 : vector<128x128xf32>
    %add3A_178 = arith.addf %add3A_166, %max3A_177 : vector<128x128xf32>
    %slice3A_179 = vector.extract_strided_slice %transpose3A {offsets = [0, 1], sizes = [128, 1], strides = [1, 1]} : vector<128x8xf32> to vector<128x1xf32>
    %sub3A_180 = vector.broadcast %add3A_170 : vector<1x128xf32> to vector<128x128xf32>
    %sub3A_181 = vector.broadcast %slice3A_179 : vector<128x1xf32> to vector<128x128xf32>
    %sub3A_182 = arith.subf %sub3A_180, %sub3A_181 : vector<128x128xf32>
    %max3A_183 = arith.constant 0.000000e+00 : f32
    %max3A_184 = vector.broadcast %max3A_183 : f32 to vector<128x128xf32>
    %max3A_185 = arith.maximumf %sub3A_182, %max3A_184 : vector<128x128xf32>
    %add3A_186 = arith.addf %add3A_178, %max3A_185 : vector<128x128xf32>
    %slice3A_187 = vector.extract_strided_slice %transpose3A {offsets = [0, 2], sizes = [128, 1], strides = [1, 1]} : vector<128x8xf32> to vector<128x1xf32>
    %sub3A_188 = vector.broadcast %add3A_170 : vector<1x128xf32> to vector<128x128xf32>
    %sub3A_189 = vector.broadcast %slice3A_187 : vector<128x1xf32> to vector<128x128xf32>
    %sub3A_190 = arith.subf %sub3A_188, %sub3A_189 : vector<128x128xf32>
    %max3A_191 = arith.constant 0.000000e+00 : f32
    %max3A_192 = vector.broadcast %max3A_191 : f32 to vector<128x128xf32>
    %max3A_193 = arith.maximumf %sub3A_190, %max3A_192 : vector<128x128xf32>
    %add3A_194 = arith.addf %add3A_186, %max3A_193 : vector<128x128xf32>
    %slice3A_195 = vector.extract_strided_slice %transpose3A {offsets = [0, 3], sizes = [128, 1], strides = [1, 1]} : vector<128x8xf32> to vector<128x1xf32>
    %sub3A_196 = vector.broadcast %add3A_170 : vector<1x128xf32> to vector<128x128xf32>
    %sub3A_197 = vector.broadcast %slice3A_195 : vector<128x1xf32> to vector<128x128xf32>
    %sub3A_198 = arith.subf %sub3A_196, %sub3A_197 : vector<128x128xf32>
    %max3A_199 = arith.constant 0.000000e+00 : f32
    %max3A_200 = vector.broadcast %max3A_199 : f32 to vector<128x128xf32>
    %max3A_201 = arith.maximumf %sub3A_198, %max3A_200 : vector<128x128xf32>
    %add3A_202 = arith.addf %add3A_194, %max3A_201 : vector<128x128xf32>
    %slice3A_203 = vector.extract_strided_slice %transpose3A {offsets = [0, 4], sizes = [128, 1], strides = [1, 1]} : vector<128x8xf32> to vector<128x1xf32>
    %sub3A_204 = vector.broadcast %add3A_170 : vector<1x128xf32> to vector<128x128xf32>
    %sub3A_205 = vector.broadcast %slice3A_203 : vector<128x1xf32> to vector<128x128xf32>
    %sub3A_206 = arith.subf %sub3A_204, %sub3A_205 : vector<128x128xf32>
    %max3A_207 = arith.constant 0.000000e+00 : f32
    %max3A_208 = vector.broadcast %max3A_207 : f32 to vector<128x128xf32>
    %max3A_209 = arith.maximumf %sub3A_206, %max3A_208 : vector<128x128xf32>
    %add3A_210 = arith.addf %add3A_202, %max3A_209 : vector<128x128xf32>
    %slice3A_211 = vector.extract_strided_slice %transpose3A {offsets = [0, 5], sizes = [128, 1], strides = [1, 1]} : vector<128x8xf32> to vector<128x1xf32>
    %sub3A_212 = vector.broadcast %add3A_170 : vector<1x128xf32> to vector<128x128xf32>
    %sub3A_213 = vector.broadcast %slice3A_211 : vector<128x1xf32> to vector<128x128xf32>
    %sub3A_214 = arith.subf %sub3A_212, %sub3A_213 : vector<128x128xf32>
    %max3A_215 = arith.constant 0.000000e+00 : f32
    %max3A_216 = vector.broadcast %max3A_215 : f32 to vector<128x128xf32>
    %max3A_217 = arith.maximumf %sub3A_214, %max3A_216 : vector<128x128xf32>
    %iota3A_218 = tpu.iota {dimensions = array<i32: 0>} : vector<128x128xi32>
    %iota3A_219 = tpu.iota {dimensions = array<i32: 1>} : vector<128x128xi32>
    %gt3A_220 = arith.cmpi sgt, %iota3A_219, %iota3A_218 : vector<128x128xi32>
    %jit3A_221 = arith.constant 0.000000e+00 : f32
    %broadcast_in_dim3A_222 = vector.broadcast %jit3A_221 : f32 to vector<128x128xf32>
    %select_n3A_223 = arith.select %gt3A_220, %max3A_217, %broadcast_in_dim3A_222 : vector<128x128xi1>, vector<128x128xf32>
    %add3A_224 = arith.addf %add3A_210, %select_n3A_223 : vector<128x128xf32>
    %slice3A_225 = vector.extract_strided_slice %get3A_3 {offsets = [6, 0], sizes = [1, 128], strides = [1, 1]} : vector<8x128xf32> to vector<1x128xf32>
    %add3A_226 = arith.constant 1.000000e-01 : f32
    %add3A_227 = vector.broadcast %add3A_226 : f32 to vector<1x128xf32>
    %add3A_228 = arith.addf %slice3A_225, %add3A_227 : vector<1x128xf32>
    %slice3A_229 = vector.extract_strided_slice %transpose3A {offsets = [0, 0], sizes = [128, 1], strides = [1, 1]} : vector<128x8xf32> to vector<128x1xf32>
    %sub3A_230 = vector.broadcast %add3A_228 : vector<1x128xf32> to vector<128x128xf32>
    %sub3A_231 = vector.broadcast %slice3A_229 : vector<128x1xf32> to vector<128x128xf32>
    %sub3A_232 = arith.subf %sub3A_230, %sub3A_231 : vector<128x128xf32>
    %max3A_233 = arith.constant 0.000000e+00 : f32
    %max3A_234 = vector.broadcast %max3A_233 : f32 to vector<128x128xf32>
    %max3A_235 = arith.maximumf %sub3A_232, %max3A_234 : vector<128x128xf32>
    %add3A_236 = arith.addf %add3A_224, %max3A_235 : vector<128x128xf32>
    %slice3A_237 = vector.extract_strided_slice %transpose3A {offsets = [0, 1], sizes = [128, 1], strides = [1, 1]} : vector<128x8xf32> to vector<128x1xf32>
    %sub3A_238 = vector.broadcast %add3A_228 : vector<1x128xf32> to vector<128x128xf32>
    %sub3A_239 = vector.broadcast %slice3A_237 : vector<128x1xf32> to vector<128x128xf32>
    %sub3A_240 = arith.subf %sub3A_238, %sub3A_239 : vector<128x128xf32>
    %max3A_241 = arith.constant 0.000000e+00 : f32
    %max3A_242 = vector.broadcast %max3A_241 : f32 to vector<128x128xf32>
    %max3A_243 = arith.maximumf %sub3A_240, %max3A_242 : vector<128x128xf32>
    %add3A_244 = arith.addf %add3A_236, %max3A_243 : vector<128x128xf32>
    %slice3A_245 = vector.extract_strided_slice %transpose3A {offsets = [0, 2], sizes = [128, 1], strides = [1, 1]} : vector<128x8xf32> to vector<128x1xf32>
    %sub3A_246 = vector.broadcast %add3A_228 : vector<1x128xf32> to vector<128x128xf32>
    %sub3A_247 = vector.broadcast %slice3A_245 : vector<128x1xf32> to vector<128x128xf32>
    %sub3A_248 = arith.subf %sub3A_246, %sub3A_247 : vector<128x128xf32>
    %max3A_249 = arith.constant 0.000000e+00 : f32
    %max3A_250 = vector.broadcast %max3A_249 : f32 to vector<128x128xf32>
    %max3A_251 = arith.maximumf %sub3A_248, %max3A_250 : vector<128x128xf32>
    %add3A_252 = arith.addf %add3A_244, %max3A_251 : vector<128x128xf32>
    %slice3A_253 = vector.extract_strided_slice %transpose3A {offsets = [0, 3], sizes = [128, 1], strides = [1, 1]} : vector<128x8xf32> to vector<128x1xf32>
    %sub3A_254 = vector.broadcast %add3A_228 : vector<1x128xf32> to vector<128x128xf32>
    %sub3A_255 = vector.broadcast %slice3A_253 : vector<128x1xf32> to vector<128x128xf32>
    %sub3A_256 = arith.subf %sub3A_254, %sub3A_255 : vector<128x128xf32>
    %max3A_257 = arith.constant 0.000000e+00 : f32
    %max3A_258 = vector.broadcast %max3A_257 : f32 to vector<128x128xf32>
    %max3A_259 = arith.maximumf %sub3A_256, %max3A_258 : vector<128x128xf32>
    %add3A_260 = arith.addf %add3A_252, %max3A_259 : vector<128x128xf32>
    %slice3A_261 = vector.extract_strided_slice %transpose3A {offsets = [0, 4], sizes = [128, 1], strides = [1, 1]} : vector<128x8xf32> to vector<128x1xf32>
    %sub3A_262 = vector.broadcast %add3A_228 : vector<1x128xf32> to vector<128x128xf32>
    %sub3A_263 = vector.broadcast %slice3A_261 : vector<128x1xf32> to vector<128x128xf32>
    %sub3A_264 = arith.subf %sub3A_262, %sub3A_263 : vector<128x128xf32>
    %max3A_265 = arith.constant 0.000000e+00 : f32
    %max3A_266 = vector.broadcast %max3A_265 : f32 to vector<128x128xf32>
    %max3A_267 = arith.maximumf %sub3A_264, %max3A_266 : vector<128x128xf32>
    %add3A_268 = arith.addf %add3A_260, %max3A_267 : vector<128x128xf32>
    %slice3A_269 = vector.extract_strided_slice %transpose3A {offsets = [0, 5], sizes = [128, 1], strides = [1, 1]} : vector<128x8xf32> to vector<128x1xf32>
    %sub3A_270 = vector.broadcast %add3A_228 : vector<1x128xf32> to vector<128x128xf32>
    %sub3A_271 = vector.broadcast %slice3A_269 : vector<128x1xf32> to vector<128x128xf32>
    %sub3A_272 = arith.subf %sub3A_270, %sub3A_271 : vector<128x128xf32>
    %max3A_273 = arith.constant 0.000000e+00 : f32
    %max3A_274 = vector.broadcast %max3A_273 : f32 to vector<128x128xf32>
    %max3A_275 = arith.maximumf %sub3A_272, %max3A_274 : vector<128x128xf32>
    %add3A_276 = arith.addf %add3A_268, %max3A_275 : vector<128x128xf32>
    %slice3A_277 = vector.extract_strided_slice %transpose3A {offsets = [0, 6], sizes = [128, 1], strides = [1, 1]} : vector<128x8xf32> to vector<128x1xf32>
    %sub3A_278 = vector.broadcast %add3A_228 : vector<1x128xf32> to vector<128x128xf32>
    %sub3A_279 = vector.broadcast %slice3A_277 : vector<128x1xf32> to vector<128x128xf32>
    %sub3A_280 = arith.subf %sub3A_278, %sub3A_279 : vector<128x128xf32>
    %max3A_281 = arith.constant 0.000000e+00 : f32
    %max3A_282 = vector.broadcast %max3A_281 : f32 to vector<128x128xf32>
    %max3A_283 = arith.maximumf %sub3A_280, %max3A_282 : vector<128x128xf32>
    %iota3A_284 = tpu.iota {dimensions = array<i32: 0>} : vector<128x128xi32>
    %iota3A_285 = tpu.iota {dimensions = array<i32: 1>} : vector<128x128xi32>
    %gt3A_286 = arith.cmpi sgt, %iota3A_285, %iota3A_284 : vector<128x128xi32>
    %jit3A_287 = arith.constant 0.000000e+00 : f32
    %broadcast_in_dim3A_288 = vector.broadcast %jit3A_287 : f32 to vector<128x128xf32>
    %select_n3A_289 = arith.select %gt3A_286, %max3A_283, %broadcast_in_dim3A_288 : vector<128x128xi1>, vector<128x128xf32>
    %add3A_290 = arith.addf %add3A_276, %select_n3A_289 : vector<128x128xf32>
    %slice3A_291 = vector.extract_strided_slice %get3A_3 {offsets = [7, 0], sizes = [1, 128], strides = [1, 1]} : vector<8x128xf32> to vector<1x128xf32>
    %add3A_292 = arith.constant 1.000000e-01 : f32
    %add3A_293 = vector.broadcast %add3A_292 : f32 to vector<1x128xf32>
    %add3A_294 = arith.addf %slice3A_291, %add3A_293 : vector<1x128xf32>
    %slice3A_295 = vector.extract_strided_slice %transpose3A {offsets = [0, 0], sizes = [128, 1], strides = [1, 1]} : vector<128x8xf32> to vector<128x1xf32>
    %sub3A_296 = vector.broadcast %add3A_294 : vector<1x128xf32> to vector<128x128xf32>
    %sub3A_297 = vector.broadcast %slice3A_295 : vector<128x1xf32> to vector<128x128xf32>
    %sub3A_298 = arith.subf %sub3A_296, %sub3A_297 : vector<128x128xf32>
    %max3A_299 = arith.constant 0.000000e+00 : f32
    %max3A_300 = vector.broadcast %max3A_299 : f32 to vector<128x128xf32>
    %max3A_301 = arith.maximumf %sub3A_298, %max3A_300 : vector<128x128xf32>
    %add3A_302 = arith.addf %add3A_290, %max3A_301 : vector<128x128xf32>
    %slice3A_303 = vector.extract_strided_slice %transpose3A {offsets = [0, 1], sizes = [128, 1], strides = [1, 1]} : vector<128x8xf32> to vector<128x1xf32>
    %sub3A_304 = vector.broadcast %add3A_294 : vector<1x128xf32> to vector<128x128xf32>
    %sub3A_305 = vector.broadcast %slice3A_303 : vector<128x1xf32> to vector<128x128xf32>
    %sub3A_306 = arith.subf %sub3A_304, %sub3A_305 : vector<128x128xf32>
    %max3A_307 = arith.constant 0.000000e+00 : f32
    %max3A_308 = vector.broadcast %max3A_307 : f32 to vector<128x128xf32>
    %max3A_309 = arith.maximumf %sub3A_306, %max3A_308 : vector<128x128xf32>
    %add3A_310 = arith.addf %add3A_302, %max3A_309 : vector<128x128xf32>
    %slice3A_311 = vector.extract_strided_slice %transpose3A {offsets = [0, 2], sizes = [128, 1], strides = [1, 1]} : vector<128x8xf32> to vector<128x1xf32>
    %sub3A_312 = vector.broadcast %add3A_294 : vector<1x128xf32> to vector<128x128xf32>
    %sub3A_313 = vector.broadcast %slice3A_311 : vector<128x1xf32> to vector<128x128xf32>
    %sub3A_314 = arith.subf %sub3A_312, %sub3A_313 : vector<128x128xf32>
    %max3A_315 = arith.constant 0.000000e+00 : f32
    %max3A_316 = vector.broadcast %max3A_315 : f32 to vector<128x128xf32>
    %max3A_317 = arith.maximumf %sub3A_314, %max3A_316 : vector<128x128xf32>
    %add3A_318 = arith.addf %add3A_310, %max3A_317 : vector<128x128xf32>
    %slice3A_319 = vector.extract_strided_slice %transpose3A {offsets = [0, 3], sizes = [128, 1], strides = [1, 1]} : vector<128x8xf32> to vector<128x1xf32>
    %sub3A_320 = vector.broadcast %add3A_294 : vector<1x128xf32> to vector<128x128xf32>
    %sub3A_321 = vector.broadcast %slice3A_319 : vector<128x1xf32> to vector<128x128xf32>
    %sub3A_322 = arith.subf %sub3A_320, %sub3A_321 : vector<128x128xf32>
    %max3A_323 = arith.constant 0.000000e+00 : f32
    %max3A_324 = vector.broadcast %max3A_323 : f32 to vector<128x128xf32>
    %max3A_325 = arith.maximumf %sub3A_322, %max3A_324 : vector<128x128xf32>
    %add3A_326 = arith.addf %add3A_318, %max3A_325 : vector<128x128xf32>
    %slice3A_327 = vector.extract_strided_slice %transpose3A {offsets = [0, 4], sizes = [128, 1], strides = [1, 1]} : vector<128x8xf32> to vector<128x1xf32>
    %sub3A_328 = vector.broadcast %add3A_294 : vector<1x128xf32> to vector<128x128xf32>
    %sub3A_329 = vector.broadcast %slice3A_327 : vector<128x1xf32> to vector<128x128xf32>
    %sub3A_330 = arith.subf %sub3A_328, %sub3A_329 : vector<128x128xf32>
    %max3A_331 = arith.constant 0.000000e+00 : f32
    %max3A_332 = vector.broadcast %max3A_331 : f32 to vector<128x128xf32>
    %max3A_333 = arith.maximumf %sub3A_330, %max3A_332 : vector<128x128xf32>
    %add3A_334 = arith.addf %add3A_326, %max3A_333 : vector<128x128xf32>
    %slice3A_335 = vector.extract_strided_slice %transpose3A {offsets = [0, 5], sizes = [128, 1], strides = [1, 1]} : vector<128x8xf32> to vector<128x1xf32>
    %sub3A_336 = vector.broadcast %add3A_294 : vector<1x128xf32> to vector<128x128xf32>
    %sub3A_337 = vector.broadcast %slice3A_335 : vector<128x1xf32> to vector<128x128xf32>
    %sub3A_338 = arith.subf %sub3A_336, %sub3A_337 : vector<128x128xf32>
    %max3A_339 = arith.constant 0.000000e+00 : f32
    %max3A_340 = vector.broadcast %max3A_339 : f32 to vector<128x128xf32>
    %max3A_341 = arith.maximumf %sub3A_338, %max3A_340 : vector<128x128xf32>
    %add3A_342 = arith.addf %add3A_334, %max3A_341 : vector<128x128xf32>
    %slice3A_343 = vector.extract_strided_slice %transpose3A {offsets = [0, 6], sizes = [128, 1], strides = [1, 1]} : vector<128x8xf32> to vector<128x1xf32>
    %sub3A_344 = vector.broadcast %add3A_294 : vector<1x128xf32> to vector<128x128xf32>
    %sub3A_345 = vector.broadcast %slice3A_343 : vector<128x1xf32> to vector<128x128xf32>
    %sub3A_346 = arith.subf %sub3A_344, %sub3A_345 : vector<128x128xf32>
    %max3A_347 = arith.constant 0.000000e+00 : f32
    %max3A_348 = vector.broadcast %max3A_347 : f32 to vector<128x128xf32>
    %max3A_349 = arith.maximumf %sub3A_346, %max3A_348 : vector<128x128xf32>
    %add3A_350 = arith.addf %add3A_342, %max3A_349 : vector<128x128xf32>
    %slice3A_351 = vector.extract_strided_slice %transpose3A {offsets = [0, 7], sizes = [128, 1], strides = [1, 1]} : vector<128x8xf32> to vector<128x1xf32>
    %sub3A_352 = vector.broadcast %add3A_294 : vector<1x128xf32> to vector<128x128xf32>
    %sub3A_353 = vector.broadcast %slice3A_351 : vector<128x1xf32> to vector<128x128xf32>
    %sub3A_354 = arith.subf %sub3A_352, %sub3A_353 : vector<128x128xf32>
    %max3A_355 = arith.constant 0.000000e+00 : f32
    %max3A_356 = vector.broadcast %max3A_355 : f32 to vector<128x128xf32>
    %max3A_357 = arith.maximumf %sub3A_354, %max3A_356 : vector<128x128xf32>
    %iota3A_358 = tpu.iota {dimensions = array<i32: 0>} : vector<128x128xi32>
    %iota3A_359 = tpu.iota {dimensions = array<i32: 1>} : vector<128x128xi32>
    %gt3A_360 = arith.cmpi sgt, %iota3A_359, %iota3A_358 : vector<128x128xi32>
    %jit3A_361 = arith.constant 0.000000e+00 : f32
    %broadcast_in_dim3A_362 = vector.broadcast %jit3A_361 : f32 to vector<128x128xf32>
    %select_n3A_363 = arith.select %gt3A_360, %max3A_357, %broadcast_in_dim3A_362 : vector<128x128xi1>, vector<128x128xf32>
    %add3A_364 = arith.addf %add3A_350, %select_n3A_363 : vector<128x128xf32>
    %reduce_sum3A = vector.shape_cast %add3A_364 : vector<128x128xf32> to vector<1x128x128xf32>
    %reduce_sum3A_365 = arith.constant dense<0.000000e+00> : vector<1xf32>
    %reduce_sum3A_366 = vector.multi_reduction <add>, %reduce_sum3A, %reduce_sum3A_365 [1, 2] : vector<1x128x128xf32> to vector<1xf32>
    %reduce_sum3A_367 = vector.shape_cast %reduce_sum3A_366 : vector<1xf32> to vector<1x1x1xf32>
    %reduce_sum3A_368 = vector.extract %reduce_sum3A_367[0, 0, 0] : f32 from vector<1x1x1xf32>
    %add3A_369 = arith.constant 0.000000e+00 : f32
    %add3A_370 = arith.addf %add3A_369, %reduce_sum3A_368 : f32
    %get3A_371 = arith.constant 1 : index
    %get3A_372 = arith.constant 0 : index
    %get3A_373 = arith.constant 0 : index
    %get3A_374 = vector.load %arg1[%get3A_371, %get3A_372, %get3A_373] : memref<4x8x128xf32, #tpu.memory_space<vmem>>, vector<1x8x128xf32>
    %get3A_375 = vector.shape_cast %get3A_374 : vector<1x8x128xf32> to vector<8x128xf32>
    %transpose3A_376 = tpu.transpose %get3A_375, [1, 0] : vector<8x128xf32> -> vector<128x8xf32>
    %broadcast_in_dim3A_377 = arith.constant 0.000000e+00 : f32
    %broadcast_in_dim3A_378 = vector.broadcast %broadcast_in_dim3A_377 : f32 to vector<128x128xf32>
    %slice3A_379 = vector.extract_strided_slice %get3A_375 {offsets = [0, 0], sizes = [1, 128], strides = [1, 1]} : vector<8x128xf32> to vector<1x128xf32>
    %add3A_380 = arith.constant 1.000000e-01 : f32
    %add3A_381 = vector.broadcast %add3A_380 : f32 to vector<1x128xf32>
    %add3A_382 = arith.addf %slice3A_379, %add3A_381 : vector<1x128xf32>
    %slice3A_383 = vector.extract_strided_slice %transpose3A_376 {offsets = [0, 0], sizes = [128, 1], strides = [1, 1]} : vector<128x8xf32> to vector<128x1xf32>
    %sub3A_384 = vector.broadcast %add3A_382 : vector<1x128xf32> to vector<128x128xf32>
    %sub3A_385 = vector.broadcast %slice3A_383 : vector<128x1xf32> to vector<128x128xf32>
    %sub3A_386 = arith.subf %sub3A_384, %sub3A_385 : vector<128x128xf32>
    %max3A_387 = arith.constant 0.000000e+00 : f32
    %max3A_388 = vector.broadcast %max3A_387 : f32 to vector<128x128xf32>
    %max3A_389 = arith.maximumf %sub3A_386, %max3A_388 : vector<128x128xf32>
    %iota3A_390 = tpu.iota {dimensions = array<i32: 0>} : vector<128x128xi32>
    %iota3A_391 = tpu.iota {dimensions = array<i32: 1>} : vector<128x128xi32>
    %gt3A_392 = arith.cmpi sgt, %iota3A_391, %iota3A_390 : vector<128x128xi32>
    %jit3A_393 = arith.constant 0.000000e+00 : f32
    %broadcast_in_dim3A_394 = vector.broadcast %jit3A_393 : f32 to vector<128x128xf32>
    %select_n3A_395 = arith.select %gt3A_392, %max3A_389, %broadcast_in_dim3A_394 : vector<128x128xi1>, vector<128x128xf32>
    %add3A_396 = arith.addf %broadcast_in_dim3A_378, %select_n3A_395 : vector<128x128xf32>
    %slice3A_397 = vector.extract_strided_slice %get3A_375 {offsets = [1, 0], sizes = [1, 128], strides = [1, 1]} : vector<8x128xf32> to vector<1x128xf32>
    %add3A_398 = arith.constant 1.000000e-01 : f32
    %add3A_399 = vector.broadcast %add3A_398 : f32 to vector<1x128xf32>
    %add3A_400 = arith.addf %slice3A_397, %add3A_399 : vector<1x128xf32>
    %slice3A_401 = vector.extract_strided_slice %transpose3A_376 {offsets = [0, 0], sizes = [128, 1], strides = [1, 1]} : vector<128x8xf32> to vector<128x1xf32>
    %sub3A_402 = vector.broadcast %add3A_400 : vector<1x128xf32> to vector<128x128xf32>
    %sub3A_403 = vector.broadcast %slice3A_401 : vector<128x1xf32> to vector<128x128xf32>
    %sub3A_404 = arith.subf %sub3A_402, %sub3A_403 : vector<128x128xf32>
    %max3A_405 = arith.constant 0.000000e+00 : f32
    %max3A_406 = vector.broadcast %max3A_405 : f32 to vector<128x128xf32>
    %max3A_407 = arith.maximumf %sub3A_404, %max3A_406 : vector<128x128xf32>
    %add3A_408 = arith.addf %add3A_396, %max3A_407 : vector<128x128xf32>
    %slice3A_409 = vector.extract_strided_slice %transpose3A_376 {offsets = [0, 1], sizes = [128, 1], strides = [1, 1]} : vector<128x8xf32> to vector<128x1xf32>
    %sub3A_410 = vector.broadcast %add3A_400 : vector<1x128xf32> to vector<128x128xf32>
    %sub3A_411 = vector.broadcast %slice3A_409 : vector<128x1xf32> to vector<128x128xf32>
    %sub3A_412 = arith.subf %sub3A_410, %sub3A_411 : vector<128x128xf32>
    %max3A_413 = arith.constant 0.000000e+00 : f32
    %max3A_414 = vector.broadcast %max3A_413 : f32 to vector<128x128xf32>
    %max3A_415 = arith.maximumf %sub3A_412, %max3A_414 : vector<128x128xf32>
    %iota3A_416 = tpu.iota {dimensions = array<i32: 0>} : vector<128x128xi32>
    %iota3A_417 = tpu.iota {dimensions = array<i32: 1>} : vector<128x128xi32>
    %gt3A_418 = arith.cmpi sgt, %iota3A_417, %iota3A_416 : vector<128x128xi32>
    %jit3A_419 = arith.constant 0.000000e+00 : f32
    %broadcast_in_dim3A_420 = vector.broadcast %jit3A_419 : f32 to vector<128x128xf32>
    %select_n3A_421 = arith.select %gt3A_418, %max3A_415, %broadcast_in_dim3A_420 : vector<128x128xi1>, vector<128x128xf32>
    %add3A_422 = arith.addf %add3A_408, %select_n3A_421 : vector<128x128xf32>
    %slice3A_423 = vector.extract_strided_slice %get3A_375 {offsets = [2, 0], sizes = [1, 128], strides = [1, 1]} : vector<8x128xf32> to vector<1x128xf32>
    %add3A_424 = arith.constant 1.000000e-01 : f32
    %add3A_425 = vector.broadcast %add3A_424 : f32 to vector<1x128xf32>
    %add3A_426 = arith.addf %slice3A_423, %add3A_425 : vector<1x128xf32>
    %slice3A_427 = vector.extract_strided_slice %transpose3A_376 {offsets = [0, 0], sizes = [128, 1], strides = [1, 1]} : vector<128x8xf32> to vector<128x1xf32>
    %sub3A_428 = vector.broadcast %add3A_426 : vector<1x128xf32> to vector<128x128xf32>
    %sub3A_429 = vector.broadcast %slice3A_427 : vector<128x1xf32> to vector<128x128xf32>
    %sub3A_430 = arith.subf %sub3A_428, %sub3A_429 : vector<128x128xf32>
    %max3A_431 = arith.constant 0.000000e+00 : f32
    %max3A_432 = vector.broadcast %max3A_431 : f32 to vector<128x128xf32>
    %max3A_433 = arith.maximumf %sub3A_430, %max3A_432 : vector<128x128xf32>
    %add3A_434 = arith.addf %add3A_422, %max3A_433 : vector<128x128xf32>
    %slice3A_435 = vector.extract_strided_slice %transpose3A_376 {offsets = [0, 1], sizes = [128, 1], strides = [1, 1]} : vector<128x8xf32> to vector<128x1xf32>
    %sub3A_436 = vector.broadcast %add3A_426 : vector<1x128xf32> to vector<128x128xf32>
    %sub3A_437 = vector.broadcast %slice3A_435 : vector<128x1xf32> to vector<128x128xf32>
    %sub3A_438 = arith.subf %sub3A_436, %sub3A_437 : vector<128x128xf32>
    %max3A_439 = arith.constant 0.000000e+00 : f32
    %max3A_440 = vector.broadcast %max3A_439 : f32 to vector<128x128xf32>
    %max3A_441 = arith.maximumf %sub3A_438, %max3A_440 : vector<128x128xf32>
    %add3A_442 = arith.addf %add3A_434, %max3A_441 : vector<128x128xf32>
    %slice3A_443 = vector.extract_strided_slice %transpose3A_376 {offsets = [0, 2], sizes = [128, 1], strides = [1, 1]} : vector<128x8xf32> to vector<128x1xf32>
    %sub3A_444 = vector.broadcast %add3A_426 : vector<1x128xf32> to vector<128x128xf32>
    %sub3A_445 = vector.broadcast %slice3A_443 : vector<128x1xf32> to vector<128x128xf32>
    %sub3A_446 = arith.subf %sub3A_444, %sub3A_445 : vector<128x128xf32>
    %max3A_447 = arith.constant 0.000000e+00 : f32
    %max3A_448 = vector.broadcast %max3A_447 : f32 to vector<128x128xf32>
    %max3A_449 = arith.maximumf %sub3A_446, %max3A_448 : vector<128x128xf32>
    %iota3A_450 = tpu.iota {dimensions = array<i32: 0>} : vector<128x128xi32>
    %iota3A_451 = tpu.iota {dimensions = array<i32: 1>} : vector<128x128xi32>
    %gt3A_452 = arith.cmpi sgt, %iota3A_451, %iota3A_450 : vector<128x128xi32>
    %jit3A_453 = arith.constant 0.000000e+00 : f32
    %broadcast_in_dim3A_454 = vector.broadcast %jit3A_453 : f32 to vector<128x128xf32>
    %select_n3A_455 = arith.select %gt3A_452, %max3A_449, %broadcast_in_dim3A_454 : vector<128x128xi1>, vector<128x128xf32>
    %add3A_456 = arith.addf %add3A_442, %select_n3A_455 : vector<128x128xf32>
    %slice3A_457 = vector.extract_strided_slice %get3A_375 {offsets = [3, 0], sizes = [1, 128], strides = [1, 1]} : vector<8x128xf32> to vector<1x128xf32>
    %add3A_458 = arith.constant 1.000000e-01 : f32
    %add3A_459 = vector.broadcast %add3A_458 : f32 to vector<1x128xf32>
    %add3A_460 = arith.addf %slice3A_457, %add3A_459 : vector<1x128xf32>
    %slice3A_461 = vector.extract_strided_slice %transpose3A_376 {offsets = [0, 0], sizes = [128, 1], strides = [1, 1]} : vector<128x8xf32> to vector<128x1xf32>
    %sub3A_462 = vector.broadcast %add3A_460 : vector<1x128xf32> to vector<128x128xf32>
    %sub3A_463 = vector.broadcast %slice3A_461 : vector<128x1xf32> to vector<128x128xf32>
    %sub3A_464 = arith.subf %sub3A_462, %sub3A_463 : vector<128x128xf32>
    %max3A_465 = arith.constant 0.000000e+00 : f32
    %max3A_466 = vector.broadcast %max3A_465 : f32 to vector<128x128xf32>
    %max3A_467 = arith.maximumf %sub3A_464, %max3A_466 : vector<128x128xf32>
    %add3A_468 = arith.addf %add3A_456, %max3A_467 : vector<128x128xf32>
    %slice3A_469 = vector.extract_strided_slice %transpose3A_376 {offsets = [0, 1], sizes = [128, 1], strides = [1, 1]} : vector<128x8xf32> to vector<128x1xf32>
    %sub3A_470 = vector.broadcast %add3A_460 : vector<1x128xf32> to vector<128x128xf32>
    %sub3A_471 = vector.broadcast %slice3A_469 : vector<128x1xf32> to vector<128x128xf32>
    %sub3A_472 = arith.subf %sub3A_470, %sub3A_471 : vector<128x128xf32>
    %max3A_473 = arith.constant 0.000000e+00 : f32
    %max3A_474 = vector.broadcast %max3A_473 : f32 to vector<128x128xf32>
    %max3A_475 = arith.maximumf %sub3A_472, %max3A_474 : vector<128x128xf32>
    %add3A_476 = arith.addf %add3A_468, %max3A_475 : vector<128x128xf32>
    %slice3A_477 = vector.extract_strided_slice %transpose3A_376 {offsets = [0, 2], sizes = [128, 1], strides = [1, 1]} : vector<128x8xf32> to vector<128x1xf32>
    %sub3A_478 = vector.broadcast %add3A_460 : vector<1x128xf32> to vector<128x128xf32>
    %sub3A_479 = vector.broadcast %slice3A_477 : vector<128x1xf32> to vector<128x128xf32>
    %sub3A_480 = arith.subf %sub3A_478, %sub3A_479 : vector<128x128xf32>
    %max3A_481 = arith.constant 0.000000e+00 : f32
    %max3A_482 = vector.broadcast %max3A_481 : f32 to vector<128x128xf32>
    %max3A_483 = arith.maximumf %sub3A_480, %max3A_482 : vector<128x128xf32>
    %add3A_484 = arith.addf %add3A_476, %max3A_483 : vector<128x128xf32>
    %slice3A_485 = vector.extract_strided_slice %transpose3A_376 {offsets = [0, 3], sizes = [128, 1], strides = [1, 1]} : vector<128x8xf32> to vector<128x1xf32>
    %sub3A_486 = vector.broadcast %add3A_460 : vector<1x128xf32> to vector<128x128xf32>
    %sub3A_487 = vector.broadcast %slice3A_485 : vector<128x1xf32> to vector<128x128xf32>
    %sub3A_488 = arith.subf %sub3A_486, %sub3A_487 : vector<128x128xf32>
    %max3A_489 = arith.constant 0.000000e+00 : f32
    %max3A_490 = vector.broadcast %max3A_489 : f32 to vector<128x128xf32>
    %max3A_491 = arith.maximumf %sub3A_488, %max3A_490 : vector<128x128xf32>
    %iota3A_492 = tpu.iota {dimensions = array<i32: 0>} : vector<128x128xi32>
    %iota3A_493 = tpu.iota {dimensions = array<i32: 1>} : vector<128x128xi32>
    %gt3A_494 = arith.cmpi sgt, %iota3A_493, %iota3A_492 : vector<128x128xi32>
    %jit3A_495 = arith.constant 0.000000e+00 : f32
    %broadcast_in_dim3A_496 = vector.broadcast %jit3A_495 : f32 to vector<128x128xf32>
    %select_n3A_497 = arith.select %gt3A_494, %max3A_491, %broadcast_in_dim3A_496 : vector<128x128xi1>, vector<128x128xf32>
    %add3A_498 = arith.addf %add3A_484, %select_n3A_497 : vector<128x128xf32>
    %slice3A_499 = vector.extract_strided_slice %get3A_375 {offsets = [4, 0], sizes = [1, 128], strides = [1, 1]} : vector<8x128xf32> to vector<1x128xf32>
    %add3A_500 = arith.constant 1.000000e-01 : f32
    %add3A_501 = vector.broadcast %add3A_500 : f32 to vector<1x128xf32>
    %add3A_502 = arith.addf %slice3A_499, %add3A_501 : vector<1x128xf32>
    %slice3A_503 = vector.extract_strided_slice %transpose3A_376 {offsets = [0, 0], sizes = [128, 1], strides = [1, 1]} : vector<128x8xf32> to vector<128x1xf32>
    %sub3A_504 = vector.broadcast %add3A_502 : vector<1x128xf32> to vector<128x128xf32>
    %sub3A_505 = vector.broadcast %slice3A_503 : vector<128x1xf32> to vector<128x128xf32>
    %sub3A_506 = arith.subf %sub3A_504, %sub3A_505 : vector<128x128xf32>
    %max3A_507 = arith.constant 0.000000e+00 : f32
    %max3A_508 = vector.broadcast %max3A_507 : f32 to vector<128x128xf32>
    %max3A_509 = arith.maximumf %sub3A_506, %max3A_508 : vector<128x128xf32>
    %add3A_510 = arith.addf %add3A_498, %max3A_509 : vector<128x128xf32>
    %slice3A_511 = vector.extract_strided_slice %transpose3A_376 {offsets = [0, 1], sizes = [128, 1], strides = [1, 1]} : vector<128x8xf32> to vector<128x1xf32>
    %sub3A_512 = vector.broadcast %add3A_502 : vector<1x128xf32> to vector<128x128xf32>
    %sub3A_513 = vector.broadcast %slice3A_511 : vector<128x1xf32> to vector<128x128xf32>
    %sub3A_514 = arith.subf %sub3A_512, %sub3A_513 : vector<128x128xf32>
    %max3A_515 = arith.constant 0.000000e+00 : f32
    %max3A_516 = vector.broadcast %max3A_515 : f32 to vector<128x128xf32>
    %max3A_517 = arith.maximumf %sub3A_514, %max3A_516 : vector<128x128xf32>
    %add3A_518 = arith.addf %add3A_510, %max3A_517 : vector<128x128xf32>
    %slice3A_519 = vector.extract_strided_slice %transpose3A_376 {offsets = [0, 2], sizes = [128, 1], strides = [1, 1]} : vector<128x8xf32> to vector<128x1xf32>
    %sub3A_520 = vector.broadcast %add3A_502 : vector<1x128xf32> to vector<128x128xf32>
    %sub3A_521 = vector.broadcast %slice3A_519 : vector<128x1xf32> to vector<128x128xf32>
    %sub3A_522 = arith.subf %sub3A_520, %sub3A_521 : vector<128x128xf32>
    %max3A_523 = arith.constant 0.000000e+00 : f32
    %max3A_524 = vector.broadcast %max3A_523 : f32 to vector<128x128xf32>
    %max3A_525 = arith.maximumf %sub3A_522, %max3A_524 : vector<128x128xf32>
    %add3A_526 = arith.addf %add3A_518, %max3A_525 : vector<128x128xf32>
    %slice3A_527 = vector.extract_strided_slice %transpose3A_376 {offsets = [0, 3], sizes = [128, 1], strides = [1, 1]} : vector<128x8xf32> to vector<128x1xf32>
    %sub3A_528 = vector.broadcast %add3A_502 : vector<1x128xf32> to vector<128x128xf32>
    %sub3A_529 = vector.broadcast %slice3A_527 : vector<128x1xf32> to vector<128x128xf32>
    %sub3A_530 = arith.subf %sub3A_528, %sub3A_529 : vector<128x128xf32>
    %max3A_531 = arith.constant 0.000000e+00 : f32
    %max3A_532 = vector.broadcast %max3A_531 : f32 to vector<128x128xf32>
    %max3A_533 = arith.maximumf %sub3A_530, %max3A_532 : vector<128x128xf32>
    %add3A_534 = arith.addf %add3A_526, %max3A_533 : vector<128x128xf32>
    %slice3A_535 = vector.extract_strided_slice %transpose3A_376 {offsets = [0, 4], sizes = [128, 1], strides = [1, 1]} : vector<128x8xf32> to vector<128x1xf32>
    %sub3A_536 = vector.broadcast %add3A_502 : vector<1x128xf32> to vector<128x128xf32>
    %sub3A_537 = vector.broadcast %slice3A_535 : vector<128x1xf32> to vector<128x128xf32>
    %sub3A_538 = arith.subf %sub3A_536, %sub3A_537 : vector<128x128xf32>
    %max3A_539 = arith.constant 0.000000e+00 : f32
    %max3A_540 = vector.broadcast %max3A_539 : f32 to vector<128x128xf32>
    %max3A_541 = arith.maximumf %sub3A_538, %max3A_540 : vector<128x128xf32>
    %iota3A_542 = tpu.iota {dimensions = array<i32: 0>} : vector<128x128xi32>
    %iota3A_543 = tpu.iota {dimensions = array<i32: 1>} : vector<128x128xi32>
    %gt3A_544 = arith.cmpi sgt, %iota3A_543, %iota3A_542 : vector<128x128xi32>
    %jit3A_545 = arith.constant 0.000000e+00 : f32
    %broadcast_in_dim3A_546 = vector.broadcast %jit3A_545 : f32 to vector<128x128xf32>
    %select_n3A_547 = arith.select %gt3A_544, %max3A_541, %broadcast_in_dim3A_546 : vector<128x128xi1>, vector<128x128xf32>
    %add3A_548 = arith.addf %add3A_534, %select_n3A_547 : vector<128x128xf32>
    %slice3A_549 = vector.extract_strided_slice %get3A_375 {offsets = [5, 0], sizes = [1, 128], strides = [1, 1]} : vector<8x128xf32> to vector<1x128xf32>
    %add3A_550 = arith.constant 1.000000e-01 : f32
    %add3A_551 = vector.broadcast %add3A_550 : f32 to vector<1x128xf32>
    %add3A_552 = arith.addf %slice3A_549, %add3A_551 : vector<1x128xf32>
    %slice3A_553 = vector.extract_strided_slice %transpose3A_376 {offsets = [0, 0], sizes = [128, 1], strides = [1, 1]} : vector<128x8xf32> to vector<128x1xf32>
    %sub3A_554 = vector.broadcast %add3A_552 : vector<1x128xf32> to vector<128x128xf32>
    %sub3A_555 = vector.broadcast %slice3A_553 : vector<128x1xf32> to vector<128x128xf32>
    %sub3A_556 = arith.subf %sub3A_554, %sub3A_555 : vector<128x128xf32>
    %max3A_557 = arith.constant 0.000000e+00 : f32
    %max3A_558 = vector.broadcast %max3A_557 : f32 to vector<128x128xf32>
    %max3A_559 = arith.maximumf %sub3A_556, %max3A_558 : vector<128x128xf32>
    %add3A_560 = arith.addf %add3A_548, %max3A_559 : vector<128x128xf32>
    %slice3A_561 = vector.extract_strided_slice %transpose3A_376 {offsets = [0, 1], sizes = [128, 1], strides = [1, 1]} : vector<128x8xf32> to vector<128x1xf32>
    %sub3A_562 = vector.broadcast %add3A_552 : vector<1x128xf32> to vector<128x128xf32>
    %sub3A_563 = vector.broadcast %slice3A_561 : vector<128x1xf32> to vector<128x128xf32>
    %sub3A_564 = arith.subf %sub3A_562, %sub3A_563 : vector<128x128xf32>
    %max3A_565 = arith.constant 0.000000e+00 : f32
    %max3A_566 = vector.broadcast %max3A_565 : f32 to vector<128x128xf32>
    %max3A_567 = arith.maximumf %sub3A_564, %max3A_566 : vector<128x128xf32>
    %add3A_568 = arith.addf %add3A_560, %max3A_567 : vector<128x128xf32>
    %slice3A_569 = vector.extract_strided_slice %transpose3A_376 {offsets = [0, 2], sizes = [128, 1], strides = [1, 1]} : vector<128x8xf32> to vector<128x1xf32>
    %sub3A_570 = vector.broadcast %add3A_552 : vector<1x128xf32> to vector<128x128xf32>
    %sub3A_571 = vector.broadcast %slice3A_569 : vector<128x1xf32> to vector<128x128xf32>
    %sub3A_572 = arith.subf %sub3A_570, %sub3A_571 : vector<128x128xf32>
    %max3A_573 = arith.constant 0.000000e+00 : f32
    %max3A_574 = vector.broadcast %max3A_573 : f32 to vector<128x128xf32>
    %max3A_575 = arith.maximumf %sub3A_572, %max3A_574 : vector<128x128xf32>
    %add3A_576 = arith.addf %add3A_568, %max3A_575 : vector<128x128xf32>
    %slice3A_577 = vector.extract_strided_slice %transpose3A_376 {offsets = [0, 3], sizes = [128, 1], strides = [1, 1]} : vector<128x8xf32> to vector<128x1xf32>
    %sub3A_578 = vector.broadcast %add3A_552 : vector<1x128xf32> to vector<128x128xf32>
    %sub3A_579 = vector.broadcast %slice3A_577 : vector<128x1xf32> to vector<128x128xf32>
    %sub3A_580 = arith.subf %sub3A_578, %sub3A_579 : vector<128x128xf32>
    %max3A_581 = arith.constant 0.000000e+00 : f32
    %max3A_582 = vector.broadcast %max3A_581 : f32 to vector<128x128xf32>
    %max3A_583 = arith.maximumf %sub3A_580, %max3A_582 : vector<128x128xf32>
    %add3A_584 = arith.addf %add3A_576, %max3A_583 : vector<128x128xf32>
    %slice3A_585 = vector.extract_strided_slice %transpose3A_376 {offsets = [0, 4], sizes = [128, 1], strides = [1, 1]} : vector<128x8xf32> to vector<128x1xf32>
    %sub3A_586 = vector.broadcast %add3A_552 : vector<1x128xf32> to vector<128x128xf32>
    %sub3A_587 = vector.broadcast %slice3A_585 : vector<128x1xf32> to vector<128x128xf32>
    %sub3A_588 = arith.subf %sub3A_586, %sub3A_587 : vector<128x128xf32>
    %max3A_589 = arith.constant 0.000000e+00 : f32
    %max3A_590 = vector.broadcast %max3A_589 : f32 to vector<128x128xf32>
    %max3A_591 = arith.maximumf %sub3A_588, %max3A_590 : vector<128x128xf32>
    %add3A_592 = arith.addf %add3A_584, %max3A_591 : vector<128x128xf32>
    %slice3A_593 = vector.extract_strided_slice %transpose3A_376 {offsets = [0, 5], sizes = [128, 1], strides = [1, 1]} : vector<128x8xf32> to vector<128x1xf32>
    %sub3A_594 = vector.broadcast %add3A_552 : vector<1x128xf32> to vector<128x128xf32>
    %sub3A_595 = vector.broadcast %slice3A_593 : vector<128x1xf32> to vector<128x128xf32>
    %sub3A_596 = arith.subf %sub3A_594, %sub3A_595 : vector<128x128xf32>
    %max3A_597 = arith.constant 0.000000e+00 : f32
    %max3A_598 = vector.broadcast %max3A_597 : f32 to vector<128x128xf32>
    %max3A_599 = arith.maximumf %sub3A_596, %max3A_598 : vector<128x128xf32>
    %iota3A_600 = tpu.iota {dimensions = array<i32: 0>} : vector<128x128xi32>
    %iota3A_601 = tpu.iota {dimensions = array<i32: 1>} : vector<128x128xi32>
    %gt3A_602 = arith.cmpi sgt, %iota3A_601, %iota3A_600 : vector<128x128xi32>
    %jit3A_603 = arith.constant 0.000000e+00 : f32
    %broadcast_in_dim3A_604 = vector.broadcast %jit3A_603 : f32 to vector<128x128xf32>
    %select_n3A_605 = arith.select %gt3A_602, %max3A_599, %broadcast_in_dim3A_604 : vector<128x128xi1>, vector<128x128xf32>
    %add3A_606 = arith.addf %add3A_592, %select_n3A_605 : vector<128x128xf32>
    %slice3A_607 = vector.extract_strided_slice %get3A_375 {offsets = [6, 0], sizes = [1, 128], strides = [1, 1]} : vector<8x128xf32> to vector<1x128xf32>
    %add3A_608 = arith.constant 1.000000e-01 : f32
    %add3A_609 = vector.broadcast %add3A_608 : f32 to vector<1x128xf32>
    %add3A_610 = arith.addf %slice3A_607, %add3A_609 : vector<1x128xf32>
    %slice3A_611 = vector.extract_strided_slice %transpose3A_376 {offsets = [0, 0], sizes = [128, 1], strides = [1, 1]} : vector<128x8xf32> to vector<128x1xf32>
    %sub3A_612 = vector.broadcast %add3A_610 : vector<1x128xf32> to vector<128x128xf32>
    %sub3A_613 = vector.broadcast %slice3A_611 : vector<128x1xf32> to vector<128x128xf32>
    %sub3A_614 = arith.subf %sub3A_612, %sub3A_613 : vector<128x128xf32>
    %max3A_615 = arith.constant 0.000000e+00 : f32
    %max3A_616 = vector.broadcast %max3A_615 : f32 to vector<128x128xf32>
    %max3A_617 = arith.maximumf %sub3A_614, %max3A_616 : vector<128x128xf32>
    %add3A_618 = arith.addf %add3A_606, %max3A_617 : vector<128x128xf32>
    %slice3A_619 = vector.extract_strided_slice %transpose3A_376 {offsets = [0, 1], sizes = [128, 1], strides = [1, 1]} : vector<128x8xf32> to vector<128x1xf32>
    %sub3A_620 = vector.broadcast %add3A_610 : vector<1x128xf32> to vector<128x128xf32>
    %sub3A_621 = vector.broadcast %slice3A_619 : vector<128x1xf32> to vector<128x128xf32>
    %sub3A_622 = arith.subf %sub3A_620, %sub3A_621 : vector<128x128xf32>
    %max3A_623 = arith.constant 0.000000e+00 : f32
    %max3A_624 = vector.broadcast %max3A_623 : f32 to vector<128x128xf32>
    %max3A_625 = arith.maximumf %sub3A_622, %max3A_624 : vector<128x128xf32>
    %add3A_626 = arith.addf %add3A_618, %max3A_625 : vector<128x128xf32>
    %slice3A_627 = vector.extract_strided_slice %transpose3A_376 {offsets = [0, 2], sizes = [128, 1], strides = [1, 1]} : vector<128x8xf32> to vector<128x1xf32>
    %sub3A_628 = vector.broadcast %add3A_610 : vector<1x128xf32> to vector<128x128xf32>
    %sub3A_629 = vector.broadcast %slice3A_627 : vector<128x1xf32> to vector<128x128xf32>
    %sub3A_630 = arith.subf %sub3A_628, %sub3A_629 : vector<128x128xf32>
    %max3A_631 = arith.constant 0.000000e+00 : f32
    %max3A_632 = vector.broadcast %max3A_631 : f32 to vector<128x128xf32>
    %max3A_633 = arith.maximumf %sub3A_630, %max3A_632 : vector<128x128xf32>
    %add3A_634 = arith.addf %add3A_626, %max3A_633 : vector<128x128xf32>
    %slice3A_635 = vector.extract_strided_slice %transpose3A_376 {offsets = [0, 3], sizes = [128, 1], strides = [1, 1]} : vector<128x8xf32> to vector<128x1xf32>
    %sub3A_636 = vector.broadcast %add3A_610 : vector<1x128xf32> to vector<128x128xf32>
    %sub3A_637 = vector.broadcast %slice3A_635 : vector<128x1xf32> to vector<128x128xf32>
    %sub3A_638 = arith.subf %sub3A_636, %sub3A_637 : vector<128x128xf32>
    %max3A_639 = arith.constant 0.000000e+00 : f32
    %max3A_640 = vector.broadcast %max3A_639 : f32 to vector<128x128xf32>
    %max3A_641 = arith.maximumf %sub3A_638, %max3A_640 : vector<128x128xf32>
    %add3A_642 = arith.addf %add3A_634, %max3A_641 : vector<128x128xf32>
    %slice3A_643 = vector.extract_strided_slice %transpose3A_376 {offsets = [0, 4], sizes = [128, 1], strides = [1, 1]} : vector<128x8xf32> to vector<128x1xf32>
    %sub3A_644 = vector.broadcast %add3A_610 : vector<1x128xf32> to vector<128x128xf32>
    %sub3A_645 = vector.broadcast %slice3A_643 : vector<128x1xf32> to vector<128x128xf32>
    %sub3A_646 = arith.subf %sub3A_644, %sub3A_645 : vector<128x128xf32>
    %max3A_647 = arith.constant 0.000000e+00 : f32
    %max3A_648 = vector.broadcast %max3A_647 : f32 to vector<128x128xf32>
    %max3A_649 = arith.maximumf %sub3A_646, %max3A_648 : vector<128x128xf32>
    %add3A_650 = arith.addf %add3A_642, %max3A_649 : vector<128x128xf32>
    %slice3A_651 = vector.extract_strided_slice %transpose3A_376 {offsets = [0, 5], sizes = [128, 1], strides = [1, 1]} : vector<128x8xf32> to vector<128x1xf32>
    %sub3A_652 = vector.broadcast %add3A_610 : vector<1x128xf32> to vector<128x128xf32>
    %sub3A_653 = vector.broadcast %slice3A_651 : vector<128x1xf32> to vector<128x128xf32>
    %sub3A_654 = arith.subf %sub3A_652, %sub3A_653 : vector<128x128xf32>
    %max3A_655 = arith.constant 0.000000e+00 : f32
    %max3A_656 = vector.broadcast %max3A_655 : f32 to vector<128x128xf32>
    %max3A_657 = arith.maximumf %sub3A_654, %max3A_656 : vector<128x128xf32>
    %add3A_658 = arith.addf %add3A_650, %max3A_657 : vector<128x128xf32>
    %slice3A_659 = vector.extract_strided_slice %transpose3A_376 {offsets = [0, 6], sizes = [128, 1], strides = [1, 1]} : vector<128x8xf32> to vector<128x1xf32>
    %sub3A_660 = vector.broadcast %add3A_610 : vector<1x128xf32> to vector<128x128xf32>
    %sub3A_661 = vector.broadcast %slice3A_659 : vector<128x1xf32> to vector<128x128xf32>
    %sub3A_662 = arith.subf %sub3A_660, %sub3A_661 : vector<128x128xf32>
    %max3A_663 = arith.constant 0.000000e+00 : f32
    %max3A_664 = vector.broadcast %max3A_663 : f32 to vector<128x128xf32>
    %max3A_665 = arith.maximumf %sub3A_662, %max3A_664 : vector<128x128xf32>
    %iota3A_666 = tpu.iota {dimensions = array<i32: 0>} : vector<128x128xi32>
    %iota3A_667 = tpu.iota {dimensions = array<i32: 1>} : vector<128x128xi32>
    %gt3A_668 = arith.cmpi sgt, %iota3A_667, %iota3A_666 : vector<128x128xi32>
    %jit3A_669 = arith.constant 0.000000e+00 : f32
    %broadcast_in_dim3A_670 = vector.broadcast %jit3A_669 : f32 to vector<128x128xf32>
    %select_n3A_671 = arith.select %gt3A_668, %max3A_665, %broadcast_in_dim3A_670 : vector<128x128xi1>, vector<128x128xf32>
    %add3A_672 = arith.addf %add3A_658, %select_n3A_671 : vector<128x128xf32>
    %slice3A_673 = vector.extract_strided_slice %get3A_375 {offsets = [7, 0], sizes = [1, 128], strides = [1, 1]} : vector<8x128xf32> to vector<1x128xf32>
    %add3A_674 = arith.constant 1.000000e-01 : f32
    %add3A_675 = vector.broadcast %add3A_674 : f32 to vector<1x128xf32>
    %add3A_676 = arith.addf %slice3A_673, %add3A_675 : vector<1x128xf32>
    %slice3A_677 = vector.extract_strided_slice %transpose3A_376 {offsets = [0, 0], sizes = [128, 1], strides = [1, 1]} : vector<128x8xf32> to vector<128x1xf32>
    %sub3A_678 = vector.broadcast %add3A_676 : vector<1x128xf32> to vector<128x128xf32>
    %sub3A_679 = vector.broadcast %slice3A_677 : vector<128x1xf32> to vector<128x128xf32>
    %sub3A_680 = arith.subf %sub3A_678, %sub3A_679 : vector<128x128xf32>
    %max3A_681 = arith.constant 0.000000e+00 : f32
    %max3A_682 = vector.broadcast %max3A_681 : f32 to vector<128x128xf32>
    %max3A_683 = arith.maximumf %sub3A_680, %max3A_682 : vector<128x128xf32>
    %add3A_684 = arith.addf %add3A_672, %max3A_683 : vector<128x128xf32>
    %slice3A_685 = vector.extract_strided_slice %transpose3A_376 {offsets = [0, 1], sizes = [128, 1], strides = [1, 1]} : vector<128x8xf32> to vector<128x1xf32>
    %sub3A_686 = vector.broadcast %add3A_676 : vector<1x128xf32> to vector<128x128xf32>
    %sub3A_687 = vector.broadcast %slice3A_685 : vector<128x1xf32> to vector<128x128xf32>
    %sub3A_688 = arith.subf %sub3A_686, %sub3A_687 : vector<128x128xf32>
    %max3A_689 = arith.constant 0.000000e+00 : f32
    %max3A_690 = vector.broadcast %max3A_689 : f32 to vector<128x128xf32>
    %max3A_691 = arith.maximumf %sub3A_688, %max3A_690 : vector<128x128xf32>
    %add3A_692 = arith.addf %add3A_684, %max3A_691 : vector<128x128xf32>
    %slice3A_693 = vector.extract_strided_slice %transpose3A_376 {offsets = [0, 2], sizes = [128, 1], strides = [1, 1]} : vector<128x8xf32> to vector<128x1xf32>
    %sub3A_694 = vector.broadcast %add3A_676 : vector<1x128xf32> to vector<128x128xf32>
    %sub3A_695 = vector.broadcast %slice3A_693 : vector<128x1xf32> to vector<128x128xf32>
    %sub3A_696 = arith.subf %sub3A_694, %sub3A_695 : vector<128x128xf32>
    %max3A_697 = arith.constant 0.000000e+00 : f32
    %max3A_698 = vector.broadcast %max3A_697 : f32 to vector<128x128xf32>
    %max3A_699 = arith.maximumf %sub3A_696, %max3A_698 : vector<128x128xf32>
    %add3A_700 = arith.addf %add3A_692, %max3A_699 : vector<128x128xf32>
    %slice3A_701 = vector.extract_strided_slice %transpose3A_376 {offsets = [0, 3], sizes = [128, 1], strides = [1, 1]} : vector<128x8xf32> to vector<128x1xf32>
    %sub3A_702 = vector.broadcast %add3A_676 : vector<1x128xf32> to vector<128x128xf32>
    %sub3A_703 = vector.broadcast %slice3A_701 : vector<128x1xf32> to vector<128x128xf32>
    %sub3A_704 = arith.subf %sub3A_702, %sub3A_703 : vector<128x128xf32>
    %max3A_705 = arith.constant 0.000000e+00 : f32
    %max3A_706 = vector.broadcast %max3A_705 : f32 to vector<128x128xf32>
    %max3A_707 = arith.maximumf %sub3A_704, %max3A_706 : vector<128x128xf32>
    %add3A_708 = arith.addf %add3A_700, %max3A_707 : vector<128x128xf32>
    %slice3A_709 = vector.extract_strided_slice %transpose3A_376 {offsets = [0, 4], sizes = [128, 1], strides = [1, 1]} : vector<128x8xf32> to vector<128x1xf32>
    %sub3A_710 = vector.broadcast %add3A_676 : vector<1x128xf32> to vector<128x128xf32>
    %sub3A_711 = vector.broadcast %slice3A_709 : vector<128x1xf32> to vector<128x128xf32>
    %sub3A_712 = arith.subf %sub3A_710, %sub3A_711 : vector<128x128xf32>
    %max3A_713 = arith.constant 0.000000e+00 : f32
    %max3A_714 = vector.broadcast %max3A_713 : f32 to vector<128x128xf32>
    %max3A_715 = arith.maximumf %sub3A_712, %max3A_714 : vector<128x128xf32>
    %add3A_716 = arith.addf %add3A_708, %max3A_715 : vector<128x128xf32>
    %slice3A_717 = vector.extract_strided_slice %transpose3A_376 {offsets = [0, 5], sizes = [128, 1], strides = [1, 1]} : vector<128x8xf32> to vector<128x1xf32>
    %sub3A_718 = vector.broadcast %add3A_676 : vector<1x128xf32> to vector<128x128xf32>
    %sub3A_719 = vector.broadcast %slice3A_717 : vector<128x1xf32> to vector<128x128xf32>
    %sub3A_720 = arith.subf %sub3A_718, %sub3A_719 : vector<128x128xf32>
    %max3A_721 = arith.constant 0.000000e+00 : f32
    %max3A_722 = vector.broadcast %max3A_721 : f32 to vector<128x128xf32>
    %max3A_723 = arith.maximumf %sub3A_720, %max3A_722 : vector<128x128xf32>
    %add3A_724 = arith.addf %add3A_716, %max3A_723 : vector<128x128xf32>
    %slice3A_725 = vector.extract_strided_slice %transpose3A_376 {offsets = [0, 6], sizes = [128, 1], strides = [1, 1]} : vector<128x8xf32> to vector<128x1xf32>
    %sub3A_726 = vector.broadcast %add3A_676 : vector<1x128xf32> to vector<128x128xf32>
    %sub3A_727 = vector.broadcast %slice3A_725 : vector<128x1xf32> to vector<128x128xf32>
    %sub3A_728 = arith.subf %sub3A_726, %sub3A_727 : vector<128x128xf32>
    %max3A_729 = arith.constant 0.000000e+00 : f32
    %max3A_730 = vector.broadcast %max3A_729 : f32 to vector<128x128xf32>
    %max3A_731 = arith.maximumf %sub3A_728, %max3A_730 : vector<128x128xf32>
    %add3A_732 = arith.addf %add3A_724, %max3A_731 : vector<128x128xf32>
    %slice3A_733 = vector.extract_strided_slice %transpose3A_376 {offsets = [0, 7], sizes = [128, 1], strides = [1, 1]} : vector<128x8xf32> to vector<128x1xf32>
    %sub3A_734 = vector.broadcast %add3A_676 : vector<1x128xf32> to vector<128x128xf32>
    %sub3A_735 = vector.broadcast %slice3A_733 : vector<128x1xf32> to vector<128x128xf32>
    %sub3A_736 = arith.subf %sub3A_734, %sub3A_735 : vector<128x128xf32>
    %max3A_737 = arith.constant 0.000000e+00 : f32
    %max3A_738 = vector.broadcast %max3A_737 : f32 to vector<128x128xf32>
    %max3A_739 = arith.maximumf %sub3A_736, %max3A_738 : vector<128x128xf32>
    %iota3A_740 = tpu.iota {dimensions = array<i32: 0>} : vector<128x128xi32>
    %iota3A_741 = tpu.iota {dimensions = array<i32: 1>} : vector<128x128xi32>
    %gt3A_742 = arith.cmpi sgt, %iota3A_741, %iota3A_740 : vector<128x128xi32>
    %jit3A_743 = arith.constant 0.000000e+00 : f32
    %broadcast_in_dim3A_744 = vector.broadcast %jit3A_743 : f32 to vector<128x128xf32>
    %select_n3A_745 = arith.select %gt3A_742, %max3A_739, %broadcast_in_dim3A_744 : vector<128x128xi1>, vector<128x128xf32>
    %add3A_746 = arith.addf %add3A_732, %select_n3A_745 : vector<128x128xf32>
    %reduce_sum3A_747 = vector.shape_cast %add3A_746 : vector<128x128xf32> to vector<1x128x128xf32>
    %reduce_sum3A_748 = arith.constant dense<0.000000e+00> : vector<1xf32>
    %reduce_sum3A_749 = vector.multi_reduction <add>, %reduce_sum3A_747, %reduce_sum3A_748 [1, 2] : vector<1x128x128xf32> to vector<1xf32>
    %reduce_sum3A_750 = vector.shape_cast %reduce_sum3A_749 : vector<1xf32> to vector<1x1x1xf32>
    %reduce_sum3A_751 = vector.extract %reduce_sum3A_750[0, 0, 0] : f32 from vector<1x1x1xf32>
    %add3A_752 = arith.addf %add3A_370, %reduce_sum3A_751 : f32
    %get3A_753 = arith.constant 2 : index
    %get3A_754 = arith.constant 0 : index
    %get3A_755 = arith.constant 0 : index
    %get3A_756 = vector.load %arg1[%get3A_753, %get3A_754, %get3A_755] : memref<4x8x128xf32, #tpu.memory_space<vmem>>, vector<1x8x128xf32>
    %get3A_757 = vector.shape_cast %get3A_756 : vector<1x8x128xf32> to vector<8x128xf32>
    %transpose3A_758 = tpu.transpose %get3A_757, [1, 0] : vector<8x128xf32> -> vector<128x8xf32>
    %broadcast_in_dim3A_759 = arith.constant 0.000000e+00 : f32
    %broadcast_in_dim3A_760 = vector.broadcast %broadcast_in_dim3A_759 : f32 to vector<128x128xf32>
    %slice3A_761 = vector.extract_strided_slice %get3A_757 {offsets = [0, 0], sizes = [1, 128], strides = [1, 1]} : vector<8x128xf32> to vector<1x128xf32>
    %add3A_762 = arith.constant 1.000000e-01 : f32
    %add3A_763 = vector.broadcast %add3A_762 : f32 to vector<1x128xf32>
    %add3A_764 = arith.addf %slice3A_761, %add3A_763 : vector<1x128xf32>
    %slice3A_765 = vector.extract_strided_slice %transpose3A_758 {offsets = [0, 0], sizes = [128, 1], strides = [1, 1]} : vector<128x8xf32> to vector<128x1xf32>
    %sub3A_766 = vector.broadcast %add3A_764 : vector<1x128xf32> to vector<128x128xf32>
    %sub3A_767 = vector.broadcast %slice3A_765 : vector<128x1xf32> to vector<128x128xf32>
    %sub3A_768 = arith.subf %sub3A_766, %sub3A_767 : vector<128x128xf32>
    %max3A_769 = arith.constant 0.000000e+00 : f32
    %max3A_770 = vector.broadcast %max3A_769 : f32 to vector<128x128xf32>
    %max3A_771 = arith.maximumf %sub3A_768, %max3A_770 : vector<128x128xf32>
    %iota3A_772 = tpu.iota {dimensions = array<i32: 0>} : vector<128x128xi32>
    %iota3A_773 = tpu.iota {dimensions = array<i32: 1>} : vector<128x128xi32>
    %gt3A_774 = arith.cmpi sgt, %iota3A_773, %iota3A_772 : vector<128x128xi32>
    %jit3A_775 = arith.constant 0.000000e+00 : f32
    %broadcast_in_dim3A_776 = vector.broadcast %jit3A_775 : f32 to vector<128x128xf32>
    %select_n3A_777 = arith.select %gt3A_774, %max3A_771, %broadcast_in_dim3A_776 : vector<128x128xi1>, vector<128x128xf32>
    %add3A_778 = arith.addf %broadcast_in_dim3A_760, %select_n3A_777 : vector<128x128xf32>
    %slice3A_779 = vector.extract_strided_slice %get3A_757 {offsets = [1, 0], sizes = [1, 128], strides = [1, 1]} : vector<8x128xf32> to vector<1x128xf32>
    %add3A_780 = arith.constant 1.000000e-01 : f32
    %add3A_781 = vector.broadcast %add3A_780 : f32 to vector<1x128xf32>
    %add3A_782 = arith.addf %slice3A_779, %add3A_781 : vector<1x128xf32>
    %slice3A_783 = vector.extract_strided_slice %transpose3A_758 {offsets = [0, 0], sizes = [128, 1], strides = [1, 1]} : vector<128x8xf32> to vector<128x1xf32>
    %sub3A_784 = vector.broadcast %add3A_782 : vector<1x128xf32> to vector<128x128xf32>
    %sub3A_785 = vector.broadcast %slice3A_783 : vector<128x1xf32> to vector<128x128xf32>
    %sub3A_786 = arith.subf %sub3A_784, %sub3A_785 : vector<128x128xf32>
    %max3A_787 = arith.constant 0.000000e+00 : f32
    %max3A_788 = vector.broadcast %max3A_787 : f32 to vector<128x128xf32>
    %max3A_789 = arith.maximumf %sub3A_786, %max3A_788 : vector<128x128xf32>
    %add3A_790 = arith.addf %add3A_778, %max3A_789 : vector<128x128xf32>
    %slice3A_791 = vector.extract_strided_slice %transpose3A_758 {offsets = [0, 1], sizes = [128, 1], strides = [1, 1]} : vector<128x8xf32> to vector<128x1xf32>
    %sub3A_792 = vector.broadcast %add3A_782 : vector<1x128xf32> to vector<128x128xf32>
    %sub3A_793 = vector.broadcast %slice3A_791 : vector<128x1xf32> to vector<128x128xf32>
    %sub3A_794 = arith.subf %sub3A_792, %sub3A_793 : vector<128x128xf32>
    %max3A_795 = arith.constant 0.000000e+00 : f32
    %max3A_796 = vector.broadcast %max3A_795 : f32 to vector<128x128xf32>
    %max3A_797 = arith.maximumf %sub3A_794, %max3A_796 : vector<128x128xf32>
    %iota3A_798 = tpu.iota {dimensions = array<i32: 0>} : vector<128x128xi32>
    %iota3A_799 = tpu.iota {dimensions = array<i32: 1>} : vector<128x128xi32>
    %gt3A_800 = arith.cmpi sgt, %iota3A_799, %iota3A_798 : vector<128x128xi32>
    %jit3A_801 = arith.constant 0.000000e+00 : f32
    %broadcast_in_dim3A_802 = vector.broadcast %jit3A_801 : f32 to vector<128x128xf32>
    %select_n3A_803 = arith.select %gt3A_800, %max3A_797, %broadcast_in_dim3A_802 : vector<128x128xi1>, vector<128x128xf32>
    %add3A_804 = arith.addf %add3A_790, %select_n3A_803 : vector<128x128xf32>
    %slice3A_805 = vector.extract_strided_slice %get3A_757 {offsets = [2, 0], sizes = [1, 128], strides = [1, 1]} : vector<8x128xf32> to vector<1x128xf32>
    %add3A_806 = arith.constant 1.000000e-01 : f32
    %add3A_807 = vector.broadcast %add3A_806 : f32 to vector<1x128xf32>
    %add3A_808 = arith.addf %slice3A_805, %add3A_807 : vector<1x128xf32>
    %slice3A_809 = vector.extract_strided_slice %transpose3A_758 {offsets = [0, 0], sizes = [128, 1], strides = [1, 1]} : vector<128x8xf32> to vector<128x1xf32>
    %sub3A_810 = vector.broadcast %add3A_808 : vector<1x128xf32> to vector<128x128xf32>
    %sub3A_811 = vector.broadcast %slice3A_809 : vector<128x1xf32> to vector<128x128xf32>
    %sub3A_812 = arith.subf %sub3A_810, %sub3A_811 : vector<128x128xf32>
    %max3A_813 = arith.constant 0.000000e+00 : f32
    %max3A_814 = vector.broadcast %max3A_813 : f32 to vector<128x128xf32>
    %max3A_815 = arith.maximumf %sub3A_812, %max3A_814 : vector<128x128xf32>
    %add3A_816 = arith.addf %add3A_804, %max3A_815 : vector<128x128xf32>
    %slice3A_817 = vector.extract_strided_slice %transpose3A_758 {offsets = [0, 1], sizes = [128, 1], strides = [1, 1]} : vector<128x8xf32> to vector<128x1xf32>
    %sub3A_818 = vector.broadcast %add3A_808 : vector<1x128xf32> to vector<128x128xf32>
    %sub3A_819 = vector.broadcast %slice3A_817 : vector<128x1xf32> to vector<128x128xf32>
    %sub3A_820 = arith.subf %sub3A_818, %sub3A_819 : vector<128x128xf32>
    %max3A_821 = arith.constant 0.000000e+00 : f32
    %max3A_822 = vector.broadcast %max3A_821 : f32 to vector<128x128xf32>
    %max3A_823 = arith.maximumf %sub3A_820, %max3A_822 : vector<128x128xf32>
    %add3A_824 = arith.addf %add3A_816, %max3A_823 : vector<128x128xf32>
    %slice3A_825 = vector.extract_strided_slice %transpose3A_758 {offsets = [0, 2], sizes = [128, 1], strides = [1, 1]} : vector<128x8xf32> to vector<128x1xf32>
    %sub3A_826 = vector.broadcast %add3A_808 : vector<1x128xf32> to vector<128x128xf32>
    %sub3A_827 = vector.broadcast %slice3A_825 : vector<128x1xf32> to vector<128x128xf32>
    %sub3A_828 = arith.subf %sub3A_826, %sub3A_827 : vector<128x128xf32>
    %max3A_829 = arith.constant 0.000000e+00 : f32
    %max3A_830 = vector.broadcast %max3A_829 : f32 to vector<128x128xf32>
    %max3A_831 = arith.maximumf %sub3A_828, %max3A_830 : vector<128x128xf32>
    %iota3A_832 = tpu.iota {dimensions = array<i32: 0>} : vector<128x128xi32>
    %iota3A_833 = tpu.iota {dimensions = array<i32: 1>} : vector<128x128xi32>
    %gt3A_834 = arith.cmpi sgt, %iota3A_833, %iota3A_832 : vector<128x128xi32>
    %jit3A_835 = arith.constant 0.000000e+00 : f32
    %broadcast_in_dim3A_836 = vector.broadcast %jit3A_835 : f32 to vector<128x128xf32>
    %select_n3A_837 = arith.select %gt3A_834, %max3A_831, %broadcast_in_dim3A_836 : vector<128x128xi1>, vector<128x128xf32>
    %add3A_838 = arith.addf %add3A_824, %select_n3A_837 : vector<128x128xf32>
    %slice3A_839 = vector.extract_strided_slice %get3A_757 {offsets = [3, 0], sizes = [1, 128], strides = [1, 1]} : vector<8x128xf32> to vector<1x128xf32>
    %add3A_840 = arith.constant 1.000000e-01 : f32
    %add3A_841 = vector.broadcast %add3A_840 : f32 to vector<1x128xf32>
    %add3A_842 = arith.addf %slice3A_839, %add3A_841 : vector<1x128xf32>
    %slice3A_843 = vector.extract_strided_slice %transpose3A_758 {offsets = [0, 0], sizes = [128, 1], strides = [1, 1]} : vector<128x8xf32> to vector<128x1xf32>
    %sub3A_844 = vector.broadcast %add3A_842 : vector<1x128xf32> to vector<128x128xf32>
    %sub3A_845 = vector.broadcast %slice3A_843 : vector<128x1xf32> to vector<128x128xf32>
    %sub3A_846 = arith.subf %sub3A_844, %sub3A_845 : vector<128x128xf32>
    %max3A_847 = arith.constant 0.000000e+00 : f32
    %max3A_848 = vector.broadcast %max3A_847 : f32 to vector<128x128xf32>
    %max3A_849 = arith.maximumf %sub3A_846, %max3A_848 : vector<128x128xf32>
    %add3A_850 = arith.addf %add3A_838, %max3A_849 : vector<128x128xf32>
    %slice3A_851 = vector.extract_strided_slice %transpose3A_758 {offsets = [0, 1], sizes = [128, 1], strides = [1, 1]} : vector<128x8xf32> to vector<128x1xf32>
    %sub3A_852 = vector.broadcast %add3A_842 : vector<1x128xf32> to vector<128x128xf32>
    %sub3A_853 = vector.broadcast %slice3A_851 : vector<128x1xf32> to vector<128x128xf32>
    %sub3A_854 = arith.subf %sub3A_852, %sub3A_853 : vector<128x128xf32>
    %max3A_855 = arith.constant 0.000000e+00 : f32
    %max3A_856 = vector.broadcast %max3A_855 : f32 to vector<128x128xf32>
    %max3A_857 = arith.maximumf %sub3A_854, %max3A_856 : vector<128x128xf32>
    %add3A_858 = arith.addf %add3A_850, %max3A_857 : vector<128x128xf32>
    %slice3A_859 = vector.extract_strided_slice %transpose3A_758 {offsets = [0, 2], sizes = [128, 1], strides = [1, 1]} : vector<128x8xf32> to vector<128x1xf32>
    %sub3A_860 = vector.broadcast %add3A_842 : vector<1x128xf32> to vector<128x128xf32>
    %sub3A_861 = vector.broadcast %slice3A_859 : vector<128x1xf32> to vector<128x128xf32>
    %sub3A_862 = arith.subf %sub3A_860, %sub3A_861 : vector<128x128xf32>
    %max3A_863 = arith.constant 0.000000e+00 : f32
    %max3A_864 = vector.broadcast %max3A_863 : f32 to vector<128x128xf32>
    %max3A_865 = arith.maximumf %sub3A_862, %max3A_864 : vector<128x128xf32>
    %add3A_866 = arith.addf %add3A_858, %max3A_865 : vector<128x128xf32>
    %slice3A_867 = vector.extract_strided_slice %transpose3A_758 {offsets = [0, 3], sizes = [128, 1], strides = [1, 1]} : vector<128x8xf32> to vector<128x1xf32>
    %sub3A_868 = vector.broadcast %add3A_842 : vector<1x128xf32> to vector<128x128xf32>
    %sub3A_869 = vector.broadcast %slice3A_867 : vector<128x1xf32> to vector<128x128xf32>
    %sub3A_870 = arith.subf %sub3A_868, %sub3A_869 : vector<128x128xf32>
    %max3A_871 = arith.constant 0.000000e+00 : f32
    %max3A_872 = vector.broadcast %max3A_871 : f32 to vector<128x128xf32>
    %max3A_873 = arith.maximumf %sub3A_870, %max3A_872 : vector<128x128xf32>
    %iota3A_874 = tpu.iota {dimensions = array<i32: 0>} : vector<128x128xi32>
    %iota3A_875 = tpu.iota {dimensions = array<i32: 1>} : vector<128x128xi32>
    %gt3A_876 = arith.cmpi sgt, %iota3A_875, %iota3A_874 : vector<128x128xi32>
    %jit3A_877 = arith.constant 0.000000e+00 : f32
    %broadcast_in_dim3A_878 = vector.broadcast %jit3A_877 : f32 to vector<128x128xf32>
    %select_n3A_879 = arith.select %gt3A_876, %max3A_873, %broadcast_in_dim3A_878 : vector<128x128xi1>, vector<128x128xf32>
    %add3A_880 = arith.addf %add3A_866, %select_n3A_879 : vector<128x128xf32>
    %slice3A_881 = vector.extract_strided_slice %get3A_757 {offsets = [4, 0], sizes = [1, 128], strides = [1, 1]} : vector<8x128xf32> to vector<1x128xf32>
    %add3A_882 = arith.constant 1.000000e-01 : f32
    %add3A_883 = vector.broadcast %add3A_882 : f32 to vector<1x128xf32>
    %add3A_884 = arith.addf %slice3A_881, %add3A_883 : vector<1x128xf32>
    %slice3A_885 = vector.extract_strided_slice %transpose3A_758 {offsets = [0, 0], sizes = [128, 1], strides = [1, 1]} : vector<128x8xf32> to vector<128x1xf32>
    %sub3A_886 = vector.broadcast %add3A_884 : vector<1x128xf32> to vector<128x128xf32>
    %sub3A_887 = vector.broadcast %slice3A_885 : vector<128x1xf32> to vector<128x128xf32>
    %sub3A_888 = arith.subf %sub3A_886, %sub3A_887 : vector<128x128xf32>
    %max3A_889 = arith.constant 0.000000e+00 : f32
    %max3A_890 = vector.broadcast %max3A_889 : f32 to vector<128x128xf32>
    %max3A_891 = arith.maximumf %sub3A_888, %max3A_890 : vector<128x128xf32>
    %add3A_892 = arith.addf %add3A_880, %max3A_891 : vector<128x128xf32>
    %slice3A_893 = vector.extract_strided_slice %transpose3A_758 {offsets = [0, 1], sizes = [128, 1], strides = [1, 1]} : vector<128x8xf32> to vector<128x1xf32>
    %sub3A_894 = vector.broadcast %add3A_884 : vector<1x128xf32> to vector<128x128xf32>
    %sub3A_895 = vector.broadcast %slice3A_893 : vector<128x1xf32> to vector<128x128xf32>
    %sub3A_896 = arith.subf %sub3A_894, %sub3A_895 : vector<128x128xf32>
    %max3A_897 = arith.constant 0.000000e+00 : f32
    %max3A_898 = vector.broadcast %max3A_897 : f32 to vector<128x128xf32>
    %max3A_899 = arith.maximumf %sub3A_896, %max3A_898 : vector<128x128xf32>
    %add3A_900 = arith.addf %add3A_892, %max3A_899 : vector<128x128xf32>
    %slice3A_901 = vector.extract_strided_slice %transpose3A_758 {offsets = [0, 2], sizes = [128, 1], strides = [1, 1]} : vector<128x8xf32> to vector<128x1xf32>
    %sub3A_902 = vector.broadcast %add3A_884 : vector<1x128xf32> to vector<128x128xf32>
    %sub3A_903 = vector.broadcast %slice3A_901 : vector<128x1xf32> to vector<128x128xf32>
    %sub3A_904 = arith.subf %sub3A_902, %sub3A_903 : vector<128x128xf32>
    %max3A_905 = arith.constant 0.000000e+00 : f32
    %max3A_906 = vector.broadcast %max3A_905 : f32 to vector<128x128xf32>
    %max3A_907 = arith.maximumf %sub3A_904, %max3A_906 : vector<128x128xf32>
    %add3A_908 = arith.addf %add3A_900, %max3A_907 : vector<128x128xf32>
    %slice3A_909 = vector.extract_strided_slice %transpose3A_758 {offsets = [0, 3], sizes = [128, 1], strides = [1, 1]} : vector<128x8xf32> to vector<128x1xf32>
    %sub3A_910 = vector.broadcast %add3A_884 : vector<1x128xf32> to vector<128x128xf32>
    %sub3A_911 = vector.broadcast %slice3A_909 : vector<128x1xf32> to vector<128x128xf32>
    %sub3A_912 = arith.subf %sub3A_910, %sub3A_911 : vector<128x128xf32>
    %max3A_913 = arith.constant 0.000000e+00 : f32
    %max3A_914 = vector.broadcast %max3A_913 : f32 to vector<128x128xf32>
    %max3A_915 = arith.maximumf %sub3A_912, %max3A_914 : vector<128x128xf32>
    %add3A_916 = arith.addf %add3A_908, %max3A_915 : vector<128x128xf32>
    %slice3A_917 = vector.extract_strided_slice %transpose3A_758 {offsets = [0, 4], sizes = [128, 1], strides = [1, 1]} : vector<128x8xf32> to vector<128x1xf32>
    %sub3A_918 = vector.broadcast %add3A_884 : vector<1x128xf32> to vector<128x128xf32>
    %sub3A_919 = vector.broadcast %slice3A_917 : vector<128x1xf32> to vector<128x128xf32>
    %sub3A_920 = arith.subf %sub3A_918, %sub3A_919 : vector<128x128xf32>
    %max3A_921 = arith.constant 0.000000e+00 : f32
    %max3A_922 = vector.broadcast %max3A_921 : f32 to vector<128x128xf32>
    %max3A_923 = arith.maximumf %sub3A_920, %max3A_922 : vector<128x128xf32>
    %iota3A_924 = tpu.iota {dimensions = array<i32: 0>} : vector<128x128xi32>
    %iota3A_925 = tpu.iota {dimensions = array<i32: 1>} : vector<128x128xi32>
    %gt3A_926 = arith.cmpi sgt, %iota3A_925, %iota3A_924 : vector<128x128xi32>
    %jit3A_927 = arith.constant 0.000000e+00 : f32
    %broadcast_in_dim3A_928 = vector.broadcast %jit3A_927 : f32 to vector<128x128xf32>
    %select_n3A_929 = arith.select %gt3A_926, %max3A_923, %broadcast_in_dim3A_928 : vector<128x128xi1>, vector<128x128xf32>
    %add3A_930 = arith.addf %add3A_916, %select_n3A_929 : vector<128x128xf32>
    %slice3A_931 = vector.extract_strided_slice %get3A_757 {offsets = [5, 0], sizes = [1, 128], strides = [1, 1]} : vector<8x128xf32> to vector<1x128xf32>
    %add3A_932 = arith.constant 1.000000e-01 : f32
    %add3A_933 = vector.broadcast %add3A_932 : f32 to vector<1x128xf32>
    %add3A_934 = arith.addf %slice3A_931, %add3A_933 : vector<1x128xf32>
    %slice3A_935 = vector.extract_strided_slice %transpose3A_758 {offsets = [0, 0], sizes = [128, 1], strides = [1, 1]} : vector<128x8xf32> to vector<128x1xf32>
    %sub3A_936 = vector.broadcast %add3A_934 : vector<1x128xf32> to vector<128x128xf32>
    %sub3A_937 = vector.broadcast %slice3A_935 : vector<128x1xf32> to vector<128x128xf32>
    %sub3A_938 = arith.subf %sub3A_936, %sub3A_937 : vector<128x128xf32>
    %max3A_939 = arith.constant 0.000000e+00 : f32
    %max3A_940 = vector.broadcast %max3A_939 : f32 to vector<128x128xf32>
    %max3A_941 = arith.maximumf %sub3A_938, %max3A_940 : vector<128x128xf32>
    %add3A_942 = arith.addf %add3A_930, %max3A_941 : vector<128x128xf32>
    %slice3A_943 = vector.extract_strided_slice %transpose3A_758 {offsets = [0, 1], sizes = [128, 1], strides = [1, 1]} : vector<128x8xf32> to vector<128x1xf32>
    %sub3A_944 = vector.broadcast %add3A_934 : vector<1x128xf32> to vector<128x128xf32>
    %sub3A_945 = vector.broadcast %slice3A_943 : vector<128x1xf32> to vector<128x128xf32>
    %sub3A_946 = arith.subf %sub3A_944, %sub3A_945 : vector<128x128xf32>
    %max3A_947 = arith.constant 0.000000e+00 : f32
    %max3A_948 = vector.broadcast %max3A_947 : f32 to vector<128x128xf32>
    %max3A_949 = arith.maximumf %sub3A_946, %max3A_948 : vector<128x128xf32>
    %add3A_950 = arith.addf %add3A_942, %max3A_949 : vector<128x128xf32>
    %slice3A_951 = vector.extract_strided_slice %transpose3A_758 {offsets = [0, 2], sizes = [128, 1], strides = [1, 1]} : vector<128x8xf32> to vector<128x1xf32>
    %sub3A_952 = vector.broadcast %add3A_934 : vector<1x128xf32> to vector<128x128xf32>
    %sub3A_953 = vector.broadcast %slice3A_951 : vector<128x1xf32> to vector<128x128xf32>
    %sub3A_954 = arith.subf %sub3A_952, %sub3A_953 : vector<128x128xf32>
    %max3A_955 = arith.constant 0.000000e+00 : f32
    %max3A_956 = vector.broadcast %max3A_955 : f32 to vector<128x128xf32>
    %max3A_957 = arith.maximumf %sub3A_954, %max3A_956 : vector<128x128xf32>
    %add3A_958 = arith.addf %add3A_950, %max3A_957 : vector<128x128xf32>
    %slice3A_959 = vector.extract_strided_slice %transpose3A_758 {offsets = [0, 3], sizes = [128, 1], strides = [1, 1]} : vector<128x8xf32> to vector<128x1xf32>
    %sub3A_960 = vector.broadcast %add3A_934 : vector<1x128xf32> to vector<128x128xf32>
    %sub3A_961 = vector.broadcast %slice3A_959 : vector<128x1xf32> to vector<128x128xf32>
    %sub3A_962 = arith.subf %sub3A_960, %sub3A_961 : vector<128x128xf32>
    %max3A_963 = arith.constant 0.000000e+00 : f32
    %max3A_964 = vector.broadcast %max3A_963 : f32 to vector<128x128xf32>
    %max3A_965 = arith.maximumf %sub3A_962, %max3A_964 : vector<128x128xf32>
    %add3A_966 = arith.addf %add3A_958, %max3A_965 : vector<128x128xf32>
    %slice3A_967 = vector.extract_strided_slice %transpose3A_758 {offsets = [0, 4], sizes = [128, 1], strides = [1, 1]} : vector<128x8xf32> to vector<128x1xf32>
    %sub3A_968 = vector.broadcast %add3A_934 : vector<1x128xf32> to vector<128x128xf32>
    %sub3A_969 = vector.broadcast %slice3A_967 : vector<128x1xf32> to vector<128x128xf32>
    %sub3A_970 = arith.subf %sub3A_968, %sub3A_969 : vector<128x128xf32>
    %max3A_971 = arith.constant 0.000000e+00 : f32
    %max3A_972 = vector.broadcast %max3A_971 : f32 to vector<128x128xf32>
    %max3A_973 = arith.maximumf %sub3A_970, %max3A_972 : vector<128x128xf32>
    %add3A_974 = arith.addf %add3A_966, %max3A_973 : vector<128x128xf32>
    %slice3A_975 = vector.extract_strided_slice %transpose3A_758 {offsets = [0, 5], sizes = [128, 1], strides = [1, 1]} : vector<128x8xf32> to vector<128x1xf32>
    %sub3A_976 = vector.broadcast %add3A_934 : vector<1x128xf32> to vector<128x128xf32>
    %sub3A_977 = vector.broadcast %slice3A_975 : vector<128x1xf32> to vector<128x128xf32>
    %sub3A_978 = arith.subf %sub3A_976, %sub3A_977 : vector<128x128xf32>
    %max3A_979 = arith.constant 0.000000e+00 : f32
    %max3A_980 = vector.broadcast %max3A_979 : f32 to vector<128x128xf32>
    %max3A_981 = arith.maximumf %sub3A_978, %max3A_980 : vector<128x128xf32>
    %iota3A_982 = tpu.iota {dimensions = array<i32: 0>} : vector<128x128xi32>
    %iota3A_983 = tpu.iota {dimensions = array<i32: 1>} : vector<128x128xi32>
    %gt3A_984 = arith.cmpi sgt, %iota3A_983, %iota3A_982 : vector<128x128xi32>
    %jit3A_985 = arith.constant 0.000000e+00 : f32
    %broadcast_in_dim3A_986 = vector.broadcast %jit3A_985 : f32 to vector<128x128xf32>
    %select_n3A_987 = arith.select %gt3A_984, %max3A_981, %broadcast_in_dim3A_986 : vector<128x128xi1>, vector<128x128xf32>
    %add3A_988 = arith.addf %add3A_974, %select_n3A_987 : vector<128x128xf32>
    %slice3A_989 = vector.extract_strided_slice %get3A_757 {offsets = [6, 0], sizes = [1, 128], strides = [1, 1]} : vector<8x128xf32> to vector<1x128xf32>
    %add3A_990 = arith.constant 1.000000e-01 : f32
    %add3A_991 = vector.broadcast %add3A_990 : f32 to vector<1x128xf32>
    %add3A_992 = arith.addf %slice3A_989, %add3A_991 : vector<1x128xf32>
    %slice3A_993 = vector.extract_strided_slice %transpose3A_758 {offsets = [0, 0], sizes = [128, 1], strides = [1, 1]} : vector<128x8xf32> to vector<128x1xf32>
    %sub3A_994 = vector.broadcast %add3A_992 : vector<1x128xf32> to vector<128x128xf32>
    %sub3A_995 = vector.broadcast %slice3A_993 : vector<128x1xf32> to vector<128x128xf32>
    %sub3A_996 = arith.subf %sub3A_994, %sub3A_995 : vector<128x128xf32>
    %max3A_997 = arith.constant 0.000000e+00 : f32
    %max3A_998 = vector.broadcast %max3A_997 : f32 to vector<128x128xf32>
    %max3A_999 = arith.maximumf %sub3A_996, %max3A_998 : vector<128x128xf32>
    %add3A_1000 = arith.addf %add3A_988, %max3A_999 : vector<128x128xf32>
    %slice3A_1001 = vector.extract_strided_slice %transpose3A_758 {offsets = [0, 1], sizes = [128, 1], strides = [1, 1]} : vector<128x8xf32> to vector<128x1xf32>
    %sub3A_1002 = vector.broadcast %add3A_992 : vector<1x128xf32> to vector<128x128xf32>
    %sub3A_1003 = vector.broadcast %slice3A_1001 : vector<128x1xf32> to vector<128x128xf32>
    %sub3A_1004 = arith.subf %sub3A_1002, %sub3A_1003 : vector<128x128xf32>
    %max3A_1005 = arith.constant 0.000000e+00 : f32
    %max3A_1006 = vector.broadcast %max3A_1005 : f32 to vector<128x128xf32>
    %max3A_1007 = arith.maximumf %sub3A_1004, %max3A_1006 : vector<128x128xf32>
    %add3A_1008 = arith.addf %add3A_1000, %max3A_1007 : vector<128x128xf32>
    %slice3A_1009 = vector.extract_strided_slice %transpose3A_758 {offsets = [0, 2], sizes = [128, 1], strides = [1, 1]} : vector<128x8xf32> to vector<128x1xf32>
    %sub3A_1010 = vector.broadcast %add3A_992 : vector<1x128xf32> to vector<128x128xf32>
    %sub3A_1011 = vector.broadcast %slice3A_1009 : vector<128x1xf32> to vector<128x128xf32>
    %sub3A_1012 = arith.subf %sub3A_1010, %sub3A_1011 : vector<128x128xf32>
    %max3A_1013 = arith.constant 0.000000e+00 : f32
    %max3A_1014 = vector.broadcast %max3A_1013 : f32 to vector<128x128xf32>
    %max3A_1015 = arith.maximumf %sub3A_1012, %max3A_1014 : vector<128x128xf32>
    %add3A_1016 = arith.addf %add3A_1008, %max3A_1015 : vector<128x128xf32>
    %slice3A_1017 = vector.extract_strided_slice %transpose3A_758 {offsets = [0, 3], sizes = [128, 1], strides = [1, 1]} : vector<128x8xf32> to vector<128x1xf32>
    %sub3A_1018 = vector.broadcast %add3A_992 : vector<1x128xf32> to vector<128x128xf32>
    %sub3A_1019 = vector.broadcast %slice3A_1017 : vector<128x1xf32> to vector<128x128xf32>
    %sub3A_1020 = arith.subf %sub3A_1018, %sub3A_1019 : vector<128x128xf32>
    %max3A_1021 = arith.constant 0.000000e+00 : f32
    %max3A_1022 = vector.broadcast %max3A_1021 : f32 to vector<128x128xf32>
    %max3A_1023 = arith.maximumf %sub3A_1020, %max3A_1022 : vector<128x128xf32>
    %add3A_1024 = arith.addf %add3A_1016, %max3A_1023 : vector<128x128xf32>
    %slice3A_1025 = vector.extract_strided_slice %transpose3A_758 {offsets = [0, 4], sizes = [128, 1], strides = [1, 1]} : vector<128x8xf32> to vector<128x1xf32>
    %sub3A_1026 = vector.broadcast %add3A_992 : vector<1x128xf32> to vector<128x128xf32>
    %sub3A_1027 = vector.broadcast %slice3A_1025 : vector<128x1xf32> to vector<128x128xf32>
    %sub3A_1028 = arith.subf %sub3A_1026, %sub3A_1027 : vector<128x128xf32>
    %max3A_1029 = arith.constant 0.000000e+00 : f32
    %max3A_1030 = vector.broadcast %max3A_1029 : f32 to vector<128x128xf32>
    %max3A_1031 = arith.maximumf %sub3A_1028, %max3A_1030 : vector<128x128xf32>
    %add3A_1032 = arith.addf %add3A_1024, %max3A_1031 : vector<128x128xf32>
    %slice3A_1033 = vector.extract_strided_slice %transpose3A_758 {offsets = [0, 5], sizes = [128, 1], strides = [1, 1]} : vector<128x8xf32> to vector<128x1xf32>
    %sub3A_1034 = vector.broadcast %add3A_992 : vector<1x128xf32> to vector<128x128xf32>
    %sub3A_1035 = vector.broadcast %slice3A_1033 : vector<128x1xf32> to vector<128x128xf32>
    %sub3A_1036 = arith.subf %sub3A_1034, %sub3A_1035 : vector<128x128xf32>
    %max3A_1037 = arith.constant 0.000000e+00 : f32
    %max3A_1038 = vector.broadcast %max3A_1037 : f32 to vector<128x128xf32>
    %max3A_1039 = arith.maximumf %sub3A_1036, %max3A_1038 : vector<128x128xf32>
    %add3A_1040 = arith.addf %add3A_1032, %max3A_1039 : vector<128x128xf32>
    %slice3A_1041 = vector.extract_strided_slice %transpose3A_758 {offsets = [0, 6], sizes = [128, 1], strides = [1, 1]} : vector<128x8xf32> to vector<128x1xf32>
    %sub3A_1042 = vector.broadcast %add3A_992 : vector<1x128xf32> to vector<128x128xf32>
    %sub3A_1043 = vector.broadcast %slice3A_1041 : vector<128x1xf32> to vector<128x128xf32>
    %sub3A_1044 = arith.subf %sub3A_1042, %sub3A_1043 : vector<128x128xf32>
    %max3A_1045 = arith.constant 0.000000e+00 : f32
    %max3A_1046 = vector.broadcast %max3A_1045 : f32 to vector<128x128xf32>
    %max3A_1047 = arith.maximumf %sub3A_1044, %max3A_1046 : vector<128x128xf32>
    %iota3A_1048 = tpu.iota {dimensions = array<i32: 0>} : vector<128x128xi32>
    %iota3A_1049 = tpu.iota {dimensions = array<i32: 1>} : vector<128x128xi32>
    %gt3A_1050 = arith.cmpi sgt, %iota3A_1049, %iota3A_1048 : vector<128x128xi32>
    %jit3A_1051 = arith.constant 0.000000e+00 : f32
    %broadcast_in_dim3A_1052 = vector.broadcast %jit3A_1051 : f32 to vector<128x128xf32>
    %select_n3A_1053 = arith.select %gt3A_1050, %max3A_1047, %broadcast_in_dim3A_1052 : vector<128x128xi1>, vector<128x128xf32>
    %add3A_1054 = arith.addf %add3A_1040, %select_n3A_1053 : vector<128x128xf32>
    %slice3A_1055 = vector.extract_strided_slice %get3A_757 {offsets = [7, 0], sizes = [1, 128], strides = [1, 1]} : vector<8x128xf32> to vector<1x128xf32>
    %add3A_1056 = arith.constant 1.000000e-01 : f32
    %add3A_1057 = vector.broadcast %add3A_1056 : f32 to vector<1x128xf32>
    %add3A_1058 = arith.addf %slice3A_1055, %add3A_1057 : vector<1x128xf32>
    %slice3A_1059 = vector.extract_strided_slice %transpose3A_758 {offsets = [0, 0], sizes = [128, 1], strides = [1, 1]} : vector<128x8xf32> to vector<128x1xf32>
    %sub3A_1060 = vector.broadcast %add3A_1058 : vector<1x128xf32> to vector<128x128xf32>
    %sub3A_1061 = vector.broadcast %slice3A_1059 : vector<128x1xf32> to vector<128x128xf32>
    %sub3A_1062 = arith.subf %sub3A_1060, %sub3A_1061 : vector<128x128xf32>
    %max3A_1063 = arith.constant 0.000000e+00 : f32
    %max3A_1064 = vector.broadcast %max3A_1063 : f32 to vector<128x128xf32>
    %max3A_1065 = arith.maximumf %sub3A_1062, %max3A_1064 : vector<128x128xf32>
    %add3A_1066 = arith.addf %add3A_1054, %max3A_1065 : vector<128x128xf32>
    %slice3A_1067 = vector.extract_strided_slice %transpose3A_758 {offsets = [0, 1], sizes = [128, 1], strides = [1, 1]} : vector<128x8xf32> to vector<128x1xf32>
    %sub3A_1068 = vector.broadcast %add3A_1058 : vector<1x128xf32> to vector<128x128xf32>
    %sub3A_1069 = vector.broadcast %slice3A_1067 : vector<128x1xf32> to vector<128x128xf32>
    %sub3A_1070 = arith.subf %sub3A_1068, %sub3A_1069 : vector<128x128xf32>
    %max3A_1071 = arith.constant 0.000000e+00 : f32
    %max3A_1072 = vector.broadcast %max3A_1071 : f32 to vector<128x128xf32>
    %max3A_1073 = arith.maximumf %sub3A_1070, %max3A_1072 : vector<128x128xf32>
    %add3A_1074 = arith.addf %add3A_1066, %max3A_1073 : vector<128x128xf32>
    %slice3A_1075 = vector.extract_strided_slice %transpose3A_758 {offsets = [0, 2], sizes = [128, 1], strides = [1, 1]} : vector<128x8xf32> to vector<128x1xf32>
    %sub3A_1076 = vector.broadcast %add3A_1058 : vector<1x128xf32> to vector<128x128xf32>
    %sub3A_1077 = vector.broadcast %slice3A_1075 : vector<128x1xf32> to vector<128x128xf32>
    %sub3A_1078 = arith.subf %sub3A_1076, %sub3A_1077 : vector<128x128xf32>
    %max3A_1079 = arith.constant 0.000000e+00 : f32
    %max3A_1080 = vector.broadcast %max3A_1079 : f32 to vector<128x128xf32>
    %max3A_1081 = arith.maximumf %sub3A_1078, %max3A_1080 : vector<128x128xf32>
    %add3A_1082 = arith.addf %add3A_1074, %max3A_1081 : vector<128x128xf32>
    %slice3A_1083 = vector.extract_strided_slice %transpose3A_758 {offsets = [0, 3], sizes = [128, 1], strides = [1, 1]} : vector<128x8xf32> to vector<128x1xf32>
    %sub3A_1084 = vector.broadcast %add3A_1058 : vector<1x128xf32> to vector<128x128xf32>
    %sub3A_1085 = vector.broadcast %slice3A_1083 : vector<128x1xf32> to vector<128x128xf32>
    %sub3A_1086 = arith.subf %sub3A_1084, %sub3A_1085 : vector<128x128xf32>
    %max3A_1087 = arith.constant 0.000000e+00 : f32
    %max3A_1088 = vector.broadcast %max3A_1087 : f32 to vector<128x128xf32>
    %max3A_1089 = arith.maximumf %sub3A_1086, %max3A_1088 : vector<128x128xf32>
    %add3A_1090 = arith.addf %add3A_1082, %max3A_1089 : vector<128x128xf32>
    %slice3A_1091 = vector.extract_strided_slice %transpose3A_758 {offsets = [0, 4], sizes = [128, 1], strides = [1, 1]} : vector<128x8xf32> to vector<128x1xf32>
    %sub3A_1092 = vector.broadcast %add3A_1058 : vector<1x128xf32> to vector<128x128xf32>
    %sub3A_1093 = vector.broadcast %slice3A_1091 : vector<128x1xf32> to vector<128x128xf32>
    %sub3A_1094 = arith.subf %sub3A_1092, %sub3A_1093 : vector<128x128xf32>
    %max3A_1095 = arith.constant 0.000000e+00 : f32
    %max3A_1096 = vector.broadcast %max3A_1095 : f32 to vector<128x128xf32>
    %max3A_1097 = arith.maximumf %sub3A_1094, %max3A_1096 : vector<128x128xf32>
    %add3A_1098 = arith.addf %add3A_1090, %max3A_1097 : vector<128x128xf32>
    %slice3A_1099 = vector.extract_strided_slice %transpose3A_758 {offsets = [0, 5], sizes = [128, 1], strides = [1, 1]} : vector<128x8xf32> to vector<128x1xf32>
    %sub3A_1100 = vector.broadcast %add3A_1058 : vector<1x128xf32> to vector<128x128xf32>
    %sub3A_1101 = vector.broadcast %slice3A_1099 : vector<128x1xf32> to vector<128x128xf32>
    %sub3A_1102 = arith.subf %sub3A_1100, %sub3A_1101 : vector<128x128xf32>
    %max3A_1103 = arith.constant 0.000000e+00 : f32
    %max3A_1104 = vector.broadcast %max3A_1103 : f32 to vector<128x128xf32>
    %max3A_1105 = arith.maximumf %sub3A_1102, %max3A_1104 : vector<128x128xf32>
    %add3A_1106 = arith.addf %add3A_1098, %max3A_1105 : vector<128x128xf32>
    %slice3A_1107 = vector.extract_strided_slice %transpose3A_758 {offsets = [0, 6], sizes = [128, 1], strides = [1, 1]} : vector<128x8xf32> to vector<128x1xf32>
    %sub3A_1108 = vector.broadcast %add3A_1058 : vector<1x128xf32> to vector<128x128xf32>
    %sub3A_1109 = vector.broadcast %slice3A_1107 : vector<128x1xf32> to vector<128x128xf32>
    %sub3A_1110 = arith.subf %sub3A_1108, %sub3A_1109 : vector<128x128xf32>
    %max3A_1111 = arith.constant 0.000000e+00 : f32
    %max3A_1112 = vector.broadcast %max3A_1111 : f32 to vector<128x128xf32>
    %max3A_1113 = arith.maximumf %sub3A_1110, %max3A_1112 : vector<128x128xf32>
    %add3A_1114 = arith.addf %add3A_1106, %max3A_1113 : vector<128x128xf32>
    %slice3A_1115 = vector.extract_strided_slice %transpose3A_758 {offsets = [0, 7], sizes = [128, 1], strides = [1, 1]} : vector<128x8xf32> to vector<128x1xf32>
    %sub3A_1116 = vector.broadcast %add3A_1058 : vector<1x128xf32> to vector<128x128xf32>
    %sub3A_1117 = vector.broadcast %slice3A_1115 : vector<128x1xf32> to vector<128x128xf32>
    %sub3A_1118 = arith.subf %sub3A_1116, %sub3A_1117 : vector<128x128xf32>
    %max3A_1119 = arith.constant 0.000000e+00 : f32
    %max3A_1120 = vector.broadcast %max3A_1119 : f32 to vector<128x128xf32>
    %max3A_1121 = arith.maximumf %sub3A_1118, %max3A_1120 : vector<128x128xf32>
    %iota3A_1122 = tpu.iota {dimensions = array<i32: 0>} : vector<128x128xi32>
    %iota3A_1123 = tpu.iota {dimensions = array<i32: 1>} : vector<128x128xi32>
    %gt3A_1124 = arith.cmpi sgt, %iota3A_1123, %iota3A_1122 : vector<128x128xi32>
    %jit3A_1125 = arith.constant 0.000000e+00 : f32
    %broadcast_in_dim3A_1126 = vector.broadcast %jit3A_1125 : f32 to vector<128x128xf32>
    %select_n3A_1127 = arith.select %gt3A_1124, %max3A_1121, %broadcast_in_dim3A_1126 : vector<128x128xi1>, vector<128x128xf32>
    %add3A_1128 = arith.addf %add3A_1114, %select_n3A_1127 : vector<128x128xf32>
    %reduce_sum3A_1129 = vector.shape_cast %add3A_1128 : vector<128x128xf32> to vector<1x128x128xf32>
    %reduce_sum3A_1130 = arith.constant dense<0.000000e+00> : vector<1xf32>
    %reduce_sum3A_1131 = vector.multi_reduction <add>, %reduce_sum3A_1129, %reduce_sum3A_1130 [1, 2] : vector<1x128x128xf32> to vector<1xf32>
    %reduce_sum3A_1132 = vector.shape_cast %reduce_sum3A_1131 : vector<1xf32> to vector<1x1x1xf32>
    %reduce_sum3A_1133 = vector.extract %reduce_sum3A_1132[0, 0, 0] : f32 from vector<1x1x1xf32>
    %add3A_1134 = arith.addf %add3A_752, %reduce_sum3A_1133 : f32
    %get3A_1135 = arith.constant 3 : index
    %get3A_1136 = arith.constant 0 : index
    %get3A_1137 = arith.constant 0 : index
    %get3A_1138 = vector.load %arg1[%get3A_1135, %get3A_1136, %get3A_1137] : memref<4x8x128xf32, #tpu.memory_space<vmem>>, vector<1x8x128xf32>
    %get3A_1139 = vector.shape_cast %get3A_1138 : vector<1x8x128xf32> to vector<8x128xf32>
    %transpose3A_1140 = tpu.transpose %get3A_1139, [1, 0] : vector<8x128xf32> -> vector<128x8xf32>
    %broadcast_in_dim3A_1141 = arith.constant 0.000000e+00 : f32
    %broadcast_in_dim3A_1142 = vector.broadcast %broadcast_in_dim3A_1141 : f32 to vector<128x128xf32>
    %slice3A_1143 = vector.extract_strided_slice %get3A_1139 {offsets = [0, 0], sizes = [1, 128], strides = [1, 1]} : vector<8x128xf32> to vector<1x128xf32>
    %add3A_1144 = arith.constant 1.000000e-01 : f32
    %add3A_1145 = vector.broadcast %add3A_1144 : f32 to vector<1x128xf32>
    %add3A_1146 = arith.addf %slice3A_1143, %add3A_1145 : vector<1x128xf32>
    %slice3A_1147 = vector.extract_strided_slice %transpose3A_1140 {offsets = [0, 0], sizes = [128, 1], strides = [1, 1]} : vector<128x8xf32> to vector<128x1xf32>
    %sub3A_1148 = vector.broadcast %add3A_1146 : vector<1x128xf32> to vector<128x128xf32>
    %sub3A_1149 = vector.broadcast %slice3A_1147 : vector<128x1xf32> to vector<128x128xf32>
    %sub3A_1150 = arith.subf %sub3A_1148, %sub3A_1149 : vector<128x128xf32>
    %max3A_1151 = arith.constant 0.000000e+00 : f32
    %max3A_1152 = vector.broadcast %max3A_1151 : f32 to vector<128x128xf32>
    %max3A_1153 = arith.maximumf %sub3A_1150, %max3A_1152 : vector<128x128xf32>
    %iota3A_1154 = tpu.iota {dimensions = array<i32: 0>} : vector<128x128xi32>
    %iota3A_1155 = tpu.iota {dimensions = array<i32: 1>} : vector<128x128xi32>
    %gt3A_1156 = arith.cmpi sgt, %iota3A_1155, %iota3A_1154 : vector<128x128xi32>
    %jit3A_1157 = arith.constant 0.000000e+00 : f32
    %broadcast_in_dim3A_1158 = vector.broadcast %jit3A_1157 : f32 to vector<128x128xf32>
    %select_n3A_1159 = arith.select %gt3A_1156, %max3A_1153, %broadcast_in_dim3A_1158 : vector<128x128xi1>, vector<128x128xf32>
    %add3A_1160 = arith.addf %broadcast_in_dim3A_1142, %select_n3A_1159 : vector<128x128xf32>
    %slice3A_1161 = vector.extract_strided_slice %get3A_1139 {offsets = [1, 0], sizes = [1, 128], strides = [1, 1]} : vector<8x128xf32> to vector<1x128xf32>
    %add3A_1162 = arith.constant 1.000000e-01 : f32
    %add3A_1163 = vector.broadcast %add3A_1162 : f32 to vector<1x128xf32>
    %add3A_1164 = arith.addf %slice3A_1161, %add3A_1163 : vector<1x128xf32>
    %slice3A_1165 = vector.extract_strided_slice %transpose3A_1140 {offsets = [0, 0], sizes = [128, 1], strides = [1, 1]} : vector<128x8xf32> to vector<128x1xf32>
    %sub3A_1166 = vector.broadcast %add3A_1164 : vector<1x128xf32> to vector<128x128xf32>
    %sub3A_1167 = vector.broadcast %slice3A_1165 : vector<128x1xf32> to vector<128x128xf32>
    %sub3A_1168 = arith.subf %sub3A_1166, %sub3A_1167 : vector<128x128xf32>
    %max3A_1169 = arith.constant 0.000000e+00 : f32
    %max3A_1170 = vector.broadcast %max3A_1169 : f32 to vector<128x128xf32>
    %max3A_1171 = arith.maximumf %sub3A_1168, %max3A_1170 : vector<128x128xf32>
    %add3A_1172 = arith.addf %add3A_1160, %max3A_1171 : vector<128x128xf32>
    %slice3A_1173 = vector.extract_strided_slice %transpose3A_1140 {offsets = [0, 1], sizes = [128, 1], strides = [1, 1]} : vector<128x8xf32> to vector<128x1xf32>
    %sub3A_1174 = vector.broadcast %add3A_1164 : vector<1x128xf32> to vector<128x128xf32>
    %sub3A_1175 = vector.broadcast %slice3A_1173 : vector<128x1xf32> to vector<128x128xf32>
    %sub3A_1176 = arith.subf %sub3A_1174, %sub3A_1175 : vector<128x128xf32>
    %max3A_1177 = arith.constant 0.000000e+00 : f32
    %max3A_1178 = vector.broadcast %max3A_1177 : f32 to vector<128x128xf32>
    %max3A_1179 = arith.maximumf %sub3A_1176, %max3A_1178 : vector<128x128xf32>
    %iota3A_1180 = tpu.iota {dimensions = array<i32: 0>} : vector<128x128xi32>
    %iota3A_1181 = tpu.iota {dimensions = array<i32: 1>} : vector<128x128xi32>
    %gt3A_1182 = arith.cmpi sgt, %iota3A_1181, %iota3A_1180 : vector<128x128xi32>
    %jit3A_1183 = arith.constant 0.000000e+00 : f32
    %broadcast_in_dim3A_1184 = vector.broadcast %jit3A_1183 : f32 to vector<128x128xf32>
    %select_n3A_1185 = arith.select %gt3A_1182, %max3A_1179, %broadcast_in_dim3A_1184 : vector<128x128xi1>, vector<128x128xf32>
    %add3A_1186 = arith.addf %add3A_1172, %select_n3A_1185 : vector<128x128xf32>
    %slice3A_1187 = vector.extract_strided_slice %get3A_1139 {offsets = [2, 0], sizes = [1, 128], strides = [1, 1]} : vector<8x128xf32> to vector<1x128xf32>
    %add3A_1188 = arith.constant 1.000000e-01 : f32
    %add3A_1189 = vector.broadcast %add3A_1188 : f32 to vector<1x128xf32>
    %add3A_1190 = arith.addf %slice3A_1187, %add3A_1189 : vector<1x128xf32>
    %slice3A_1191 = vector.extract_strided_slice %transpose3A_1140 {offsets = [0, 0], sizes = [128, 1], strides = [1, 1]} : vector<128x8xf32> to vector<128x1xf32>
    %sub3A_1192 = vector.broadcast %add3A_1190 : vector<1x128xf32> to vector<128x128xf32>
    %sub3A_1193 = vector.broadcast %slice3A_1191 : vector<128x1xf32> to vector<128x128xf32>
    %sub3A_1194 = arith.subf %sub3A_1192, %sub3A_1193 : vector<128x128xf32>
    %max3A_1195 = arith.constant 0.000000e+00 : f32
    %max3A_1196 = vector.broadcast %max3A_1195 : f32 to vector<128x128xf32>
    %max3A_1197 = arith.maximumf %sub3A_1194, %max3A_1196 : vector<128x128xf32>
    %add3A_1198 = arith.addf %add3A_1186, %max3A_1197 : vector<128x128xf32>
    %slice3A_1199 = vector.extract_strided_slice %transpose3A_1140 {offsets = [0, 1], sizes = [128, 1], strides = [1, 1]} : vector<128x8xf32> to vector<128x1xf32>
    %sub3A_1200 = vector.broadcast %add3A_1190 : vector<1x128xf32> to vector<128x128xf32>
    %sub3A_1201 = vector.broadcast %slice3A_1199 : vector<128x1xf32> to vector<128x128xf32>
    %sub3A_1202 = arith.subf %sub3A_1200, %sub3A_1201 : vector<128x128xf32>
    %max3A_1203 = arith.constant 0.000000e+00 : f32
    %max3A_1204 = vector.broadcast %max3A_1203 : f32 to vector<128x128xf32>
    %max3A_1205 = arith.maximumf %sub3A_1202, %max3A_1204 : vector<128x128xf32>
    %add3A_1206 = arith.addf %add3A_1198, %max3A_1205 : vector<128x128xf32>
    %slice3A_1207 = vector.extract_strided_slice %transpose3A_1140 {offsets = [0, 2], sizes = [128, 1], strides = [1, 1]} : vector<128x8xf32> to vector<128x1xf32>
    %sub3A_1208 = vector.broadcast %add3A_1190 : vector<1x128xf32> to vector<128x128xf32>
    %sub3A_1209 = vector.broadcast %slice3A_1207 : vector<128x1xf32> to vector<128x128xf32>
    %sub3A_1210 = arith.subf %sub3A_1208, %sub3A_1209 : vector<128x128xf32>
    %max3A_1211 = arith.constant 0.000000e+00 : f32
    %max3A_1212 = vector.broadcast %max3A_1211 : f32 to vector<128x128xf32>
    %max3A_1213 = arith.maximumf %sub3A_1210, %max3A_1212 : vector<128x128xf32>
    %iota3A_1214 = tpu.iota {dimensions = array<i32: 0>} : vector<128x128xi32>
    %iota3A_1215 = tpu.iota {dimensions = array<i32: 1>} : vector<128x128xi32>
    %gt3A_1216 = arith.cmpi sgt, %iota3A_1215, %iota3A_1214 : vector<128x128xi32>
    %jit3A_1217 = arith.constant 0.000000e+00 : f32
    %broadcast_in_dim3A_1218 = vector.broadcast %jit3A_1217 : f32 to vector<128x128xf32>
    %select_n3A_1219 = arith.select %gt3A_1216, %max3A_1213, %broadcast_in_dim3A_1218 : vector<128x128xi1>, vector<128x128xf32>
    %add3A_1220 = arith.addf %add3A_1206, %select_n3A_1219 : vector<128x128xf32>
    %slice3A_1221 = vector.extract_strided_slice %get3A_1139 {offsets = [3, 0], sizes = [1, 128], strides = [1, 1]} : vector<8x128xf32> to vector<1x128xf32>
    %add3A_1222 = arith.constant 1.000000e-01 : f32
    %add3A_1223 = vector.broadcast %add3A_1222 : f32 to vector<1x128xf32>
    %add3A_1224 = arith.addf %slice3A_1221, %add3A_1223 : vector<1x128xf32>
    %slice3A_1225 = vector.extract_strided_slice %transpose3A_1140 {offsets = [0, 0], sizes = [128, 1], strides = [1, 1]} : vector<128x8xf32> to vector<128x1xf32>
    %sub3A_1226 = vector.broadcast %add3A_1224 : vector<1x128xf32> to vector<128x128xf32>
    %sub3A_1227 = vector.broadcast %slice3A_1225 : vector<128x1xf32> to vector<128x128xf32>
    %sub3A_1228 = arith.subf %sub3A_1226, %sub3A_1227 : vector<128x128xf32>
    %max3A_1229 = arith.constant 0.000000e+00 : f32
    %max3A_1230 = vector.broadcast %max3A_1229 : f32 to vector<128x128xf32>
    %max3A_1231 = arith.maximumf %sub3A_1228, %max3A_1230 : vector<128x128xf32>
    %add3A_1232 = arith.addf %add3A_1220, %max3A_1231 : vector<128x128xf32>
    %slice3A_1233 = vector.extract_strided_slice %transpose3A_1140 {offsets = [0, 1], sizes = [128, 1], strides = [1, 1]} : vector<128x8xf32> to vector<128x1xf32>
    %sub3A_1234 = vector.broadcast %add3A_1224 : vector<1x128xf32> to vector<128x128xf32>
    %sub3A_1235 = vector.broadcast %slice3A_1233 : vector<128x1xf32> to vector<128x128xf32>
    %sub3A_1236 = arith.subf %sub3A_1234, %sub3A_1235 : vector<128x128xf32>
    %max3A_1237 = arith.constant 0.000000e+00 : f32
    %max3A_1238 = vector.broadcast %max3A_1237 : f32 to vector<128x128xf32>
    %max3A_1239 = arith.maximumf %sub3A_1236, %max3A_1238 : vector<128x128xf32>
    %add3A_1240 = arith.addf %add3A_1232, %max3A_1239 : vector<128x128xf32>
    %slice3A_1241 = vector.extract_strided_slice %transpose3A_1140 {offsets = [0, 2], sizes = [128, 1], strides = [1, 1]} : vector<128x8xf32> to vector<128x1xf32>
    %sub3A_1242 = vector.broadcast %add3A_1224 : vector<1x128xf32> to vector<128x128xf32>
    %sub3A_1243 = vector.broadcast %slice3A_1241 : vector<128x1xf32> to vector<128x128xf32>
    %sub3A_1244 = arith.subf %sub3A_1242, %sub3A_1243 : vector<128x128xf32>
    %max3A_1245 = arith.constant 0.000000e+00 : f32
    %max3A_1246 = vector.broadcast %max3A_1245 : f32 to vector<128x128xf32>
    %max3A_1247 = arith.maximumf %sub3A_1244, %max3A_1246 : vector<128x128xf32>
    %add3A_1248 = arith.addf %add3A_1240, %max3A_1247 : vector<128x128xf32>
    %slice3A_1249 = vector.extract_strided_slice %transpose3A_1140 {offsets = [0, 3], sizes = [128, 1], strides = [1, 1]} : vector<128x8xf32> to vector<128x1xf32>
    %sub3A_1250 = vector.broadcast %add3A_1224 : vector<1x128xf32> to vector<128x128xf32>
    %sub3A_1251 = vector.broadcast %slice3A_1249 : vector<128x1xf32> to vector<128x128xf32>
    %sub3A_1252 = arith.subf %sub3A_1250, %sub3A_1251 : vector<128x128xf32>
    %max3A_1253 = arith.constant 0.000000e+00 : f32
    %max3A_1254 = vector.broadcast %max3A_1253 : f32 to vector<128x128xf32>
    %max3A_1255 = arith.maximumf %sub3A_1252, %max3A_1254 : vector<128x128xf32>
    %iota3A_1256 = tpu.iota {dimensions = array<i32: 0>} : vector<128x128xi32>
    %iota3A_1257 = tpu.iota {dimensions = array<i32: 1>} : vector<128x128xi32>
    %gt3A_1258 = arith.cmpi sgt, %iota3A_1257, %iota3A_1256 : vector<128x128xi32>
    %jit3A_1259 = arith.constant 0.000000e+00 : f32
    %broadcast_in_dim3A_1260 = vector.broadcast %jit3A_1259 : f32 to vector<128x128xf32>
    %select_n3A_1261 = arith.select %gt3A_1258, %max3A_1255, %broadcast_in_dim3A_1260 : vector<128x128xi1>, vector<128x128xf32>
    %add3A_1262 = arith.addf %add3A_1248, %select_n3A_1261 : vector<128x128xf32>
    %slice3A_1263 = vector.extract_strided_slice %get3A_1139 {offsets = [4, 0], sizes = [1, 128], strides = [1, 1]} : vector<8x128xf32> to vector<1x128xf32>
    %add3A_1264 = arith.constant 1.000000e-01 : f32
    %add3A_1265 = vector.broadcast %add3A_1264 : f32 to vector<1x128xf32>
    %add3A_1266 = arith.addf %slice3A_1263, %add3A_1265 : vector<1x128xf32>
    %slice3A_1267 = vector.extract_strided_slice %transpose3A_1140 {offsets = [0, 0], sizes = [128, 1], strides = [1, 1]} : vector<128x8xf32> to vector<128x1xf32>
    %sub3A_1268 = vector.broadcast %add3A_1266 : vector<1x128xf32> to vector<128x128xf32>
    %sub3A_1269 = vector.broadcast %slice3A_1267 : vector<128x1xf32> to vector<128x128xf32>
    %sub3A_1270 = arith.subf %sub3A_1268, %sub3A_1269 : vector<128x128xf32>
    %max3A_1271 = arith.constant 0.000000e+00 : f32
    %max3A_1272 = vector.broadcast %max3A_1271 : f32 to vector<128x128xf32>
    %max3A_1273 = arith.maximumf %sub3A_1270, %max3A_1272 : vector<128x128xf32>
    %add3A_1274 = arith.addf %add3A_1262, %max3A_1273 : vector<128x128xf32>
    %slice3A_1275 = vector.extract_strided_slice %transpose3A_1140 {offsets = [0, 1], sizes = [128, 1], strides = [1, 1]} : vector<128x8xf32> to vector<128x1xf32>
    %sub3A_1276 = vector.broadcast %add3A_1266 : vector<1x128xf32> to vector<128x128xf32>
    %sub3A_1277 = vector.broadcast %slice3A_1275 : vector<128x1xf32> to vector<128x128xf32>
    %sub3A_1278 = arith.subf %sub3A_1276, %sub3A_1277 : vector<128x128xf32>
    %max3A_1279 = arith.constant 0.000000e+00 : f32
    %max3A_1280 = vector.broadcast %max3A_1279 : f32 to vector<128x128xf32>
    %max3A_1281 = arith.maximumf %sub3A_1278, %max3A_1280 : vector<128x128xf32>
    %add3A_1282 = arith.addf %add3A_1274, %max3A_1281 : vector<128x128xf32>
    %slice3A_1283 = vector.extract_strided_slice %transpose3A_1140 {offsets = [0, 2], sizes = [128, 1], strides = [1, 1]} : vector<128x8xf32> to vector<128x1xf32>
    %sub3A_1284 = vector.broadcast %add3A_1266 : vector<1x128xf32> to vector<128x128xf32>
    %sub3A_1285 = vector.broadcast %slice3A_1283 : vector<128x1xf32> to vector<128x128xf32>
    %sub3A_1286 = arith.subf %sub3A_1284, %sub3A_1285 : vector<128x128xf32>
    %max3A_1287 = arith.constant 0.000000e+00 : f32
    %max3A_1288 = vector.broadcast %max3A_1287 : f32 to vector<128x128xf32>
    %max3A_1289 = arith.maximumf %sub3A_1286, %max3A_1288 : vector<128x128xf32>
    %add3A_1290 = arith.addf %add3A_1282, %max3A_1289 : vector<128x128xf32>
    %slice3A_1291 = vector.extract_strided_slice %transpose3A_1140 {offsets = [0, 3], sizes = [128, 1], strides = [1, 1]} : vector<128x8xf32> to vector<128x1xf32>
    %sub3A_1292 = vector.broadcast %add3A_1266 : vector<1x128xf32> to vector<128x128xf32>
    %sub3A_1293 = vector.broadcast %slice3A_1291 : vector<128x1xf32> to vector<128x128xf32>
    %sub3A_1294 = arith.subf %sub3A_1292, %sub3A_1293 : vector<128x128xf32>
    %max3A_1295 = arith.constant 0.000000e+00 : f32
    %max3A_1296 = vector.broadcast %max3A_1295 : f32 to vector<128x128xf32>
    %max3A_1297 = arith.maximumf %sub3A_1294, %max3A_1296 : vector<128x128xf32>
    %add3A_1298 = arith.addf %add3A_1290, %max3A_1297 : vector<128x128xf32>
    %slice3A_1299 = vector.extract_strided_slice %transpose3A_1140 {offsets = [0, 4], sizes = [128, 1], strides = [1, 1]} : vector<128x8xf32> to vector<128x1xf32>
    %sub3A_1300 = vector.broadcast %add3A_1266 : vector<1x128xf32> to vector<128x128xf32>
    %sub3A_1301 = vector.broadcast %slice3A_1299 : vector<128x1xf32> to vector<128x128xf32>
    %sub3A_1302 = arith.subf %sub3A_1300, %sub3A_1301 : vector<128x128xf32>
    %max3A_1303 = arith.constant 0.000000e+00 : f32
    %max3A_1304 = vector.broadcast %max3A_1303 : f32 to vector<128x128xf32>
    %max3A_1305 = arith.maximumf %sub3A_1302, %max3A_1304 : vector<128x128xf32>
    %iota3A_1306 = tpu.iota {dimensions = array<i32: 0>} : vector<128x128xi32>
    %iota3A_1307 = tpu.iota {dimensions = array<i32: 1>} : vector<128x128xi32>
    %gt3A_1308 = arith.cmpi sgt, %iota3A_1307, %iota3A_1306 : vector<128x128xi32>
    %jit3A_1309 = arith.constant 0.000000e+00 : f32
    %broadcast_in_dim3A_1310 = vector.broadcast %jit3A_1309 : f32 to vector<128x128xf32>
    %select_n3A_1311 = arith.select %gt3A_1308, %max3A_1305, %broadcast_in_dim3A_1310 : vector<128x128xi1>, vector<128x128xf32>
    %add3A_1312 = arith.addf %add3A_1298, %select_n3A_1311 : vector<128x128xf32>
    %slice3A_1313 = vector.extract_strided_slice %get3A_1139 {offsets = [5, 0], sizes = [1, 128], strides = [1, 1]} : vector<8x128xf32> to vector<1x128xf32>
    %add3A_1314 = arith.constant 1.000000e-01 : f32
    %add3A_1315 = vector.broadcast %add3A_1314 : f32 to vector<1x128xf32>
    %add3A_1316 = arith.addf %slice3A_1313, %add3A_1315 : vector<1x128xf32>
    %slice3A_1317 = vector.extract_strided_slice %transpose3A_1140 {offsets = [0, 0], sizes = [128, 1], strides = [1, 1]} : vector<128x8xf32> to vector<128x1xf32>
    %sub3A_1318 = vector.broadcast %add3A_1316 : vector<1x128xf32> to vector<128x128xf32>
    %sub3A_1319 = vector.broadcast %slice3A_1317 : vector<128x1xf32> to vector<128x128xf32>
    %sub3A_1320 = arith.subf %sub3A_1318, %sub3A_1319 : vector<128x128xf32>
    %max3A_1321 = arith.constant 0.000000e+00 : f32
    %max3A_1322 = vector.broadcast %max3A_1321 : f32 to vector<128x128xf32>
    %max3A_1323 = arith.maximumf %sub3A_1320, %max3A_1322 : vector<128x128xf32>
    %add3A_1324 = arith.addf %add3A_1312, %max3A_1323 : vector<128x128xf32>
    %slice3A_1325 = vector.extract_strided_slice %transpose3A_1140 {offsets = [0, 1], sizes = [128, 1], strides = [1, 1]} : vector<128x8xf32> to vector<128x1xf32>
    %sub3A_1326 = vector.broadcast %add3A_1316 : vector<1x128xf32> to vector<128x128xf32>
    %sub3A_1327 = vector.broadcast %slice3A_1325 : vector<128x1xf32> to vector<128x128xf32>
    %sub3A_1328 = arith.subf %sub3A_1326, %sub3A_1327 : vector<128x128xf32>
    %max3A_1329 = arith.constant 0.000000e+00 : f32
    %max3A_1330 = vector.broadcast %max3A_1329 : f32 to vector<128x128xf32>
    %max3A_1331 = arith.maximumf %sub3A_1328, %max3A_1330 : vector<128x128xf32>
    %add3A_1332 = arith.addf %add3A_1324, %max3A_1331 : vector<128x128xf32>
    %slice3A_1333 = vector.extract_strided_slice %transpose3A_1140 {offsets = [0, 2], sizes = [128, 1], strides = [1, 1]} : vector<128x8xf32> to vector<128x1xf32>
    %sub3A_1334 = vector.broadcast %add3A_1316 : vector<1x128xf32> to vector<128x128xf32>
    %sub3A_1335 = vector.broadcast %slice3A_1333 : vector<128x1xf32> to vector<128x128xf32>
    %sub3A_1336 = arith.subf %sub3A_1334, %sub3A_1335 : vector<128x128xf32>
    %max3A_1337 = arith.constant 0.000000e+00 : f32
    %max3A_1338 = vector.broadcast %max3A_1337 : f32 to vector<128x128xf32>
    %max3A_1339 = arith.maximumf %sub3A_1336, %max3A_1338 : vector<128x128xf32>
    %add3A_1340 = arith.addf %add3A_1332, %max3A_1339 : vector<128x128xf32>
    %slice3A_1341 = vector.extract_strided_slice %transpose3A_1140 {offsets = [0, 3], sizes = [128, 1], strides = [1, 1]} : vector<128x8xf32> to vector<128x1xf32>
    %sub3A_1342 = vector.broadcast %add3A_1316 : vector<1x128xf32> to vector<128x128xf32>
    %sub3A_1343 = vector.broadcast %slice3A_1341 : vector<128x1xf32> to vector<128x128xf32>
    %sub3A_1344 = arith.subf %sub3A_1342, %sub3A_1343 : vector<128x128xf32>
    %max3A_1345 = arith.constant 0.000000e+00 : f32
    %max3A_1346 = vector.broadcast %max3A_1345 : f32 to vector<128x128xf32>
    %max3A_1347 = arith.maximumf %sub3A_1344, %max3A_1346 : vector<128x128xf32>
    %add3A_1348 = arith.addf %add3A_1340, %max3A_1347 : vector<128x128xf32>
    %slice3A_1349 = vector.extract_strided_slice %transpose3A_1140 {offsets = [0, 4], sizes = [128, 1], strides = [1, 1]} : vector<128x8xf32> to vector<128x1xf32>
    %sub3A_1350 = vector.broadcast %add3A_1316 : vector<1x128xf32> to vector<128x128xf32>
    %sub3A_1351 = vector.broadcast %slice3A_1349 : vector<128x1xf32> to vector<128x128xf32>
    %sub3A_1352 = arith.subf %sub3A_1350, %sub3A_1351 : vector<128x128xf32>
    %max3A_1353 = arith.constant 0.000000e+00 : f32
    %max3A_1354 = vector.broadcast %max3A_1353 : f32 to vector<128x128xf32>
    %max3A_1355 = arith.maximumf %sub3A_1352, %max3A_1354 : vector<128x128xf32>
    %add3A_1356 = arith.addf %add3A_1348, %max3A_1355 : vector<128x128xf32>
    %slice3A_1357 = vector.extract_strided_slice %transpose3A_1140 {offsets = [0, 5], sizes = [128, 1], strides = [1, 1]} : vector<128x8xf32> to vector<128x1xf32>
    %sub3A_1358 = vector.broadcast %add3A_1316 : vector<1x128xf32> to vector<128x128xf32>
    %sub3A_1359 = vector.broadcast %slice3A_1357 : vector<128x1xf32> to vector<128x128xf32>
    %sub3A_1360 = arith.subf %sub3A_1358, %sub3A_1359 : vector<128x128xf32>
    %max3A_1361 = arith.constant 0.000000e+00 : f32
    %max3A_1362 = vector.broadcast %max3A_1361 : f32 to vector<128x128xf32>
    %max3A_1363 = arith.maximumf %sub3A_1360, %max3A_1362 : vector<128x128xf32>
    %iota3A_1364 = tpu.iota {dimensions = array<i32: 0>} : vector<128x128xi32>
    %iota3A_1365 = tpu.iota {dimensions = array<i32: 1>} : vector<128x128xi32>
    %gt3A_1366 = arith.cmpi sgt, %iota3A_1365, %iota3A_1364 : vector<128x128xi32>
    %jit3A_1367 = arith.constant 0.000000e+00 : f32
    %broadcast_in_dim3A_1368 = vector.broadcast %jit3A_1367 : f32 to vector<128x128xf32>
    %select_n3A_1369 = arith.select %gt3A_1366, %max3A_1363, %broadcast_in_dim3A_1368 : vector<128x128xi1>, vector<128x128xf32>
    %add3A_1370 = arith.addf %add3A_1356, %select_n3A_1369 : vector<128x128xf32>
    %slice3A_1371 = vector.extract_strided_slice %get3A_1139 {offsets = [6, 0], sizes = [1, 128], strides = [1, 1]} : vector<8x128xf32> to vector<1x128xf32>
    %add3A_1372 = arith.constant 1.000000e-01 : f32
    %add3A_1373 = vector.broadcast %add3A_1372 : f32 to vector<1x128xf32>
    %add3A_1374 = arith.addf %slice3A_1371, %add3A_1373 : vector<1x128xf32>
    %slice3A_1375 = vector.extract_strided_slice %transpose3A_1140 {offsets = [0, 0], sizes = [128, 1], strides = [1, 1]} : vector<128x8xf32> to vector<128x1xf32>
    %sub3A_1376 = vector.broadcast %add3A_1374 : vector<1x128xf32> to vector<128x128xf32>
    %sub3A_1377 = vector.broadcast %slice3A_1375 : vector<128x1xf32> to vector<128x128xf32>
    %sub3A_1378 = arith.subf %sub3A_1376, %sub3A_1377 : vector<128x128xf32>
    %max3A_1379 = arith.constant 0.000000e+00 : f32
    %max3A_1380 = vector.broadcast %max3A_1379 : f32 to vector<128x128xf32>
    %max3A_1381 = arith.maximumf %sub3A_1378, %max3A_1380 : vector<128x128xf32>
    %add3A_1382 = arith.addf %add3A_1370, %max3A_1381 : vector<128x128xf32>
    %slice3A_1383 = vector.extract_strided_slice %transpose3A_1140 {offsets = [0, 1], sizes = [128, 1], strides = [1, 1]} : vector<128x8xf32> to vector<128x1xf32>
    %sub3A_1384 = vector.broadcast %add3A_1374 : vector<1x128xf32> to vector<128x128xf32>
    %sub3A_1385 = vector.broadcast %slice3A_1383 : vector<128x1xf32> to vector<128x128xf32>
    %sub3A_1386 = arith.subf %sub3A_1384, %sub3A_1385 : vector<128x128xf32>
    %max3A_1387 = arith.constant 0.000000e+00 : f32
    %max3A_1388 = vector.broadcast %max3A_1387 : f32 to vector<128x128xf32>
    %max3A_1389 = arith.maximumf %sub3A_1386, %max3A_1388 : vector<128x128xf32>
    %add3A_1390 = arith.addf %add3A_1382, %max3A_1389 : vector<128x128xf32>
    %slice3A_1391 = vector.extract_strided_slice %transpose3A_1140 {offsets = [0, 2], sizes = [128, 1], strides = [1, 1]} : vector<128x8xf32> to vector<128x1xf32>
    %sub3A_1392 = vector.broadcast %add3A_1374 : vector<1x128xf32> to vector<128x128xf32>
    %sub3A_1393 = vector.broadcast %slice3A_1391 : vector<128x1xf32> to vector<128x128xf32>
    %sub3A_1394 = arith.subf %sub3A_1392, %sub3A_1393 : vector<128x128xf32>
    %max3A_1395 = arith.constant 0.000000e+00 : f32
    %max3A_1396 = vector.broadcast %max3A_1395 : f32 to vector<128x128xf32>
    %max3A_1397 = arith.maximumf %sub3A_1394, %max3A_1396 : vector<128x128xf32>
    %add3A_1398 = arith.addf %add3A_1390, %max3A_1397 : vector<128x128xf32>
    %slice3A_1399 = vector.extract_strided_slice %transpose3A_1140 {offsets = [0, 3], sizes = [128, 1], strides = [1, 1]} : vector<128x8xf32> to vector<128x1xf32>
    %sub3A_1400 = vector.broadcast %add3A_1374 : vector<1x128xf32> to vector<128x128xf32>
    %sub3A_1401 = vector.broadcast %slice3A_1399 : vector<128x1xf32> to vector<128x128xf32>
    %sub3A_1402 = arith.subf %sub3A_1400, %sub3A_1401 : vector<128x128xf32>
    %max3A_1403 = arith.constant 0.000000e+00 : f32
    %max3A_1404 = vector.broadcast %max3A_1403 : f32 to vector<128x128xf32>
    %max3A_1405 = arith.maximumf %sub3A_1402, %max3A_1404 : vector<128x128xf32>
    %add3A_1406 = arith.addf %add3A_1398, %max3A_1405 : vector<128x128xf32>
    %slice3A_1407 = vector.extract_strided_slice %transpose3A_1140 {offsets = [0, 4], sizes = [128, 1], strides = [1, 1]} : vector<128x8xf32> to vector<128x1xf32>
    %sub3A_1408 = vector.broadcast %add3A_1374 : vector<1x128xf32> to vector<128x128xf32>
    %sub3A_1409 = vector.broadcast %slice3A_1407 : vector<128x1xf32> to vector<128x128xf32>
    %sub3A_1410 = arith.subf %sub3A_1408, %sub3A_1409 : vector<128x128xf32>
    %max3A_1411 = arith.constant 0.000000e+00 : f32
    %max3A_1412 = vector.broadcast %max3A_1411 : f32 to vector<128x128xf32>
    %max3A_1413 = arith.maximumf %sub3A_1410, %max3A_1412 : vector<128x128xf32>
    %add3A_1414 = arith.addf %add3A_1406, %max3A_1413 : vector<128x128xf32>
    %slice3A_1415 = vector.extract_strided_slice %transpose3A_1140 {offsets = [0, 5], sizes = [128, 1], strides = [1, 1]} : vector<128x8xf32> to vector<128x1xf32>
    %sub3A_1416 = vector.broadcast %add3A_1374 : vector<1x128xf32> to vector<128x128xf32>
    %sub3A_1417 = vector.broadcast %slice3A_1415 : vector<128x1xf32> to vector<128x128xf32>
    %sub3A_1418 = arith.subf %sub3A_1416, %sub3A_1417 : vector<128x128xf32>
    %max3A_1419 = arith.constant 0.000000e+00 : f32
    %max3A_1420 = vector.broadcast %max3A_1419 : f32 to vector<128x128xf32>
    %max3A_1421 = arith.maximumf %sub3A_1418, %max3A_1420 : vector<128x128xf32>
    %add3A_1422 = arith.addf %add3A_1414, %max3A_1421 : vector<128x128xf32>
    %slice3A_1423 = vector.extract_strided_slice %transpose3A_1140 {offsets = [0, 6], sizes = [128, 1], strides = [1, 1]} : vector<128x8xf32> to vector<128x1xf32>
    %sub3A_1424 = vector.broadcast %add3A_1374 : vector<1x128xf32> to vector<128x128xf32>
    %sub3A_1425 = vector.broadcast %slice3A_1423 : vector<128x1xf32> to vector<128x128xf32>
    %sub3A_1426 = arith.subf %sub3A_1424, %sub3A_1425 : vector<128x128xf32>
    %max3A_1427 = arith.constant 0.000000e+00 : f32
    %max3A_1428 = vector.broadcast %max3A_1427 : f32 to vector<128x128xf32>
    %max3A_1429 = arith.maximumf %sub3A_1426, %max3A_1428 : vector<128x128xf32>
    %iota3A_1430 = tpu.iota {dimensions = array<i32: 0>} : vector<128x128xi32>
    %iota3A_1431 = tpu.iota {dimensions = array<i32: 1>} : vector<128x128xi32>
    %gt3A_1432 = arith.cmpi sgt, %iota3A_1431, %iota3A_1430 : vector<128x128xi32>
    %jit3A_1433 = arith.constant 0.000000e+00 : f32
    %broadcast_in_dim3A_1434 = vector.broadcast %jit3A_1433 : f32 to vector<128x128xf32>
    %select_n3A_1435 = arith.select %gt3A_1432, %max3A_1429, %broadcast_in_dim3A_1434 : vector<128x128xi1>, vector<128x128xf32>
    %add3A_1436 = arith.addf %add3A_1422, %select_n3A_1435 : vector<128x128xf32>
    %slice3A_1437 = vector.extract_strided_slice %get3A_1139 {offsets = [7, 0], sizes = [1, 128], strides = [1, 1]} : vector<8x128xf32> to vector<1x128xf32>
    %add3A_1438 = arith.constant 1.000000e-01 : f32
    %add3A_1439 = vector.broadcast %add3A_1438 : f32 to vector<1x128xf32>
    %add3A_1440 = arith.addf %slice3A_1437, %add3A_1439 : vector<1x128xf32>
    %slice3A_1441 = vector.extract_strided_slice %transpose3A_1140 {offsets = [0, 0], sizes = [128, 1], strides = [1, 1]} : vector<128x8xf32> to vector<128x1xf32>
    %sub3A_1442 = vector.broadcast %add3A_1440 : vector<1x128xf32> to vector<128x128xf32>
    %sub3A_1443 = vector.broadcast %slice3A_1441 : vector<128x1xf32> to vector<128x128xf32>
    %sub3A_1444 = arith.subf %sub3A_1442, %sub3A_1443 : vector<128x128xf32>
    %max3A_1445 = arith.constant 0.000000e+00 : f32
    %max3A_1446 = vector.broadcast %max3A_1445 : f32 to vector<128x128xf32>
    %max3A_1447 = arith.maximumf %sub3A_1444, %max3A_1446 : vector<128x128xf32>
    %add3A_1448 = arith.addf %add3A_1436, %max3A_1447 : vector<128x128xf32>
    %slice3A_1449 = vector.extract_strided_slice %transpose3A_1140 {offsets = [0, 1], sizes = [128, 1], strides = [1, 1]} : vector<128x8xf32> to vector<128x1xf32>
    %sub3A_1450 = vector.broadcast %add3A_1440 : vector<1x128xf32> to vector<128x128xf32>
    %sub3A_1451 = vector.broadcast %slice3A_1449 : vector<128x1xf32> to vector<128x128xf32>
    %sub3A_1452 = arith.subf %sub3A_1450, %sub3A_1451 : vector<128x128xf32>
    %max3A_1453 = arith.constant 0.000000e+00 : f32
    %max3A_1454 = vector.broadcast %max3A_1453 : f32 to vector<128x128xf32>
    %max3A_1455 = arith.maximumf %sub3A_1452, %max3A_1454 : vector<128x128xf32>
    %add3A_1456 = arith.addf %add3A_1448, %max3A_1455 : vector<128x128xf32>
    %slice3A_1457 = vector.extract_strided_slice %transpose3A_1140 {offsets = [0, 2], sizes = [128, 1], strides = [1, 1]} : vector<128x8xf32> to vector<128x1xf32>
    %sub3A_1458 = vector.broadcast %add3A_1440 : vector<1x128xf32> to vector<128x128xf32>
    %sub3A_1459 = vector.broadcast %slice3A_1457 : vector<128x1xf32> to vector<128x128xf32>
    %sub3A_1460 = arith.subf %sub3A_1458, %sub3A_1459 : vector<128x128xf32>
    %max3A_1461 = arith.constant 0.000000e+00 : f32
    %max3A_1462 = vector.broadcast %max3A_1461 : f32 to vector<128x128xf32>
    %max3A_1463 = arith.maximumf %sub3A_1460, %max3A_1462 : vector<128x128xf32>
    %add3A_1464 = arith.addf %add3A_1456, %max3A_1463 : vector<128x128xf32>
    %slice3A_1465 = vector.extract_strided_slice %transpose3A_1140 {offsets = [0, 3], sizes = [128, 1], strides = [1, 1]} : vector<128x8xf32> to vector<128x1xf32>
    %sub3A_1466 = vector.broadcast %add3A_1440 : vector<1x128xf32> to vector<128x128xf32>
    %sub3A_1467 = vector.broadcast %slice3A_1465 : vector<128x1xf32> to vector<128x128xf32>
    %sub3A_1468 = arith.subf %sub3A_1466, %sub3A_1467 : vector<128x128xf32>
    %max3A_1469 = arith.constant 0.000000e+00 : f32
    %max3A_1470 = vector.broadcast %max3A_1469 : f32 to vector<128x128xf32>
    %max3A_1471 = arith.maximumf %sub3A_1468, %max3A_1470 : vector<128x128xf32>
    %add3A_1472 = arith.addf %add3A_1464, %max3A_1471 : vector<128x128xf32>
    %slice3A_1473 = vector.extract_strided_slice %transpose3A_1140 {offsets = [0, 4], sizes = [128, 1], strides = [1, 1]} : vector<128x8xf32> to vector<128x1xf32>
    %sub3A_1474 = vector.broadcast %add3A_1440 : vector<1x128xf32> to vector<128x128xf32>
    %sub3A_1475 = vector.broadcast %slice3A_1473 : vector<128x1xf32> to vector<128x128xf32>
    %sub3A_1476 = arith.subf %sub3A_1474, %sub3A_1475 : vector<128x128xf32>
    %max3A_1477 = arith.constant 0.000000e+00 : f32
    %max3A_1478 = vector.broadcast %max3A_1477 : f32 to vector<128x128xf32>
    %max3A_1479 = arith.maximumf %sub3A_1476, %max3A_1478 : vector<128x128xf32>
    %add3A_1480 = arith.addf %add3A_1472, %max3A_1479 : vector<128x128xf32>
    %slice3A_1481 = vector.extract_strided_slice %transpose3A_1140 {offsets = [0, 5], sizes = [128, 1], strides = [1, 1]} : vector<128x8xf32> to vector<128x1xf32>
    %sub3A_1482 = vector.broadcast %add3A_1440 : vector<1x128xf32> to vector<128x128xf32>
    %sub3A_1483 = vector.broadcast %slice3A_1481 : vector<128x1xf32> to vector<128x128xf32>
    %sub3A_1484 = arith.subf %sub3A_1482, %sub3A_1483 : vector<128x128xf32>
    %max3A_1485 = arith.constant 0.000000e+00 : f32
    %max3A_1486 = vector.broadcast %max3A_1485 : f32 to vector<128x128xf32>
    %max3A_1487 = arith.maximumf %sub3A_1484, %max3A_1486 : vector<128x128xf32>
    %add3A_1488 = arith.addf %add3A_1480, %max3A_1487 : vector<128x128xf32>
    %slice3A_1489 = vector.extract_strided_slice %transpose3A_1140 {offsets = [0, 6], sizes = [128, 1], strides = [1, 1]} : vector<128x8xf32> to vector<128x1xf32>
    %sub3A_1490 = vector.broadcast %add3A_1440 : vector<1x128xf32> to vector<128x128xf32>
    %sub3A_1491 = vector.broadcast %slice3A_1489 : vector<128x1xf32> to vector<128x128xf32>
    %sub3A_1492 = arith.subf %sub3A_1490, %sub3A_1491 : vector<128x128xf32>
    %max3A_1493 = arith.constant 0.000000e+00 : f32
    %max3A_1494 = vector.broadcast %max3A_1493 : f32 to vector<128x128xf32>
    %max3A_1495 = arith.maximumf %sub3A_1492, %max3A_1494 : vector<128x128xf32>
    %add3A_1496 = arith.addf %add3A_1488, %max3A_1495 : vector<128x128xf32>
    %slice3A_1497 = vector.extract_strided_slice %transpose3A_1140 {offsets = [0, 7], sizes = [128, 1], strides = [1, 1]} : vector<128x8xf32> to vector<128x1xf32>
    %sub3A_1498 = vector.broadcast %add3A_1440 : vector<1x128xf32> to vector<128x128xf32>
    %sub3A_1499 = vector.broadcast %slice3A_1497 : vector<128x1xf32> to vector<128x128xf32>
    %sub3A_1500 = arith.subf %sub3A_1498, %sub3A_1499 : vector<128x128xf32>
    %max3A_1501 = arith.constant 0.000000e+00 : f32
    %max3A_1502 = vector.broadcast %max3A_1501 : f32 to vector<128x128xf32>
    %max3A_1503 = arith.maximumf %sub3A_1500, %max3A_1502 : vector<128x128xf32>
    %iota3A_1504 = tpu.iota {dimensions = array<i32: 0>} : vector<128x128xi32>
    %iota3A_1505 = tpu.iota {dimensions = array<i32: 1>} : vector<128x128xi32>
    %gt3A_1506 = arith.cmpi sgt, %iota3A_1505, %iota3A_1504 : vector<128x128xi32>
    %jit3A_1507 = arith.constant 0.000000e+00 : f32
    %broadcast_in_dim3A_1508 = vector.broadcast %jit3A_1507 : f32 to vector<128x128xf32>
    %select_n3A_1509 = arith.select %gt3A_1506, %max3A_1503, %broadcast_in_dim3A_1508 : vector<128x128xi1>, vector<128x128xf32>
    %add3A_1510 = arith.addf %add3A_1496, %select_n3A_1509 : vector<128x128xf32>
    %reduce_sum3A_1511 = vector.shape_cast %add3A_1510 : vector<128x128xf32> to vector<1x128x128xf32>
    %reduce_sum3A_1512 = arith.constant dense<0.000000e+00> : vector<1xf32>
    %reduce_sum3A_1513 = vector.multi_reduction <add>, %reduce_sum3A_1511, %reduce_sum3A_1512 [1, 2] : vector<1x128x128xf32> to vector<1xf32>
    %reduce_sum3A_1514 = vector.shape_cast %reduce_sum3A_1513 : vector<1xf32> to vector<1x1x1xf32>
    %reduce_sum3A_1515 = vector.extract %reduce_sum3A_1514[0, 0, 0] : f32 from vector<1x1x1xf32>
    %add3A_1516 = arith.addf %add3A_1134, %reduce_sum3A_1515 : f32
    %eq3A = arith.constant 0 : i32
    %eq3A_1517 = arith.cmpi eq, %arg0, %eq3A : i32
    %convert_element_type3A = arith.extui %eq3A_1517 : i1 to i32
    %cond3A = arith.constant 0 : i32
    %cond3A_1518 = arith.cmpi ne, %convert_element_type3A, %cond3A : i32
    scf.if %cond3A_1518 {
      %broadcast_in_dim3A_1525 = arith.constant 0.000000e+00 : f32
      %broadcast_in_dim3A_1526 = vector.broadcast %broadcast_in_dim3A_1525 : f32 to vector<1x1xf32>
      %swap3A_1527 = arith.constant 0 : index
      %swap3A_1528 = arith.constant 0 : index
      %swap3A_1529 = vector.load %arg2[%swap3A_1527, %swap3A_1528] : memref<1x1xf32, #tpu.memory_space<vmem>>, vector<1x1xf32>
      tpu.vector_store %arg2[%swap3A_1527, %swap3A_1528], %broadcast_in_dim3A_1526 {strides = array<i32>} : memref<1x1xf32, #tpu.memory_space<vmem>>, vector<1x1xf32>,
    } else {
    }
    %get3A_1519 = arith.constant 0 : index
    %get3A_1520 = arith.constant 0 : index
    %get3A_1521 = vector.load %arg2[%get3A_1519, %get3A_1520] : memref<1x1xf32, #tpu.memory_space<vmem>>, vector<1x1xf32>
    %reshape3A = vector.broadcast %add3A_1516 : f32 to vector<1x1xf32>
    %add3A_1522 = arith.addf %get3A_1521, %reshape3A : vector<1x1xf32>
    %swap3A = arith.constant 0 : index
    %swap3A_1523 = arith.constant 0 : index
    %swap3A_1524 = vector.load %arg2[%swap3A, %swap3A_1523] : memref<1x1xf32, #tpu.memory_space<vmem>>, vector<1x1xf32>
    tpu.vector_store %arg2[%swap3A, %swap3A_1523], %add3A_1522 {strides = array<i32>} : memref<1x1xf32, #tpu.memory_space<vmem>>, vector<1x1xf32>,
    return
  }
  func.func @transform_0(%arg0: i32) -> (i32, i32, i32) {
    %c0_i32 = arith.constant 0 : i32
    %c0_i32_0 = arith.constant 0 : i32
    %c0_i32_1 = arith.constant 0 : i32
    return %arg0, %c0_i32, %c0_i32_0 : i32, i32, i32
  }
  func.func @transform_1(%arg0: i32) -> (i32, i32) {
    %c0_i32 = arith.constant 0 : i32
    %c0_i32_0 = arith.constant 0 : i32
    %c0_i32_1 = arith.constant 0 : i32
    return %c0_i32, %c0_i32_0 : i32, i32
  }
}

</mosaic_0001>

<sc_bundles>
// kernel: kernel.4.cloned.1.call-start
scs
__scs_entry_jumppad:
0x0: {  	(pc) =	sbr.rel $0x88, $3  }
0x1: {  	(tag) =	ssettag $0x0;
	lr =	simm.s32 $0x1  }
0x2: {  	[smem:$0x3F9E] =	sst lr;
	_ =	strace $0xD0000000  }
0x3: {  	_ = 	snop  }
0x4: {  	_ = 	snop  }
0x5: {  	_ = 	snop  }
0x6: {  	_ = 	snop  }
0x7: {  	_ = 	snop  }
__scs_overlays_trampoline_lowered:
0x8: {  	[smem:$0x3FAD] =	sst s0  }
0x9: {  	[smem:$0x3FAE] =	sst s1  }
0xa: {  	[smem:$0x3FAF] =	sst s2  }
0xb: {  	[smem:$0x3FB0] =	sst s3  }
0xc: {  	[smem:$0x3FB1] =	sst s4  }
0xd: {  	[smem:$0x3FB2] =	sst s5  }
0xe: {  	[smem:$0x3FB3] =	sst s6  }
0xf: {  	[smem:$0x3FB4] =	sst s7  }
0x10: {  	[smem:$0x3FB5] =	sst s8  }
0x11: {  	[smem:$0x3FB6] =	sst s9;
	s0 =	simm.s32 @!p0 $0x0  }
0x12: {  	s1 =	sld [smem:$0x3F9C];
	s0 =	simm.s32 @p0 $0x1  }
0x13: {  	[smem:$0x3FB7] =	sst s0;
	s0 =	simm.s32 @!p1 $0x0  }
0x14: {  	s2 =	sld [smem:$0x3F9B];
	s0 =	simm.s32 @p1 $0x1  }
0x15: {  	[smem:$0x3FB8] =	sst s0;
	s0 =	simm.s32 @!p2 $0x0  }
0x16: {  	s3 =	sld [smem:$0x3FDB];
	s0 =	simm.s32 @p2 $0x1  }
0x17: {  	s4 =	simm.s32 $0x1BF5;
	[smem:$0x3FBA] =	sst s0  }
0x18: {  	s0 =	sld [smem:$0x3F9D];
	_ =	swait.ge [sflag:s4], $0x0  }
0x19: {  	s7 =	sld [smem:$0x3F9E]  }
0x1a: {  	s8 =	sadd.s32 $0xFFFFE003, lr  }
0x1b: {  	s9 =	sadd.s32 $0xFFFFFEF7, lr;
	s5 =	simm.s32 $0xFFFFFFFF;
	p2 =	slt.u32 s8, $0xFFFFF086  }
0x1c: {  	p1 =	slt.u32 s9, $0xF7A;
	s5 =	simm.s32 @!p2 $0x0  }
0x1d: {  	s5 =	simm.s32 @p1 $0x1;
	p0 =	seq.s32 s7, s2  }
0x1e: {  	s7 =	smul.u32 @!p0 $0xF7A, s2;
	p2 =	seq.s32 @!p0 s5, $0x0  }
0x1f: {  	s9 =	smul.u32 $0xF7A, s1;
	s8 =	simm.s32 @!p0 $0x1BF5;
	p2 =	por !p2, p0  }
0x20: {  	[sflag:s8] =	ssyncset.s32 @!p0 $0xFFFFF086;
	s6 =	sadd.s32 @!p0 s3, s7;
	s7 =	simm.s32 @!p0 $0x108  }
0x21: {  	s3 =	sadd.s32 s3, s9;
	s6 =	sadd.s32 @!p0 $0x88, s6;
	s7 =	simm.s32 @p2 $0x1082  }
0x22: {  	[simem:s7], [sflag:s8] =	dma.local @!p0 [hbm:s6], $0xF7A  }
0x23: {  	s9 =	sor.u32 $0xD0000000, s2;
	s6 =	simm.s32 $0x108;
	_ =	swait.ge @!p0 [sflag:s8], $0x0  }
0x24: {  	s3 =	sadd.s32 $0x88, s3;
	s6 =	simm.s32 @!p1 $0x1082;
	[sflag:s4] =	ssyncset.s32 $0xFFFFF086  }
0x25: {  	[simem:s6], [sflag:s4] =	dma.local [hbm:s3], $0xF7A  }
0x26: {  	[smem:$0x3F9E] =	sst s1;
	(tag) =	ssettag s2;
	_ =	strace s9  }
0x27: {  	s1 =	sld [smem:$0x3FAE]  }
0x28: {  	s2 =	sld [smem:$0x3FAF]  }
0x29: {  	s4 =	sld [smem:$0x3FB1]  }
0x2a: {  	p0 =	seq.s32 s5, $0x0;
	s5 =	sld [smem:$0x3FB2]  }
0x2b: {  	s6 =	sld [smem:$0x3FB3]  }
0x2c: {  	s7 =	sld [smem:$0x3FB4]  }
0x2d: {  	s3 =	simm.s32 $0x108;
	s8 =	sld [smem:$0x3FB5]  }
0x2e: {  	s3 =	simm.s32 @!p0 $0x1082;
	s9 =	sld [smem:$0x3FB6]  }
0x2f: {  	lr =	sadd.s32 s0, s3;
	s0 =	sld [smem:$0x3FAD]  }
0x30: {  	s3 =	sld [smem:$0x3FB0]  }
0x31: {  	[smem:$0x3FB9] =	sst s10  }
0x32: {  	s10 =	sld [smem:$0x3FB7];
	_ =	sdelay $0x3  }
0x33: {  	p0 =	seq.s32 s10, $0x1;
	s10 =	sld [smem:$0x3FB9];
	_ =	sdelay $0x3  }
0x34: {  	[smem:$0x3FB9] =	sst s10  }
0x35: {  	s10 =	sld [smem:$0x3FB8];
	_ =	sdelay $0x3  }
0x36: {  	p1 =	seq.s32 s10, $0x1;
	s10 =	sld [smem:$0x3FB9];
	_ =	sdelay $0x3  }
0x37: {  	[smem:$0x3FB9] =	sst s10  }
0x38: {  	s10 =	sld [smem:$0x3FBA]  }
0x39: {  	_ = 	snop;
	(pc) =	sbr.ind lr, $3  }
0x3a: {  	_ = 	snop  }
0x3b: {  	_ = 	snop  }
0x3c: {  	p2 =	seq.s32 s10, $0x1;
	s10 =	sld [smem:$0x3FB9]  }
0x3d: {  	_ =	shalt  }
0x3e: {  	_ =	shalt  }
0x3f: {  	_ =	shalt  }
0x40: {  	_ =	shalt  }
0x41: {  	_ =	shalt  }
0x42: {  	_ =	shalt  }
0x43: {  	_ =	shalt  }
0x44: {  	_ =	shalt  }
0x45: {  	_ =	shalt  }
0x46: {  	_ =	shalt  }
0x47: {  	_ =	shalt  }
0x48: {  	_ =	shalt  }
0x49: {  	_ =	shalt  }
0x4a: {  	_ =	shalt  }
0x4b: {  	_ =	shalt  }
0x4c: {  	_ =	shalt  }
0x4d: {  	_ =	shalt  }
0x4e: {  	_ =	shalt  }
0x4f: {  	_ =	shalt  }
0x50: {  	_ =	shalt  }
0x51: {  	_ =	shalt  }
0x52: {  	_ =	shalt  }
0x53: {  	_ =	shalt  }
0x54: {  	_ =	shalt  }
0x55: {  	_ =	shalt  }
0x56: {  	_ =	shalt  }
0x57: {  	_ =	shalt  }
0x58: {  	_ =	shalt  }
0x59: {  	_ =	shalt  }
0x5a: {  	_ =	shalt  }
0x5b: {  	_ =	shalt  }
0x5c: {  	_ =	shalt  }
0x5d: {  	_ =	shalt  }
0x5e: {  	_ =	shalt  }
0x5f: {  	_ =	shalt  }
0x60: {  	_ =	shalt  }
0x61: {  	_ =	shalt  }
0x62: {  	_ =	shalt  }
0x63: {  	_ =	shalt  }
0x64: {  	_ =	shalt  }
0x65: {  	_ =	shalt  }
0x66: {  	_ =	shalt  }
0x67: {  	_ =	shalt  }
0x68: {  	_ =	shalt  }
0x69: {  	_ =	shalt  }
0x6a: {  	_ =	shalt  }
0x6b: {  	_ =	shalt  }
0x6c: {  	_ =	shalt  }
0x6d: {  	_ =	shalt  }
0x6e: {  	_ =	shalt  }
0x6f: {  	_ =	shalt  }
0x70: {  	_ =	shalt  }
0x71: {  	_ =	shalt  }
0x72: {  	_ =	shalt  }
0x73: {  	_ =	shalt  }
0x74: {  	_ =	shalt  }
0x75: {  	_ =	shalt  }
0x76: {  	_ =	shalt  }
0x77: {  	_ =	shalt  }
0x78: {  	_ =	shalt  }
0x79: {  	_ =	shalt  }
0x7a: {  	_ =	shalt  }
0x7b: {  	_ =	shalt  }
0x7c: {  	_ =	shalt  }
0x7d: {  	_ =	shalt  }
0x7e: {  	_ =	shalt  }
0x7f: {  	_ =	shalt  }
0x80: {  	_ =	shalt  }
0x81: {  	_ =	shalt  }
0x82: {  	_ =	shalt  }
0x83: {  	_ =	shalt  }
0x84: {  	_ =	shalt  }
0x85: {  	_ =	shalt  }
0x86: {  	_ =	shalt  }
0x87: {  	_ =	shalt  }
.Lfunc_end0:
.L_simem_size_0:
called_computation_lowered:
.L_overlay_start_0:
0x88: {  	s0 =	sld [smem:$0x3FD9]  }
0x89: {  	s1 =	sld [smem:$0x3FFE];
	_ =	sdelay $0x3  }
0x8a: {  	s0 =	sadd.s32 s1, s0  }
0x8b: {  	[smem:$0x3FC5] =	sst s0  }
0x8c: {  	_ = 	snop  }
0x8d: {  	s0 =	sld [smem:$0x3FC9]  }
0x8e: {  	s16 =	sld [smem:$0x3FC8]  }
0x8f: {  	s2 =	sld [smem:$0x3FC7];
	(tm) =	ssettm $0x1  }
0x90: {  	s3 =	sld [smem:$0x3FFB];
	_ =	sdelay $0x3  }
0x91: {  	_ =	strace s3  }
0x92: {  	s3 =	sld [smem:$0x3FFC];
	_ =	sdelay $0x3  }
0x93: {  	_ =	strace s3  }
0x94: {  	s3 =	sld [smem:$0x3FFD];
	_ =	sdelay $0x3  }
0x95: {  	_ =	strace s3  }
0x96: {  	_ =	strace $0x8FFFFFFF  }
0x97: {  	s17 =	sld [smem:$0x3FDB];
	_ =	sdelay $0x1  }
0x98: {  	s4 =	simm.s32 $_scs_section_size  }
0x99: {  	s5 =	simm.s32 $_size__tile_overlayer_lowered;
	s6 =	simm.s32 $_tile_overlayer_lowered  }
0x9a: {  	s20 =	simm.s32 $0x1BFF;
	s19 =	sshll.u32 s6, $0x1;
	s3 =	sadd.s32 s4, s17  }
0x9b: {  	s7 =	simm.s32 $0x0;
	s18 =	sshll.u32 s5, $0x1;
	s5 =	sadd.s32 s19, s3  }
0x9c: {  	[timem:s7], [sflag:s20] =	dma.local [hbm:s5], s18  }
0x9d: {  	_ =	swait.ge [sflag:s20], s18  }
0x9e: {  	s4 =	ssub.s32 $0x0, s18;
	[sflag:s20] =	ssyncset.done $0x0  }
0x9f: {  	[sflag:s20] =	ssyncadd.s32 s4;
	_ =	sdelay $0x1  }
0xa0: {  	s21 =	simm.s32 $0x1B8B  }
0xa1: {  	_ =	swait.ge [sflag:s21], $0x1  }
0xa2: {  	[sflag:s21] =	ssyncset.done $0x0  }
0xa3: {  	s23 =	simm.s32 $0x1B8E;
	s22 =	sld [smem:$0x3FFE];
	[sflag:s21] =	ssyncadd.s32 $0xFFFFFFFF  }
0xa4: {  	s24 =	simm.s32 $execute0_lowered;
	[smem:$0x3FD2] =	sst s23  }
0xa5: {  	s5 =	sshll.u32 s24, $0x1;
	_ =	strace $0x80000046;
	[dreg:$0x1] =	wrdreg $0xFFFFFFFF  }
0xa6: {  	s25 =	simm.s32 $_size_execute0_lowered;
	s3 =	sadd.s32 s3, s5;
	[dreg:$0x0] =	wrdreg $0x0  }
0xa7: {  	s5 =	sshll.u32 s25, $0x1;
	[dreg:$0x2] =	wrdreg s3  }
0xa8: {  	[dreg:$0x3] =	wrdreg s5  }
0xa9: {  	[dreg:$0x4] =	wrdreg $0xC0  }
0xaa: {  	_ =	task [dreg:s7], $0x5FFFF  }
0xab: {  	[dreg:$0x1] =	wrdreg $0xFFFFFFFF  }
0xac: {  	[dreg:$0x0] =	wrdreg $0x60  }
0xad: {  	[dreg:$0x2] =	wrdreg s0  }
0xae: {  	[dreg:$0x3] =	wrdreg s16  }
0xaf: {  	[dreg:$0x4] =	wrdreg s2  }
0xb0: {  	[dreg:$0x5] =	wrdreg s22  }
0xb1: {  	[dreg:$0x6] =	wrdreg $0x9  }
0xb2: {  	_ =	task.clear_ibuf [dreg:s7], $0x7FFFF;
	_ =	strace $0x90000046  }
0xb3: {  	s26 =	simm.s32 $0x9;
	_ =	strace $0x80000048  }
0xb4: {  	_ =	swait.ge [sflag:s26], $0x1  }
0xb5: {  	[sflag:s26] =	ssyncadd.s32 $0xFFFFFFFF  }
0xb6: {  	_ =	strace $0x90000048  }
0xb7: {  	_ =	sfence  }
0xb8: {  	s28 =	sld [smem:$0x0];
	_ =	sdelay $0x1  }
0xb9: {  	s29 =	srdreg.scid  }
0xba: {  	s30 =	sshll.u32 s29, $0xD;
	s31 =	sshrl.u32 s29, $0x2  }
0xbb: {  	s1 =	sand.u32 $0x1, s29;
	s2 =	sand.u32 $0x4000, s30;
	s0 =	sadd.s32 s31, s28  }
0xbc: {  	s1 =	sor.u32 s2, s1;
	s0 =	sshll.u32 s0, $0x11  }
0xbd: {  	s0 =	sor.u32 s0, s1  }
0xbe: {  	s0 =	sadd.s32 $0x8F2B, s0  }
0xbf: {  	[sflag:s0] =	ssyncadd.remote.s32 $0x1  }
0xc0: {  	_ =	sfence.sel $0xFFFF  }
0xc1: {  	[dreg:$0x0] =	wrdreg $0xFFFFFFFF;
	(pc) =	sbr.abs _section_cstart, $3  }
0xc2: {  	[dreg:$0x1] =	wrdreg $0xFFFFFFFF  }
0xc3: {  	_ =	task.clear_ibuf [dreg:s7], $0x2FFFF;
	_ =	strace $0x9FFFFFFF  }
0xc4: {  	(tm) =	ssettm $0x7FFFFFFF  }
0xc5: {  	_ =	shalt  }
tec
execute0_lowered:
.L_overlay_start_1:
0x0: {  	(tag) =	ssettag $0x1  }
0x1: {  	s1 =	rddreg [dreg:$0x0]  }
0x2: {  	s5 =	rddreg [dreg:$0x1]  }
0x3: {  	s6 =	rddreg [dreg:$0x2]  }
0x4: {  	s4 =	rddreg [dreg:$0x3];
	s2 =	simm.s32 $0x0  }
0x5: {  	[smem:$0x7FF] =	sst s2  }
0x6: {  	s0 =	rddreg [dreg:$0x4];
	s3 =	simm.s32 $0x1;
	_ =	strace $0x80000047  }
0x7: {  	[tilespmem:s2], [sflag:$0x1] =	stream.linear.gather [hbm4b:s1+s2], $0x4000, $0x38;
	[tilespmem:$0x4900] =	vst v63  }
0x8: {  	s24 =	stileid.u32;
	_ =	swait.ge [sflag:s3], $0x4000  }
0x9: {  	s8 =	simm.s32 $0x4000;
	s28 =	simm.s32 $0x80;
	[sflag:s3] =	ssyncset.done $0x0  }
0xa: {  	s29 =	simm.s32 $0x400;
	s7 =	sshll.u32 s24, $0x4;
	[sflag:s3] =	ssyncadd.s32 $0xFFFFC000  }
0xb: {  	[tilespmem:s8], [sflag:$0x1] =	stream.linear.gather [hbm4b:s5+s2], $0x80, $0x38;
	[tilespmem:$0x4900] =	vst v63  }
0xc: {  	s25 =	sshll.u32 s24, $0x7;
	s7 =	sand.u32 $0x70, s7;
	_ =	swait.ge [sflag:s3], $0x80  }
0xd: {  	s26 =	sand.u32 $0x400, s25;
	s6 =	sadd.s32 s6, s7;
	[sflag:s3] =	ssyncset.done $0x0  }
0xe: {  	s9 =	simm.s32 $0x4100;
	v0 =	vimm.s32 $0xFEDCBA98;
	s6 =	sadd.s32 s26, s6;
	[sflag:s3] =	ssyncadd.s32 $0xFFFFFF80  }
0xf: {  	v1 =	vimm.s32 $0x76543210;
	v0 =	vunpack.c.l.s4.s8 v0;
	[tilespmem:s9], [sflag:$0x1] =	stream.strided.gather [hbm4b:s6+s28], $0x400, s29, s28, $0x38;
	[tilespmem:$0x4900] =	vst v63  }
0x10: {  	v1 =	vunpack.c.l.s4.s8 v1;
	_ =	swait.ge [sflag:s3], $0x400  }
0x11: {  	v0 =	vunpack.c.0.s8.s32 v0;
	[sflag:s3] =	ssyncset.done $0x0  }
0x12: {  	v1 =	vunpack.c.0.s8.s32 v1;
	[sflag:s3] =	ssyncadd.s32 $0xFFFFFC00  }
0x13: {  	v0 =	vand.u32 $0xF, v0;
	v2 =	vld [tilespmem:$0x4000]  }
0x14: {  	v0 =	vcombine.low v0, v1  }
0x15: {  	v3 =	vimm.s32 $0xBA98FEDC;
	v4 =	vimm.s32 $0x32107654;
	v5 =	vlaneseq.u32  }
0x16: {  	v43 =	vmov s24;
	v3 =	vunpack.c.l.s4.s8 v3;
	v4 =	vunpack.c.l.s4.s8 v4  }
0x17: {  	vm0 =	vgt.u32 v43, v5  }
0x18: {  	v44 =	vunpack.c.0.s8.s32 v3;
	v45 =	vunpack.c.0.s8.s32 v4;
	v1 =	vnsel vm0, $0x0, v2  }
0x19: {  	s30 =	simm.s32 $0x4080;
	[tilespmem:$0x4080] =	vst v1  }
0x1a: {  	v2 =	vcombine.low v45, v44;
	v0 =	vld.idx.msk [tilespmem:v0+s30+$0x0], $0xffff;
	_ =	sdelay $0x1  }
0x1b: {  	v46 =	vimm.s32 $0xDCFE98BA;
	v47 =	vimm.s32 $0x54761032;
	v2 =	vand.u32 $0xF, v2  }
0x1c: {  	v3 =	vunpack.c.l.s4.s8 v46;
	v4 =	vunpack.c.l.s4.s8 v47;
	_ =	sdelay $0x1  }
0x1d: {  	v48 =	vunpack.c.0.s8.s32 v3;
	v49 =	vunpack.c.0.s8.s32 v4;
	v0 =	vadd.s32 v1, v0  }
0x1e: {  	[tilespmem:$0x4080] =	vst v0  }
0x1f: {  	v1 =	vcombine.low v49, v48;
	v2 =	vld.idx.msk [tilespmem:v2+s30+$0x0], $0xffff;
	_ =	sdelay $0x1  }
0x20: {  	v50 =	vimm.s32 $0xEFCDAB89;
	v51 =	vimm.s32 $0x67452301;
	v1 =	vand.u32 $0xF, v1  }
0x21: {  	v3 =	vunpack.c.l.s4.s8 v50;
	v4 =	vunpack.c.l.s4.s8 v51;
	_ =	sdelay $0x1  }
0x22: {  	v52 =	vunpack.c.0.s8.s32 v3;
	v53 =	vunpack.c.0.s8.s32 v4;
	v0 =	vadd.s32 v0, v2  }
0x23: {  	[tilespmem:$0x4080] =	vst v0  }
0x24: {  	v2 =	vcombine.low v53, v52;
	v1 =	vld.idx.msk [tilespmem:v1+s30+$0x0], $0xffff;
	_ =	sdelay $0x1  }
0x25: {  	v2 =	vand.u32 $0xF, v2;
	_ =	sdelay $0x2  }
0x26: {  	v0 =	vadd.s32 v0, v1  }
0x27: {  	[tilespmem:$0x4080] =	vst v0  }
0x28: {  	v54 =	vld.idx.msk [tilespmem:v2+s30+$0x0], $0xffff  }
0x29: {  	v55 =	vld [tilespmem:$0x4100];
	_ =	sdelay $0x3  }
0x2a: {  	v0 =	vadd.s32 v0, v54  }
0x2b: {  	v1 =	vadd.s32 v0, v55  }
0x2c: {  	v56 =	vld [tilespmem:$0x4110];
	_ =	sdelay $0x3  }
0x2d: {  	v1 =	vld.idx.msk [tilespmem:v1+s2+$0x0], $0xffff  }
0x2e: {  	v2 =	vadd.s32 v0, v56  }
0x2f: {  	v57 =	vld [tilespmem:$0x4120];
	_ =	sdelay $0x2  }
0x30: {  	[tilespmem:$0x4500] =	vst v1  }
0x31: {  	v1 =	vld.idx.msk [tilespmem:v2+s2+$0x0], $0xffff  }
0x32: {  	v58 =	vadd.s32 v0, v57  }
0x33: {  	v59 =	vld [tilespmem:$0x4130];
	_ =	sdelay $0x2  }
0x34: {  	[tilespmem:$0x4510] =	vst v1  }
0x35: {  	v1 =	vld.idx.msk [tilespmem:v58+s2+$0x0], $0xffff  }
0x36: {  	v60 =	vadd.s32 v0, v59  }
0x37: {  	v61 =	vld [tilespmem:$0x4140];
	_ =	sdelay $0x2  }
0x38: {  	[tilespmem:$0x4520] =	vst v1  }
0x39: {  	v1 =	vld.idx.msk [tilespmem:v60+s2+$0x0], $0xffff  }
0x3a: {  	v62 =	vadd.s32 v0, v61  }
0x3b: {  	v63 =	vld [tilespmem:$0x4150];
	_ =	sdelay $0x2  }
0x3c: {  	[tilespmem:$0x4530] =	vst v1  }
0x3d: {  	v1 =	vld.idx.msk [tilespmem:v62+s2+$0x0], $0xffff  }
0x3e: {  	v6 =	vadd.s32 v0, v63  }
0x3f: {  	v7 =	vld [tilespmem:$0x4160];
	_ =	sdelay $0x2  }
0x40: {  	[tilespmem:$0x4540] =	vst v1  }
0x41: {  	v1 =	vld.idx.msk [tilespmem:v6+s2+$0x0], $0xffff  }
0x42: {  	v8 =	vadd.s32 v0, v7  }
0x43: {  	v9 =	vld [tilespmem:$0x4170];
	_ =	sdelay $0x2  }
0x44: {  	[tilespmem:$0x4550] =	vst v1  }
0x45: {  	v1 =	vld.idx.msk [tilespmem:v8+s2+$0x0], $0xffff  }
0x46: {  	v10 =	vadd.s32 v0, v9  }
0x47: {  	v11 =	vld [tilespmem:$0x4180];
	_ =	sdelay $0x2  }
0x48: {  	[tilespmem:$0x4560] =	vst v1  }
0x49: {  	v1 =	vld.idx.msk [tilespmem:v10+s2+$0x0], $0xffff  }
0x4a: {  	v12 =	vadd.s32 v0, v11  }
0x4b: {  	v13 =	vld [tilespmem:$0x4190];
	_ =	sdelay $0x2  }
0x4c: {  	[tilespmem:$0x4570] =	vst v1  }
0x4d: {  	v1 =	vld.idx.msk [tilespmem:v12+s2+$0x0], $0xffff  }
0x4e: {  	v14 =	vadd.s32 v0, v13  }
0x4f: {  	v15 =	vld [tilespmem:$0x41A0];
	_ =	sdelay $0x2  }
0x50: {  	[tilespmem:$0x4580] =	vst v1  }
0x51: {  	v1 =	vld.idx.msk [tilespmem:v14+s2+$0x0], $0xffff  }
0x52: {  	v16 =	vadd.s32 v0, v15  }
0x53: {  	v17 =	vld [tilespmem:$0x41B0];
	_ =	sdelay $0x2  }
0x54: {  	[tilespmem:$0x4590] =	vst v1  }
0x55: {  	v1 =	vld.idx.msk [tilespmem:v16+s2+$0x0], $0xffff  }
0x56: {  	v18 =	vadd.s32 v0, v17  }
0x57: {  	v19 =	vld [tilespmem:$0x41C0];
	_ =	sdelay $0x2  }
0x58: {  	[tilespmem:$0x45A0] =	vst v1  }
0x59: {  	v1 =	vld.idx.msk [tilespmem:v18+s2+$0x0], $0xffff  }
0x5a: {  	v20 =	vadd.s32 v0, v19  }
0x5b: {  	v21 =	vld [tilespmem:$0x41D0];
	_ =	sdelay $0x2  }
0x5c: {  	[tilespmem:$0x45B0] =	vst v1  }
0x5d: {  	v1 =	vld.idx.msk [tilespmem:v20+s2+$0x0], $0xffff  }
0x5e: {  	v22 =	vadd.s32 v0, v21  }
0x5f: {  	v23 =	vld [tilespmem:$0x41E0];
	_ =	sdelay $0x2  }
0x60: {  	[tilespmem:$0x45C0] =	vst v1  }
0x61: {  	v1 =	vld.idx.msk [tilespmem:v22+s2+$0x0], $0xffff  }
0x62: {  	v24 =	vadd.s32 v0, v23  }
0x63: {  	v25 =	vld [tilespmem:$0x41F0];
	_ =	sdelay $0x2  }
0x64: {  	[tilespmem:$0x45D0] =	vst v1  }
0x65: {  	v1 =	vld.idx.msk [tilespmem:v24+s2+$0x0], $0xffff  }
0x66: {  	v26 =	vadd.s32 v0, v25  }
0x67: {  	v27 =	vld [tilespmem:$0x4200];
	_ =	sdelay $0x2  }
0x68: {  	[tilespmem:$0x45E0] =	vst v1  }
0x69: {  	v1 =	vld.idx.msk [tilespmem:v26+s2+$0x0], $0xffff  }
0x6a: {  	v28 =	vadd.s32 v0, v27  }
0x6b: {  	v29 =	vld [tilespmem:$0x4210];
	_ =	sdelay $0x2  }
0x6c: {  	[tilespmem:$0x45F0] =	vst v1  }
0x6d: {  	v1 =	vld.idx.msk [tilespmem:v28+s2+$0x0], $0xffff  }
0x6e: {  	v30 =	vadd.s32 v0, v29  }
0x6f: {  	v31 =	vld [tilespmem:$0x4220];
	_ =	sdelay $0x2  }
0x70: {  	[tilespmem:$0x4600] =	vst v1  }
0x71: {  	v1 =	vld.idx.msk [tilespmem:v30+s2+$0x0], $0xffff  }
0x72: {  	v32 =	vadd.s32 v0, v31  }
0x73: {  	v33 =	vld [tilespmem:$0x4230];
	_ =	sdelay $0x2  }
0x74: {  	[tilespmem:$0x4610] =	vst v1  }
0x75: {  	v1 =	vld.idx.msk [tilespmem:v32+s2+$0x0], $0xffff  }
0x76: {  	v34 =	vadd.s32 v0, v33  }
0x77: {  	v35 =	vld [tilespmem:$0x4240];
	_ =	sdelay $0x2  }
0x78: {  	[tilespmem:$0x4620] =	vst v1  }
0x79: {  	v1 =	vld.idx.msk [tilespmem:v34+s2+$0x0], $0xffff  }
0x7a: {  	v36 =	vadd.s32 v0, v35  }
0x7b: {  	v37 =	vld [tilespmem:$0x4250];
	_ =	sdelay $0x2  }
0x7c: {  	[tilespmem:$0x4630] =	vst v1  }
0x7d: {  	v1 =	vld.idx.msk [tilespmem:v36+s2+$0x0], $0xffff  }
0x7e: {  	v38 =	vadd.s32 v0, v37  }
0x7f: {  	v39 =	vld [tilespmem:$0x4260];
	_ =	sdelay $0x2  }
0x80: {  	[tilespmem:$0x4640] =	vst v1  }
0x81: {  	v1 =	vld.idx.msk [tilespmem:v38+s2+$0x0], $0xffff  }
0x82: {  	v40 =	vadd.s32 v0, v39  }
0x83: {  	v41 =	vld [tilespmem:$0x4270];
	_ =	sdelay $0x2  }
0x84: {  	[tilespmem:$0x4650] =	vst v1  }
0x85: {  	v1 =	vld.idx.msk [tilespmem:v40+s2+$0x0], $0xffff  }
0x86: {  	v42 =	vadd.s32 v0, v41  }
0x87: {  	v43 =	vld [tilespmem:$0x4280];
	_ =	sdelay $0x2  }
0x88: {  	[tilespmem:$0x4660] =	vst v1  }
0x89: {  	v1 =	vld.idx.msk [tilespmem:v42+s2+$0x0], $0xffff  }
0x8a: {  	v44 =	vadd.s32 v0, v43  }
0x8b: {  	v45 =	vld [tilespmem:$0x4290];
	_ =	sdelay $0x2  }
0x8c: {  	[tilespmem:$0x4670] =	vst v1  }
0x8d: {  	v1 =	vld.idx.msk [tilespmem:v44+s2+$0x0], $0xffff  }
0x8e: {  	v46 =	vadd.s32 v0, v45  }
0x8f: {  	v47 =	vld [tilespmem:$0x42A0];
	_ =	sdelay $0x2  }
0x90: {  	[tilespmem:$0x4680] =	vst v1  }
0x91: {  	v1 =	vld.idx.msk [tilespmem:v46+s2+$0x0], $0xffff  }
0x92: {  	v48 =	vadd.s32 v0, v47  }
0x93: {  	v49 =	vld [tilespmem:$0x42B0];
	_ =	sdelay $0x2  }
0x94: {  	[tilespmem:$0x4690] =	vst v1  }
0x95: {  	v1 =	vld.idx.msk [tilespmem:v48+s2+$0x0], $0xffff  }
0x96: {  	v50 =	vadd.s32 v0, v49  }
0x97: {  	v51 =	vld [tilespmem:$0x42C0];
	_ =	sdelay $0x2  }
0x98: {  	[tilespmem:$0x46A0] =	vst v1  }
0x99: {  	v1 =	vld.idx.msk [tilespmem:v50+s2+$0x0], $0xffff  }
0x9a: {  	v52 =	vadd.s32 v0, v51  }
0x9b: {  	v53 =	vld [tilespmem:$0x42D0];
	_ =	sdelay $0x2  }
0x9c: {  	[tilespmem:$0x46B0] =	vst v1  }
0x9d: {  	v1 =	vld.idx.msk [tilespmem:v52+s2+$0x0], $0xffff  }
0x9e: {  	v54 =	vadd.s32 v0, v53  }
0x9f: {  	v55 =	vld [tilespmem:$0x42E0];
	_ =	sdelay $0x2  }
0xa0: {  	[tilespmem:$0x46C0] =	vst v1  }
0xa1: {  	v1 =	vld.idx.msk [tilespmem:v54+s2+$0x0], $0xffff  }
0xa2: {  	v56 =	vadd.s32 v0, v55  }
0xa3: {  	v57 =	vld [tilespmem:$0x42F0];
	_ =	sdelay $0x2  }
0xa4: {  	[tilespmem:$0x46D0] =	vst v1  }
0xa5: {  	v1 =	vld.idx.msk [tilespmem:v56+s2+$0x0], $0xffff  }
0xa6: {  	v58 =	vadd.s32 v0, v57  }
0xa7: {  	v59 =	vld [tilespmem:$0x4300];
	_ =	sdelay $0x2  }
0xa8: {  	[tilespmem:$0x46E0] =	vst v1  }
0xa9: {  	v1 =	vld.idx.msk [tilespmem:v58+s2+$0x0], $0xffff  }
0xaa: {  	v60 =	vadd.s32 v0, v59  }
0xab: {  	v61 =	vld [tilespmem:$0x4310];
	_ =	sdelay $0x2  }
0xac: {  	[tilespmem:$0x46F0] =	vst v1  }
0xad: {  	v1 =	vld.idx.msk [tilespmem:v60+s2+$0x0], $0xffff  }
0xae: {  	v62 =	vadd.s32 v0, v61  }
0xaf: {  	v63 =	vld [tilespmem:$0x4320];
	_ =	sdelay $0x2  }
0xb0: {  	[tilespmem:$0x4700] =	vst v1  }
0xb1: {  	v1 =	vld.idx.msk [tilespmem:v62+s2+$0x0], $0xffff  }
0xb2: {  	v6 =	vadd.s32 v0, v63  }
0xb3: {  	v7 =	vld [tilespmem:$0x4330];
	_ =	sdelay $0x2  }
0xb4: {  	[tilespmem:$0x4710] =	vst v1  }
0xb5: {  	v1 =	vld.idx.msk [tilespmem:v6+s2+$0x0], $0xffff  }
0xb6: {  	v8 =	vadd.s32 v0, v7  }
0xb7: {  	v9 =	vld [tilespmem:$0x4340];
	_ =	sdelay $0x2  }
0xb8: {  	[tilespmem:$0x4720] =	vst v1  }
0xb9: {  	v1 =	vld.idx.msk [tilespmem:v8+s2+$0x0], $0xffff  }
0xba: {  	v10 =	vadd.s32 v0, v9  }
0xbb: {  	v11 =	vld [tilespmem:$0x4350];
	_ =	sdelay $0x2  }
0xbc: {  	[tilespmem:$0x4730] =	vst v1  }
0xbd: {  	v1 =	vld.idx.msk [tilespmem:v10+s2+$0x0], $0xffff  }
0xbe: {  	v12 =	vadd.s32 v0, v11  }
0xbf: {  	v13 =	vld [tilespmem:$0x4360];
	_ =	sdelay $0x2  }
0xc0: {  	[tilespmem:$0x4740] =	vst v1  }
0xc1: {  	v1 =	vld.idx.msk [tilespmem:v12+s2+$0x0], $0xffff  }
0xc2: {  	v14 =	vadd.s32 v0, v13  }
0xc3: {  	v15 =	vld [tilespmem:$0x4370];
	_ =	sdelay $0x2  }
0xc4: {  	[tilespmem:$0x4750] =	vst v1  }
0xc5: {  	v1 =	vld.idx.msk [tilespmem:v14+s2+$0x0], $0xffff  }
0xc6: {  	v16 =	vadd.s32 v0, v15  }
0xc7: {  	v17 =	vld [tilespmem:$0x4380];
	_ =	sdelay $0x2  }
0xc8: {  	[tilespmem:$0x4760] =	vst v1  }
0xc9: {  	v1 =	vld.idx.msk [tilespmem:v16+s2+$0x0], $0xffff  }
0xca: {  	v18 =	vadd.s32 v0, v17  }
0xcb: {  	v19 =	vld [tilespmem:$0x4390];
	_ =	sdelay $0x2  }
0xcc: {  	[tilespmem:$0x4770] =	vst v1  }
0xcd: {  	v1 =	vld.idx.msk [tilespmem:v18+s2+$0x0], $0xffff  }
0xce: {  	v20 =	vadd.s32 v0, v19  }
0xcf: {  	v21 =	vld [tilespmem:$0x43A0];
	_ =	sdelay $0x2  }
0xd0: {  	[tilespmem:$0x4780] =	vst v1  }
0xd1: {  	v1 =	vld.idx.msk [tilespmem:v20+s2+$0x0], $0xffff  }
0xd2: {  	v22 =	vadd.s32 v0, v21  }
0xd3: {  	v23 =	vld [tilespmem:$0x43B0];
	_ =	sdelay $0x2  }
0xd4: {  	[tilespmem:$0x4790] =	vst v1  }
0xd5: {  	v1 =	vld.idx.msk [tilespmem:v22+s2+$0x0], $0xffff  }
0xd6: {  	v24 =	vadd.s32 v0, v23  }
0xd7: {  	v25 =	vld [tilespmem:$0x43C0];
	_ =	sdelay $0x2  }
0xd8: {  	[tilespmem:$0x47A0] =	vst v1  }
0xd9: {  	v1 =	vld.idx.msk [tilespmem:v24+s2+$0x0], $0xffff  }
0xda: {  	v26 =	vadd.s32 v0, v25  }
0xdb: {  	v27 =	vld [tilespmem:$0x43D0];
	_ =	sdelay $0x2  }
0xdc: {  	[tilespmem:$0x47B0] =	vst v1  }
0xdd: {  	v1 =	vld.idx.msk [tilespmem:v26+s2+$0x0], $0xffff  }
0xde: {  	v28 =	vadd.s32 v0, v27  }
0xdf: {  	v29 =	vld [tilespmem:$0x43E0];
	_ =	sdelay $0x2  }
0xe0: {  	[tilespmem:$0x47C0] =	vst v1  }
0xe1: {  	v1 =	vld.idx.msk [tilespmem:v28+s2+$0x0], $0xffff  }
0xe2: {  	v30 =	vadd.s32 v0, v29  }
0xe3: {  	v31 =	vld [tilespmem:$0x43F0];
	_ =	sdelay $0x2  }
0xe4: {  	[tilespmem:$0x47D0] =	vst v1  }
0xe5: {  	v1 =	vld.idx.msk [tilespmem:v30+s2+$0x0], $0xffff  }
0xe6: {  	v32 =	vadd.s32 v0, v31  }
0xe7: {  	v33 =	vld [tilespmem:$0x4400];
	_ =	sdelay $0x2  }
0xe8: {  	[tilespmem:$0x47E0] =	vst v1  }
0xe9: {  	v1 =	vld.idx.msk [tilespmem:v32+s2+$0x0], $0xffff  }
0xea: {  	v34 =	vadd.s32 v0, v33  }
0xeb: {  	v35 =	vld [tilespmem:$0x4410];
	_ =	sdelay $0x2  }
0xec: {  	[tilespmem:$0x47F0] =	vst v1  }
0xed: {  	v1 =	vld.idx.msk [tilespmem:v34+s2+$0x0], $0xffff  }
0xee: {  	v36 =	vadd.s32 v0, v35  }
0xef: {  	v37 =	vld [tilespmem:$0x4420];
	_ =	sdelay $0x2  }
0xf0: {  	[tilespmem:$0x4800] =	vst v1  }
0xf1: {  	v1 =	vld.idx.msk [tilespmem:v36+s2+$0x0], $0xffff  }
0xf2: {  	v38 =	vadd.s32 v0, v37  }
0xf3: {  	v39 =	vld [tilespmem:$0x4430];
	_ =	sdelay $0x2  }
0xf4: {  	[tilespmem:$0x4810] =	vst v1  }
0xf5: {  	v1 =	vld.idx.msk [tilespmem:v38+s2+$0x0], $0xffff  }
0xf6: {  	v40 =	vadd.s32 v0, v39  }
0xf7: {  	v41 =	vld [tilespmem:$0x4440];
	_ =	sdelay $0x2  }
0xf8: {  	[tilespmem:$0x4820] =	vst v1  }
0xf9: {  	v1 =	vld.idx.msk [tilespmem:v40+s2+$0x0], $0xffff  }
0xfa: {  	v42 =	vadd.s32 v0, v41  }
0xfb: {  	v43 =	vld [tilespmem:$0x4450];
	_ =	sdelay $0x2  }
0xfc: {  	[tilespmem:$0x4830] =	vst v1  }
0xfd: {  	v1 =	vld.idx.msk [tilespmem:v42+s2+$0x0], $0xffff  }
0xfe: {  	v44 =	vadd.s32 v0, v43  }
0xff: {  	v45 =	vld [tilespmem:$0x4460];
	_ =	sdelay $0x2  }
0x100: {  	[tilespmem:$0x4840] =	vst v1  }
0x101: {  	v1 =	vld.idx.msk [tilespmem:v44+s2+$0x0], $0xffff  }
0x102: {  	v46 =	vadd.s32 v0, v45  }
0x103: {  	v47 =	vld [tilespmem:$0x4470];
	_ =	sdelay $0x2  }
0x104: {  	[tilespmem:$0x4850] =	vst v1  }
0x105: {  	v1 =	vld.idx.msk [tilespmem:v46+s2+$0x0], $0xffff  }
0x106: {  	v48 =	vadd.s32 v0, v47  }
0x107: {  	v49 =	vld [tilespmem:$0x4480];
	_ =	sdelay $0x2  }
0x108: {  	[tilespmem:$0x4860] =	vst v1  }
0x109: {  	v1 =	vld.idx.msk [tilespmem:v48+s2+$0x0], $0xffff  }
0x10a: {  	v50 =	vadd.s32 v0, v49  }
0x10b: {  	v51 =	vld [tilespmem:$0x4490];
	_ =	sdelay $0x2  }
0x10c: {  	[tilespmem:$0x4870] =	vst v1  }
0x10d: {  	v1 =	vld.idx.msk [tilespmem:v50+s2+$0x0], $0xffff  }
0x10e: {  	v52 =	vadd.s32 v0, v51  }
0x10f: {  	v53 =	vld [tilespmem:$0x44A0];
	_ =	sdelay $0x2  }
0x110: {  	[tilespmem:$0x4880] =	vst v1  }
0x111: {  	v1 =	vld.idx.msk [tilespmem:v52+s2+$0x0], $0xffff  }
0x112: {  	v54 =	vadd.s32 v0, v53  }
0x113: {  	v55 =	vld [tilespmem:$0x44B0];
	_ =	sdelay $0x2  }
0x114: {  	[tilespmem:$0x4890] =	vst v1  }
0x115: {  	v1 =	vld.idx.msk [tilespmem:v54+s2+$0x0], $0xffff  }
0x116: {  	v56 =	vadd.s32 v0, v55  }
0x117: {  	v57 =	vld [tilespmem:$0x44C0];
	_ =	sdelay $0x2  }
0x118: {  	[tilespmem:$0x48A0] =	vst v1  }
0x119: {  	v1 =	vld.idx.msk [tilespmem:v56+s2+$0x0], $0xffff  }
0x11a: {  	v58 =	vadd.s32 v0, v57  }
0x11b: {  	v59 =	vld [tilespmem:$0x44D0];
	_ =	sdelay $0x2  }
0x11c: {  	[tilespmem:$0x48B0] =	vst v1  }
0x11d: {  	v1 =	vld.idx.msk [tilespmem:v58+s2+$0x0], $0xffff  }
0x11e: {  	v60 =	vadd.s32 v0, v59  }
0x11f: {  	v61 =	vld [tilespmem:$0x44E0];
	_ =	sdelay $0x2  }
0x120: {  	[tilespmem:$0x48C0] =	vst v1  }
0x121: {  	v1 =	vld.idx.msk [tilespmem:v60+s2+$0x0], $0xffff  }
0x122: {  	v62 =	vadd.s32 v0, v61  }
0x123: {  	v63 =	vld [tilespmem:$0x44F0];
	_ =	sdelay $0x2  }
0x124: {  	[tilespmem:$0x48D0] =	vst v1  }
0x125: {  	v1 =	vld.idx.msk [tilespmem:v62+s2+$0x0], $0xffff  }
0x126: {  	v0 =	vadd.s32 v0, v63;
	_ =	sdelay $0x3  }
0x127: {  	[tilespmem:$0x48E0] =	vst v1  }
0x128: {  	v0 =	vld.idx.msk [tilespmem:v0+s2+$0x0], $0xffff;
	_ =	sdelay $0x3  }
0x129: {  	s4 =	sadd.s32 s25, s4  }
0x12a: {  	s31 =	simm.s32 $0x4500;
	s4 =	sadd.s32 $0x600, s4;
	[tilespmem:$0x48F0] =	vst v0  }
0x12b: {  	[hbm4b:s4+s2] =	stream.linear.scatter [tilespmem:s31], [sflag:$0x1], $0x400, $0x38;
	[tilespmem:$0x4900] =	vst v63  }
0x12c: {  	_ =	swait.ge [sflag:s3], $0x400  }
0x12d: {  	[sflag:s3] =	ssyncset.done $0x0  }
0x12e: {  	[sflag:s3] =	ssyncadd.s32 $0xFFFFFC00  }
0x12f: {  	_ =	sfence.sel $0x180000  }
0x130: {  	[bflag:$0x0] =	sbarrier.arrive $0xFFFF  }
0x131: {  	p0 =	sne.s32 s24, $0x0;
	_ =	strace $0x90000047  }
0x132: {  	s0 =	sadd.s32 @!p0 $0x100000, s0;
	[bflag:$0x2] =	sbarrier.arrive $0xFFFF  }
0x133: {  	[sflag:s0] =	ssyncadd.tile.s32 @!p0 $0x1;
	_ =	shalt  }
.Lfunc_end2:
_tile_overlayer_lowered:
.L_overlay_start_2:
0x134: {  	(tag) =	ssettag $0x2  }
0x135: {  	s0 =	rddreg [dreg:$0x0];
	s2 =	stileid.u32  }
0x136: {  	s1 =	rddreg [dreg:$0x1];
	p0 =	sne.s32 s2, $0x0  }
0x137: {  	s3 =	rddreg [dreg:$0x2];
	[bflag:$0x3] =	sbarrier.arrive $0xFFFF;
	s2 =	simm.s32 @!p0 $0x1C01  }
0x138: {  	[timem:s3], [sflag:s2] =	dma.local @!p0 [hbm:s0], s1  }
0x139: {  	s0 =	simm.s32 @!p0 $0x1  }
0x13a: {  	_ =	swait.ge @!p0 [sflag:s0], s1  }
0x13b: {  	s1 =	ssub.s32 @!p0 $0x0, s1;
	[sflag:s0] =	ssyncset.done @!p0 $0x0  }
0x13c: {  	[sflag:s0] =	ssyncadd.s32 @!p0 s1  }
0x13d: {  	[bflag:$0x3] =	sbarrier.arrive $0xFFFF  }
0x13e: {  	_ =	shalt  }

</sc_bundles>
